<compile_context>
chip_gen: v7x
topology: tpu7x:2x2x1
jax: 0.10.2.dev20260603
libtpu: 0.0.44.dev20260713+nightly
codegen_flags: <defaults>
</compile_context>

<pallas_src>
import functools

import jax
import jax.numpy as jnp
from jax import lax
from jax.experimental import pallas as pl
from jax.experimental.pallas import tpu as pltpu
from jax.experimental.pallas import tpu_sc as plsc

BATCH = 16384
D_R, D_S, D_C, D_F = 16, 16, 32, 12
V_R, V_S, V_C = 1000, 100000, 1000000
WIN_S = (V_S // 128) * 128
WIN_C = (V_C // 128) * 128
HWIN = WIN_C // 2
TL_S = V_S - WIN_S
TL_C = V_C - WIN_C
NC, NS, L = 2, 16, 16
RPT = BATCH // NS
CHUNK = 128
NCH = RPT // CHUNK
NBLK = RPT // L

OFF_R, OFF_S, OFF_C, OFF_F, OFF_B = 0, 16, 32, 64, 76
WLEN = 77 * L


@functools.partial(
    pl.kernel,
    out_type=jax.ShapeDtypeStruct((2 * BATCH,), jnp.float32),
    mesh=plsc.VectorSubcoreMesh(core_axis_name="c", subcore_axis_name="s"),
    compiler_params=pltpu.CompilerParams(
        needs_layout_passes=False, use_tc_tiling_on_sc=True),
    scratch_types=[
        pltpu.VMEM((RPT,), jnp.int32),
        pltpu.VMEM((RPT,), jnp.int32),
        pltpu.VMEM((RPT,), jnp.int32),
        pltpu.VMEM((RPT,), jnp.int32),
        pltpu.VMEM((2 * RPT,), jnp.int32),
        pltpu.VMEM((RPT,), jnp.float32),
        pltpu.VMEM((RPT,), jnp.float32),
        pltpu.VMEM((D_R * V_R,), jnp.float32),
        pltpu.VMEM((D_F * RPT,), jnp.float32),
        pltpu.VMEM((D_S * TL_S,), jnp.float32),
        pltpu.VMEM((D_C * TL_C,), jnp.float32),
        pltpu.VMEM((WLEN,), jnp.float32),
        pltpu.VMEM_SHARED((HWIN,), jnp.float32),
        pltpu.VMEM_SHARED((HWIN,), jnp.float32),
        pltpu.SemaphoreType.DMA,
        pltpu.SemaphoreType.DMA,
        pltpu.SemaphoreType.DMA,
    ],
)
def _sc_kernel(region_h, state_h, city_h, feat_t_h, regf_h, statet_h,
               cityt_h, stail_h, ctail_h, w_h, out_h,
               idx_r, idx_s, idx_c, idx_s_cl, idx_c_cl, g_v, out_v,
               reg_cols, feat_cols, stail_v, ctail_v, w_v, col_a, col_b,
               sem, sem_a, sem_b):
    cid = lax.axis_index("c")
    sid = lax.axis_index("s")
    base = pl.multiple_of(sid * RPT, RPT)

    stage = [
        pltpu.async_copy(region_h.at[pl.ds(base, RPT)], idx_r, sem),
        pltpu.async_copy(state_h.at[pl.ds(base, RPT)], idx_s, sem),
        pltpu.async_copy(city_h.at[pl.ds(base, RPT)], idx_c, sem),
        pltpu.async_copy(w_h, w_v, sem),
        pltpu.async_copy(regf_h, reg_cols, sem),
        pltpu.async_copy(stail_h, stail_v, sem),
        pltpu.async_copy(ctail_h, ctail_v, sem),
    ]
    for d in range(D_F):
        stage.append(pltpu.async_copy(
            feat_t_h.at[d, pl.ds(base, RPT)],
            feat_cols.at[pl.ds(d * RPT, RPT)], sem))
    for c in stage:
        c.wait()

    def clamp_blk(i, _):
        sl = pl.ds(i * L, L)
        v_s = idx_s[sl]
        v_c = idx_c[sl]
        idx_s_cl[sl] = jnp.minimum(v_s, WIN_S - 1)
        idx_c_cl[pl.ds(i * L, L)] = jnp.clip(v_c, 0, HWIN - 1)
        idx_c_cl[pl.ds(RPT + i * L, L)] = jnp.clip(v_c - HWIN, 0, HWIN - 1)
        return 0

    lax.fori_loop(0, NBLK, clamp_blk, 0)

    @pl.when(cid == 0)
    def _init0():
        def tile_blk(i, _):
            sl = pl.ds(i * L, L)
            acc = w_v[pl.ds(OFF_B * L, L)]
            for d in range(D_F):
                acc = acc + (feat_cols[pl.ds(d * RPT + i * L, L)]
                             * w_v[pl.ds((OFF_F + d) * L, L)])
            ridx = idx_r[sl]
            for d in range(D_R):
                col = plsc.load_gather(
                    reg_cols, [ridx + jnp.full((L,), d * V_R, jnp.int32)])
                acc = acc + col * w_v[pl.ds((OFF_R + d) * L, L)]
            out_v[sl] = acc
            return 0

        lax.fori_loop(0, NBLK, tile_blk, 0)

    @pl.when(cid == 1)
    def _init1():
        def zero_blk(i, _):
            out_v[pl.ds(i * L, L)] = jnp.zeros((L,), jnp.float32)
            return 0

        lax.fori_loop(0, NBLK, zero_blk, 0)


    def pipeline(nsteps_half, src_slice, gather_compute):

        @pl.when(sid == 0)
        def _prologue():
            src, win = src_slice(0)
            pltpu.async_copy(src, col_a.at[pl.ds(0, win)], sem_a)

        def pair(k, _):
            s0 = 2 * k

            @pl.when(sid == 0)
            def _wait_a():
                src, win = src_slice(s0)
                pltpu.make_async_copy(
                    src, col_a.at[pl.ds(0, win)], sem_a).wait()
            plsc.subcore_barrier()

            @pl.when(sid == 0)
            def _start_b():
                src, win = src_slice(s0 + 1)
                pltpu.async_copy(src, col_b.at[pl.ds(0, win)], sem_b)
            gather_compute(col_a, s0)

            @pl.when(sid == 0)
            def _wait_b():
                src, win = src_slice(s0 + 1)
                pltpu.make_async_copy(
                    src, col_b.at[pl.ds(0, win)], sem_b).wait()
            plsc.subcore_barrier()

            @pl.when(jnp.logical_and(sid == 0, 2 * k + 2 < 2 * nsteps_half))
            def _start_a():
                src, win = src_slice(s0 + 2)
                pltpu.async_copy(src, col_a.at[pl.ds(0, win)], sem_a)
            gather_compute(col_b, s0 + 1)
            return 0

        lax.fori_loop(0, nsteps_half, pair, 0)

    sc0 = cid * (D_S // 2)

    def state_src(s):
        return statet_h.at[sc0 + s, pl.ds(0, WIN_S)], WIN_S

    def state_gc(colbuf, s):
        d = sc0 + s
        cps = [
            pltpu.async_copy(
                colbuf.at[idx_s_cl.at[pl.ds(j * CHUNK, CHUNK)]],
                g_v.at[pl.ds(j * CHUNK, CHUNK)], sem)
            for j in range(NCH)
        ]
        for c in cps:
            c.wait()
        wv = w_v[pl.ds((OFF_S + d) * L, L)]
        tbase = d * TL_S

        def blk(i, _):
            sl = pl.ds(i * L, L)
            v = idx_s[sl]
            tv = plsc.load_gather(
                stail_v, [jnp.maximum(v - WIN_S, 0) + tbase])
            val = jnp.where(v >= WIN_S, tv, g_v[sl])
            out_v[sl] = out_v[sl] + val * wv
            return 0

        lax.fori_loop(0, NBLK, blk, 0)

    pipeline(D_S // 4, state_src, state_gc)

    cc0 = cid * (D_C // 2)

    def city_src(s):
        d = cc0 + s // 2
        h = s % 2
        return cityt_h.at[d, pl.ds(h * HWIN, HWIN)], HWIN

    def city_gc(colbuf, s):
        d = cc0 + s // 2
        h = s % 2
        lo = h * HWIN
        cps = [
            pltpu.async_copy(
                colbuf.at[idx_c_cl.at[pl.ds(h * RPT + j * CHUNK, CHUNK)]],
                g_v.at[pl.ds(j * CHUNK, CHUNK)], sem)
            for j in range(NCH)
        ]
        for c in cps:
            c.wait()
        wv = w_v[pl.ds((OFF_C + d) * L, L)]
        tbase = d * TL_C
        h_f = (h * jnp.ones((), jnp.float32)) * jnp.ones((L,), jnp.float32)

        def blk(i, _):
            sl = pl.ds(i * L, L)
            v = idx_c[sl]
            in_rng = jnp.logical_and(v >= lo, v < lo + HWIN)
            tv = plsc.load_gather(
                ctail_v, [jnp.maximum(v - WIN_C, 0) + tbase])
            zero = jnp.zeros((L,), jnp.float32)
            val = (jnp.where(in_rng, g_v[sl], zero)
                   + jnp.where(v >= WIN_C, tv, zero) * h_f)
            out_v[sl] = out_v[sl] + val * wv
            return 0

        lax.fori_loop(0, NBLK, blk, 0)

    pipeline(D_C // 2, city_src, city_gc)

    pltpu.sync_copy(out_v, out_h.at[pl.ds(cid * BATCH + base, RPT)])


def kernel(region, state, city, features, emb_region, emb_state, emb_city,
           W, b):
    w_flat = jnp.repeat(jnp.concatenate([W[0], b]), L)
    region_flat = emb_region.T.reshape(-1)
    state_tail = emb_state[WIN_S:].T.reshape(-1)
    city_tail = emb_city[WIN_C:].T.reshape(-1)
    partials = _sc_kernel(region.astype(jnp.int32), state.astype(jnp.int32),
                          city.astype(jnp.int32), features.T,
                          region_flat, emb_state.T, emb_city.T,
                          state_tail, city_tail, w_flat)
    return partials[:BATCH] + partials[BATCH:]

# --- scband reference (transcript-rebuilt; emitter-appended) ---
"""Pipeline reference for scband-hierarchical-model-76355928588436 (READ-ONLY COPY).

The authoritative reference and input builder live on the scoring server;
editing this copy changes nothing except your own understanding.
"""

import jax, jax.numpy as jnp
import numpy as np

BATCH = 16384
VOCABS = {"region": 1000, "state": 100000, "city": 1000000}
DIMS = {"region": 16, "state": 16, "city": 32}
N_FEATURES = 12
TOTAL_EMB = sum(DIMS.values())

def setup_inputs(seed: int = 0) -> dict:
    key = jax.random.key(seed)
    ks = jax.random.split(key, 10)
    inp = {}
    inp["region"] = jax.random.randint(ks[0], (BATCH,), 0, VOCABS["region"], dtype=jnp.int64 if jax.config.jax_enable_x64 else jnp.int32)
    inp["state"] = jax.random.randint(ks[1], (BATCH,), 0, VOCABS["state"], dtype=jnp.int64 if jax.config.jax_enable_x64 else jnp.int32)
    inp["city"] = jax.random.randint(ks[2], (BATCH,), 0, VOCABS["city"], dtype=jnp.int64 if jax.config.jax_enable_x64 else jnp.int32)
    inp["features"] = jax.random.normal(ks[3], (BATCH, N_FEATURES), dtype=jnp.float32)
    # learned parameters
    inp["emb_region"] = jax.random.normal(ks[4], (VOCABS["region"], DIMS["region"]), dtype=jnp.float32)
    inp["emb_state"] = jax.random.normal(ks[5], (VOCABS["state"], DIMS["state"]), dtype=jnp.float32)
    inp["emb_city"] = jax.random.normal(ks[6], (VOCABS["city"], DIMS["city"]), dtype=jnp.float32)
    fan_in = TOTAL_EMB + N_FEATURES
    bound = 1.0 / np.sqrt(fan_in)
    inp["W"] = jax.random.uniform(ks[7], (1, fan_in), dtype=jnp.float32, minval=-bound, maxval=bound)
    inp["b"] = jax.random.uniform(ks[8], (1,), dtype=jnp.float32, minval=-bound, maxval=bound)
    return inp

def reference(region, state, city, features, emb_region, emb_state, emb_city, W, b):
    e_region = jnp.take(emb_region, region, axis=0)
    e_state = jnp.take(emb_state, state, axis=0)
    e_city = jnp.take(emb_city, city, axis=0)
    all_embeddings = jnp.concatenate([e_region, e_state, e_city], axis=1)
    combined = jnp.concatenate([all_embeddings, features], axis=1)
    out = combined @ W.T + b
    return jnp.squeeze(out, axis=-1)

if __name__ == "__main__":
    import jax
    _d = setup_inputs()
    print(jax.jit(kernel)(*tuple(_d.values())))

</pallas_src>

<mosaic_0001>
#map = affine_map<(d0, d1) -> (0)>
#map1 = affine_map<(d0, d1) -> (0, 0)>
module attributes {stable_mosaic.version = 14 : i64} {
  func.func @_sc_kernel(%arg0: i32, %arg1: i32, %arg2: memref<16384xi32, #tpu.memory_space<hbm>>, %arg3: memref<16384xi32, #tpu.memory_space<hbm>>, %arg4: memref<16384xi32, #tpu.memory_space<hbm>>, %arg5: memref<12x16384xf32, #tpu.memory_space<hbm>>, %arg6: memref<16000xf32, #tpu.memory_space<hbm>>, %arg7: memref<16x100000xf32, #tpu.memory_space<hbm>>, %arg8: memref<32x1000000xf32, #tpu.memory_space<hbm>>, %arg9: memref<512xf32, #tpu.memory_space<hbm>>, %arg10: memref<2048xf32, #tpu.memory_space<hbm>>, %arg11: memref<1232xf32, #tpu.memory_space<hbm>>, %arg12: memref<32768xf32, #tpu.memory_space<hbm>>, %arg13: memref<1024xi32, #tpu.memory_space<vmem>>, %arg14: memref<1024xi32, #tpu.memory_space<vmem>>, %arg15: memref<1024xi32, #tpu.memory_space<vmem>>, %arg16: memref<1024xi32, #tpu.memory_space<vmem>>, %arg17: memref<2048xi32, #tpu.memory_space<vmem>>, %arg18: memref<1024xf32, #tpu.memory_space<vmem>>, %arg19: memref<1024xf32, #tpu.memory_space<vmem>>, %arg20: memref<16000xf32, #tpu.memory_space<vmem>>, %arg21: memref<12288xf32, #tpu.memory_space<vmem>>, %arg22: memref<512xf32, #tpu.memory_space<vmem>>, %arg23: memref<2048xf32, #tpu.memory_space<vmem>>, %arg24: memref<1232xf32, #tpu.memory_space<vmem>>, %arg25: memref<499968xf32, #tpu.memory_space<vmem_shared>>, %arg26: memref<499968xf32, #tpu.memory_space<vmem_shared>>, %arg27: memref<!tpu.dma_semaphore, #tpu.memory_space<semaphore_mem>>, %arg28: memref<!tpu.dma_semaphore, #tpu.memory_space<semaphore_mem>>, %arg29: memref<!tpu.dma_semaphore, #tpu.memory_space<semaphore_mem>>) attributes {dimension_semantics = [#tpu.dimension_semantics<core_parallel>, #tpu.dimension_semantics<subcore_parallel>], iteration_bounds = array<i64: 2, 16>, scalar_prefetch = 0 : i64, scratch_operands = 17 : i64, tpu.core_type = #tpu.core_type<sc_vector_subcore>, window_params = [{transform_indices = #map}, {transform_indices = #map}, {transform_indices = #map}, {transform_indices = #map1}, {transform_indices = #map}, {transform_indices = #map1}, {transform_indices = #map1}, {transform_indices = #map}, {transform_indices = #map}, {transform_indices = #map}, {transform_indices = #map}]} {
    %mul3A = arith.constant 1024 : i32
    %mul3A_0 = arith.muli %arg1, %mul3A : i32
    %multiple_of3A = tpu.assume_multiple %mul3A_0, 1024 : i32
    %dma_start3A = tpu.memref_slice %arg2[%multiple_of3A] : memref<16384xi32, #tpu.memory_space<hbm>> -> memref<1024xi32, #tpu.memory_space<hbm>>
    %dma_start3A_1 = tpu.memref_slice %arg2[%multiple_of3A] : memref<16384xi32, #tpu.memory_space<hbm>> -> memref<1024xi32, #tpu.memory_space<hbm>>
    tpu.enqueue_dma source(%dma_start3A_1 : memref<1024xi32, #tpu.memory_space<hbm>>) target(%arg13 : memref<1024xi32, #tpu.memory_space<vmem>>) target_semaphore(%arg27 : memref<!tpu.dma_semaphore, #tpu.memory_space<semaphore_mem>>)
    %dma_start3A_2 = tpu.memref_slice %arg3[%multiple_of3A] : memref<16384xi32, #tpu.memory_space<hbm>> -> memref<1024xi32, #tpu.memory_space<hbm>>
    %dma_start3A_3 = tpu.memref_slice %arg3[%multiple_of3A] : memref<16384xi32, #tpu.memory_space<hbm>> -> memref<1024xi32, #tpu.memory_space<hbm>>
    tpu.enqueue_dma source(%dma_start3A_3 : memref<1024xi32, #tpu.memory_space<hbm>>) target(%arg14 : memref<1024xi32, #tpu.memory_space<vmem>>) target_semaphore(%arg27 : memref<!tpu.dma_semaphore, #tpu.memory_space<semaphore_mem>>)
    %dma_start3A_4 = tpu.memref_slice %arg4[%multiple_of3A] : memref<16384xi32, #tpu.memory_space<hbm>> -> memref<1024xi32, #tpu.memory_space<hbm>>
    %dma_start3A_5 = tpu.memref_slice %arg4[%multiple_of3A] : memref<16384xi32, #tpu.memory_space<hbm>> -> memref<1024xi32, #tpu.memory_space<hbm>>
    tpu.enqueue_dma source(%dma_start3A_5 : memref<1024xi32, #tpu.memory_space<hbm>>) target(%arg15 : memref<1024xi32, #tpu.memory_space<vmem>>) target_semaphore(%arg27 : memref<!tpu.dma_semaphore, #tpu.memory_space<semaphore_mem>>)
    tpu.enqueue_dma source(%arg11 : memref<1232xf32, #tpu.memory_space<hbm>>) target(%arg24 : memref<1232xf32, #tpu.memory_space<vmem>>) target_semaphore(%arg27 : memref<!tpu.dma_semaphore, #tpu.memory_space<semaphore_mem>>)
    tpu.enqueue_dma source(%arg6 : memref<16000xf32, #tpu.memory_space<hbm>>) target(%arg20 : memref<16000xf32, #tpu.memory_space<vmem>>) target_semaphore(%arg27 : memref<!tpu.dma_semaphore, #tpu.memory_space<semaphore_mem>>)
    tpu.enqueue_dma source(%arg9 : memref<512xf32, #tpu.memory_space<hbm>>) target(%arg22 : memref<512xf32, #tpu.memory_space<vmem>>) target_semaphore(%arg27 : memref<!tpu.dma_semaphore, #tpu.memory_space<semaphore_mem>>)
    tpu.enqueue_dma source(%arg10 : memref<2048xf32, #tpu.memory_space<hbm>>) target(%arg23 : memref<2048xf32, #tpu.memory_space<vmem>>) target_semaphore(%arg27 : memref<!tpu.dma_semaphore, #tpu.memory_space<semaphore_mem>>)
    %dma_start3A_6 = arith.constant 0 : i32
    %dma_start3A_7 = arith.constant 0 : i32
    %dma_start3A_8 = tpu.memref_slice %arg21[%dma_start3A_7] : memref<12288xf32, #tpu.memory_space<vmem>> -> memref<1024xf32, #tpu.memory_space<vmem>>
    %dma_start3A_9 = tpu.memref_slice %arg5[%dma_start3A_6, %multiple_of3A] : memref<12x16384xf32, #tpu.memory_space<hbm>> -> memref<1x1024xf32, #tpu.memory_space<hbm>>
    %dma_start3A_10 = tpu.memref_squeeze %dma_start3A_9 : memref<1x1024xf32, #tpu.memory_space<hbm>> -> memref<1024xf32, #tpu.memory_space<hbm>>
    %dma_start3A_11 = arith.constant 0 : i32
    %dma_start3A_12 = tpu.memref_slice %arg21[%dma_start3A_11] : memref<12288xf32, #tpu.memory_space<vmem>> -> memref<1024xf32, #tpu.memory_space<vmem>>
    %dma_start3A_13 = tpu.memref_slice %arg5[%dma_start3A_6, %multiple_of3A] : memref<12x16384xf32, #tpu.memory_space<hbm>> -> memref<1x1024xf32, #tpu.memory_space<hbm>>
    %dma_start3A_14 = tpu.memref_squeeze %dma_start3A_13 : memref<1x1024xf32, #tpu.memory_space<hbm>> -> memref<1024xf32, #tpu.memory_space<hbm>>
    tpu.enqueue_dma source(%dma_start3A_14 : memref<1024xf32, #tpu.memory_space<hbm>>) target(%dma_start3A_12 : memref<1024xf32, #tpu.memory_space<vmem>>) target_semaphore(%arg27 : memref<!tpu.dma_semaphore, #tpu.memory_space<semaphore_mem>>)
    %dma_start3A_15 = arith.constant 1 : i32
    %dma_start3A_16 = arith.constant 1024 : i32
    %dma_start3A_17 = tpu.memref_slice %arg21[%dma_start3A_16] : memref<12288xf32, #tpu.memory_space<vmem>> -> memref<1024xf32, #tpu.memory_space<vmem>>
    %dma_start3A_18 = tpu.memref_slice %arg5[%dma_start3A_15, %multiple_of3A] : memref<12x16384xf32, #tpu.memory_space<hbm>> -> memref<1x1024xf32, #tpu.memory_space<hbm>>
    %dma_start3A_19 = tpu.memref_squeeze %dma_start3A_18 : memref<1x1024xf32, #tpu.memory_space<hbm>> -> memref<1024xf32, #tpu.memory_space<hbm>>
    %dma_start3A_20 = arith.constant 1024 : i32
    %dma_start3A_21 = tpu.memref_slice %arg21[%dma_start3A_20] : memref<12288xf32, #tpu.memory_space<vmem>> -> memref<1024xf32, #tpu.memory_space<vmem>>
    %dma_start3A_22 = tpu.memref_slice %arg5[%dma_start3A_15, %multiple_of3A] : memref<12x16384xf32, #tpu.memory_space<hbm>> -> memref<1x1024xf32, #tpu.memory_space<hbm>>
    %dma_start3A_23 = tpu.memref_squeeze %dma_start3A_22 : memref<1x1024xf32, #tpu.memory_space<hbm>> -> memref<1024xf32, #tpu.memory_space<hbm>>
    tpu.enqueue_dma source(%dma_start3A_23 : memref<1024xf32, #tpu.memory_space<hbm>>) target(%dma_start3A_21 : memref<1024xf32, #tpu.memory_space<vmem>>) target_semaphore(%arg27 : memref<!tpu.dma_semaphore, #tpu.memory_space<semaphore_mem>>)
    %dma_start3A_24 = arith.constant 2 : i32
    %dma_start3A_25 = arith.constant 2048 : i32
    %dma_start3A_26 = tpu.memref_slice %arg21[%dma_start3A_25] : memref<12288xf32, #tpu.memory_space<vmem>> -> memref<1024xf32, #tpu.memory_space<vmem>>
    %dma_start3A_27 = tpu.memref_slice %arg5[%dma_start3A_24, %multiple_of3A] : memref<12x16384xf32, #tpu.memory_space<hbm>> -> memref<1x1024xf32, #tpu.memory_space<hbm>>
    %dma_start3A_28 = tpu.memref_squeeze %dma_start3A_27 : memref<1x1024xf32, #tpu.memory_space<hbm>> -> memref<1024xf32, #tpu.memory_space<hbm>>
    %dma_start3A_29 = arith.constant 2048 : i32
    %dma_start3A_30 = tpu.memref_slice %arg21[%dma_start3A_29] : memref<12288xf32, #tpu.memory_space<vmem>> -> memref<1024xf32, #tpu.memory_space<vmem>>
    %dma_start3A_31 = tpu.memref_slice %arg5[%dma_start3A_24, %multiple_of3A] : memref<12x16384xf32, #tpu.memory_space<hbm>> -> memref<1x1024xf32, #tpu.memory_space<hbm>>
    %dma_start3A_32 = tpu.memref_squeeze %dma_start3A_31 : memref<1x1024xf32, #tpu.memory_space<hbm>> -> memref<1024xf32, #tpu.memory_space<hbm>>
    tpu.enqueue_dma source(%dma_start3A_32 : memref<1024xf32, #tpu.memory_space<hbm>>) target(%dma_start3A_30 : memref<1024xf32, #tpu.memory_space<vmem>>) target_semaphore(%arg27 : memref<!tpu.dma_semaphore, #tpu.memory_space<semaphore_mem>>)
    %dma_start3A_33 = arith.constant 3 : i32
    %dma_start3A_34 = arith.constant 3072 : i32
    %dma_start3A_35 = tpu.memref_slice %arg21[%dma_start3A_34] : memref<12288xf32, #tpu.memory_space<vmem>> -> memref<1024xf32, #tpu.memory_space<vmem>>
    %dma_start3A_36 = tpu.memref_slice %arg5[%dma_start3A_33, %multiple_of3A] : memref<12x16384xf32, #tpu.memory_space<hbm>> -> memref<1x1024xf32, #tpu.memory_space<hbm>>
    %dma_start3A_37 = tpu.memref_squeeze %dma_start3A_36 : memref<1x1024xf32, #tpu.memory_space<hbm>> -> memref<1024xf32, #tpu.memory_space<hbm>>
    %dma_start3A_38 = arith.constant 3072 : i32
    %dma_start3A_39 = tpu.memref_slice %arg21[%dma_start3A_38] : memref<12288xf32, #tpu.memory_space<vmem>> -> memref<1024xf32, #tpu.memory_space<vmem>>
    %dma_start3A_40 = tpu.memref_slice %arg5[%dma_start3A_33, %multiple_of3A] : memref<12x16384xf32, #tpu.memory_space<hbm>> -> memref<1x1024xf32, #tpu.memory_space<hbm>>
    %dma_start3A_41 = tpu.memref_squeeze %dma_start3A_40 : memref<1x1024xf32, #tpu.memory_space<hbm>> -> memref<1024xf32, #tpu.memory_space<hbm>>
    tpu.enqueue_dma source(%dma_start3A_41 : memref<1024xf32, #tpu.memory_space<hbm>>) target(%dma_start3A_39 : memref<1024xf32, #tpu.memory_space<vmem>>) target_semaphore(%arg27 : memref<!tpu.dma_semaphore, #tpu.memory_space<semaphore_mem>>)
    %dma_start3A_42 = arith.constant 4 : i32
    %dma_start3A_43 = arith.constant 4096 : i32
    %dma_start3A_44 = tpu.memref_slice %arg21[%dma_start3A_43] : memref<12288xf32, #tpu.memory_space<vmem>> -> memref<1024xf32, #tpu.memory_space<vmem>>
    %dma_start3A_45 = tpu.memref_slice %arg5[%dma_start3A_42, %multiple_of3A] : memref<12x16384xf32, #tpu.memory_space<hbm>> -> memref<1x1024xf32, #tpu.memory_space<hbm>>
    %dma_start3A_46 = tpu.memref_squeeze %dma_start3A_45 : memref<1x1024xf32, #tpu.memory_space<hbm>> -> memref<1024xf32, #tpu.memory_space<hbm>>
    %dma_start3A_47 = arith.constant 4096 : i32
    %dma_start3A_48 = tpu.memref_slice %arg21[%dma_start3A_47] : memref<12288xf32, #tpu.memory_space<vmem>> -> memref<1024xf32, #tpu.memory_space<vmem>>
    %dma_start3A_49 = tpu.memref_slice %arg5[%dma_start3A_42, %multiple_of3A] : memref<12x16384xf32, #tpu.memory_space<hbm>> -> memref<1x1024xf32, #tpu.memory_space<hbm>>
    %dma_start3A_50 = tpu.memref_squeeze %dma_start3A_49 : memref<1x1024xf32, #tpu.memory_space<hbm>> -> memref<1024xf32, #tpu.memory_space<hbm>>
    tpu.enqueue_dma source(%dma_start3A_50 : memref<1024xf32, #tpu.memory_space<hbm>>) target(%dma_start3A_48 : memref<1024xf32, #tpu.memory_space<vmem>>) target_semaphore(%arg27 : memref<!tpu.dma_semaphore, #tpu.memory_space<semaphore_mem>>)
    %dma_start3A_51 = arith.constant 5 : i32
    %dma_start3A_52 = arith.constant 5120 : i32
    %dma_start3A_53 = tpu.memref_slice %arg21[%dma_start3A_52] : memref<12288xf32, #tpu.memory_space<vmem>> -> memref<1024xf32, #tpu.memory_space<vmem>>
    %dma_start3A_54 = tpu.memref_slice %arg5[%dma_start3A_51, %multiple_of3A] : memref<12x16384xf32, #tpu.memory_space<hbm>> -> memref<1x1024xf32, #tpu.memory_space<hbm>>
    %dma_start3A_55 = tpu.memref_squeeze %dma_start3A_54 : memref<1x1024xf32, #tpu.memory_space<hbm>> -> memref<1024xf32, #tpu.memory_space<hbm>>
    %dma_start3A_56 = arith.constant 5120 : i32
    %dma_start3A_57 = tpu.memref_slice %arg21[%dma_start3A_56] : memref<12288xf32, #tpu.memory_space<vmem>> -> memref<1024xf32, #tpu.memory_space<vmem>>
    %dma_start3A_58 = tpu.memref_slice %arg5[%dma_start3A_51, %multiple_of3A] : memref<12x16384xf32, #tpu.memory_space<hbm>> -> memref<1x1024xf32, #tpu.memory_space<hbm>>
    %dma_start3A_59 = tpu.memref_squeeze %dma_start3A_58 : memref<1x1024xf32, #tpu.memory_space<hbm>> -> memref<1024xf32, #tpu.memory_space<hbm>>
    tpu.enqueue_dma source(%dma_start3A_59 : memref<1024xf32, #tpu.memory_space<hbm>>) target(%dma_start3A_57 : memref<1024xf32, #tpu.memory_space<vmem>>) target_semaphore(%arg27 : memref<!tpu.dma_semaphore, #tpu.memory_space<semaphore_mem>>)
    %dma_start3A_60 = arith.constant 6 : i32
    %dma_start3A_61 = arith.constant 6144 : i32
    %dma_start3A_62 = tpu.memref_slice %arg21[%dma_start3A_61] : memref<12288xf32, #tpu.memory_space<vmem>> -> memref<1024xf32, #tpu.memory_space<vmem>>
    %dma_start3A_63 = tpu.memref_slice %arg5[%dma_start3A_60, %multiple_of3A] : memref<12x16384xf32, #tpu.memory_space<hbm>> -> memref<1x1024xf32, #tpu.memory_space<hbm>>
    %dma_start3A_64 = tpu.memref_squeeze %dma_start3A_63 : memref<1x1024xf32, #tpu.memory_space<hbm>> -> memref<1024xf32, #tpu.memory_space<hbm>>
    %dma_start3A_65 = arith.constant 6144 : i32
    %dma_start3A_66 = tpu.memref_slice %arg21[%dma_start3A_65] : memref<12288xf32, #tpu.memory_space<vmem>> -> memref<1024xf32, #tpu.memory_space<vmem>>
    %dma_start3A_67 = tpu.memref_slice %arg5[%dma_start3A_60, %multiple_of3A] : memref<12x16384xf32, #tpu.memory_space<hbm>> -> memref<1x1024xf32, #tpu.memory_space<hbm>>
    %dma_start3A_68 = tpu.memref_squeeze %dma_start3A_67 : memref<1x1024xf32, #tpu.memory_space<hbm>> -> memref<1024xf32, #tpu.memory_space<hbm>>
    tpu.enqueue_dma source(%dma_start3A_68 : memref<1024xf32, #tpu.memory_space<hbm>>) target(%dma_start3A_66 : memref<1024xf32, #tpu.memory_space<vmem>>) target_semaphore(%arg27 : memref<!tpu.dma_semaphore, #tpu.memory_space<semaphore_mem>>)
    %dma_start3A_69 = arith.constant 7 : i32
    %dma_start3A_70 = arith.constant 7168 : i32
    %dma_start3A_71 = tpu.memref_slice %arg21[%dma_start3A_70] : memref<12288xf32, #tpu.memory_space<vmem>> -> memref<1024xf32, #tpu.memory_space<vmem>>
    %dma_start3A_72 = tpu.memref_slice %arg5[%dma_start3A_69, %multiple_of3A] : memref<12x16384xf32, #tpu.memory_space<hbm>> -> memref<1x1024xf32, #tpu.memory_space<hbm>>
    %dma_start3A_73 = tpu.memref_squeeze %dma_start3A_72 : memref<1x1024xf32, #tpu.memory_space<hbm>> -> memref<1024xf32, #tpu.memory_space<hbm>>
    %dma_start3A_74 = arith.constant 7168 : i32
    %dma_start3A_75 = tpu.memref_slice %arg21[%dma_start3A_74] : memref<12288xf32, #tpu.memory_space<vmem>> -> memref<1024xf32, #tpu.memory_space<vmem>>
    %dma_start3A_76 = tpu.memref_slice %arg5[%dma_start3A_69, %multiple_of3A] : memref<12x16384xf32, #tpu.memory_space<hbm>> -> memref<1x1024xf32, #tpu.memory_space<hbm>>
    %dma_start3A_77 = tpu.memref_squeeze %dma_start3A_76 : memref<1x1024xf32, #tpu.memory_space<hbm>> -> memref<1024xf32, #tpu.memory_space<hbm>>
    tpu.enqueue_dma source(%dma_start3A_77 : memref<1024xf32, #tpu.memory_space<hbm>>) target(%dma_start3A_75 : memref<1024xf32, #tpu.memory_space<vmem>>) target_semaphore(%arg27 : memref<!tpu.dma_semaphore, #tpu.memory_space<semaphore_mem>>)
    %dma_start3A_78 = arith.constant 8 : i32
    %dma_start3A_79 = arith.constant 8192 : i32
    %dma_start3A_80 = tpu.memref_slice %arg21[%dma_start3A_79] : memref<12288xf32, #tpu.memory_space<vmem>> -> memref<1024xf32, #tpu.memory_space<vmem>>
    %dma_start3A_81 = tpu.memref_slice %arg5[%dma_start3A_78, %multiple_of3A] : memref<12x16384xf32, #tpu.memory_space<hbm>> -> memref<1x1024xf32, #tpu.memory_space<hbm>>
    %dma_start3A_82 = tpu.memref_squeeze %dma_start3A_81 : memref<1x1024xf32, #tpu.memory_space<hbm>> -> memref<1024xf32, #tpu.memory_space<hbm>>
    %dma_start3A_83 = arith.constant 8192 : i32
    %dma_start3A_84 = tpu.memref_slice %arg21[%dma_start3A_83] : memref<12288xf32, #tpu.memory_space<vmem>> -> memref<1024xf32, #tpu.memory_space<vmem>>
    %dma_start3A_85 = tpu.memref_slice %arg5[%dma_start3A_78, %multiple_of3A] : memref<12x16384xf32, #tpu.memory_space<hbm>> -> memref<1x1024xf32, #tpu.memory_space<hbm>>
    %dma_start3A_86 = tpu.memref_squeeze %dma_start3A_85 : memref<1x1024xf32, #tpu.memory_space<hbm>> -> memref<1024xf32, #tpu.memory_space<hbm>>
    tpu.enqueue_dma source(%dma_start3A_86 : memref<1024xf32, #tpu.memory_space<hbm>>) target(%dma_start3A_84 : memref<1024xf32, #tpu.memory_space<vmem>>) target_semaphore(%arg27 : memref<!tpu.dma_semaphore, #tpu.memory_space<semaphore_mem>>)
    %dma_start3A_87 = arith.constant 9 : i32
    %dma_start3A_88 = arith.constant 9216 : i32
    %dma_start3A_89 = tpu.memref_slice %arg21[%dma_start3A_88] : memref<12288xf32, #tpu.memory_space<vmem>> -> memref<1024xf32, #tpu.memory_space<vmem>>
    %dma_start3A_90 = tpu.memref_slice %arg5[%dma_start3A_87, %multiple_of3A] : memref<12x16384xf32, #tpu.memory_space<hbm>> -> memref<1x1024xf32, #tpu.memory_space<hbm>>
    %dma_start3A_91 = tpu.memref_squeeze %dma_start3A_90 : memref<1x1024xf32, #tpu.memory_space<hbm>> -> memref<1024xf32, #tpu.memory_space<hbm>>
    %dma_start3A_92 = arith.constant 9216 : i32
    %dma_start3A_93 = tpu.memref_slice %arg21[%dma_start3A_92] : memref<12288xf32, #tpu.memory_space<vmem>> -> memref<1024xf32, #tpu.memory_space<vmem>>
    %dma_start3A_94 = tpu.memref_slice %arg5[%dma_start3A_87, %multiple_of3A] : memref<12x16384xf32, #tpu.memory_space<hbm>> -> memref<1x1024xf32, #tpu.memory_space<hbm>>
    %dma_start3A_95 = tpu.memref_squeeze %dma_start3A_94 : memref<1x1024xf32, #tpu.memory_space<hbm>> -> memref<1024xf32, #tpu.memory_space<hbm>>
    tpu.enqueue_dma source(%dma_start3A_95 : memref<1024xf32, #tpu.memory_space<hbm>>) target(%dma_start3A_93 : memref<1024xf32, #tpu.memory_space<vmem>>) target_semaphore(%arg27 : memref<!tpu.dma_semaphore, #tpu.memory_space<semaphore_mem>>)
    %dma_start3A_96 = arith.constant 10 : i32
    %dma_start3A_97 = arith.constant 10240 : i32
    %dma_start3A_98 = tpu.memref_slice %arg21[%dma_start3A_97] : memref<12288xf32, #tpu.memory_space<vmem>> -> memref<1024xf32, #tpu.memory_space<vmem>>
    %dma_start3A_99 = tpu.memref_slice %arg5[%dma_start3A_96, %multiple_of3A] : memref<12x16384xf32, #tpu.memory_space<hbm>> -> memref<1x1024xf32, #tpu.memory_space<hbm>>
    %dma_start3A_100 = tpu.memref_squeeze %dma_start3A_99 : memref<1x1024xf32, #tpu.memory_space<hbm>> -> memref<1024xf32, #tpu.memory_space<hbm>>
    %dma_start3A_101 = arith.constant 10240 : i32
    %dma_start3A_102 = tpu.memref_slice %arg21[%dma_start3A_101] : memref<12288xf32, #tpu.memory_space<vmem>> -> memref<1024xf32, #tpu.memory_space<vmem>>
    %dma_start3A_103 = tpu.memref_slice %arg5[%dma_start3A_96, %multiple_of3A] : memref<12x16384xf32, #tpu.memory_space<hbm>> -> memref<1x1024xf32, #tpu.memory_space<hbm>>
    %dma_start3A_104 = tpu.memref_squeeze %dma_start3A_103 : memref<1x1024xf32, #tpu.memory_space<hbm>> -> memref<1024xf32, #tpu.memory_space<hbm>>
    tpu.enqueue_dma source(%dma_start3A_104 : memref<1024xf32, #tpu.memory_space<hbm>>) target(%dma_start3A_102 : memref<1024xf32, #tpu.memory_space<vmem>>) target_semaphore(%arg27 : memref<!tpu.dma_semaphore, #tpu.memory_space<semaphore_mem>>)
    %dma_start3A_105 = arith.constant 11 : i32
    %dma_start3A_106 = arith.constant 11264 : i32
    %dma_start3A_107 = tpu.memref_slice %arg21[%dma_start3A_106] : memref<12288xf32, #tpu.memory_space<vmem>> -> memref<1024xf32, #tpu.memory_space<vmem>>
    %dma_start3A_108 = tpu.memref_slice %arg5[%dma_start3A_105, %multiple_of3A] : memref<12x16384xf32, #tpu.memory_space<hbm>> -> memref<1x1024xf32, #tpu.memory_space<hbm>>
    %dma_start3A_109 = tpu.memref_squeeze %dma_start3A_108 : memref<1x1024xf32, #tpu.memory_space<hbm>> -> memref<1024xf32, #tpu.memory_space<hbm>>
    %dma_start3A_110 = arith.constant 11264 : i32
    %dma_start3A_111 = tpu.memref_slice %arg21[%dma_start3A_110] : memref<12288xf32, #tpu.memory_space<vmem>> -> memref<1024xf32, #tpu.memory_space<vmem>>
    %dma_start3A_112 = tpu.memref_slice %arg5[%dma_start3A_105, %multiple_of3A] : memref<12x16384xf32, #tpu.memory_space<hbm>> -> memref<1x1024xf32, #tpu.memory_space<hbm>>
    %dma_start3A_113 = tpu.memref_squeeze %dma_start3A_112 : memref<1x1024xf32, #tpu.memory_space<hbm>> -> memref<1024xf32, #tpu.memory_space<hbm>>
    tpu.enqueue_dma source(%dma_start3A_113 : memref<1024xf32, #tpu.memory_space<hbm>>) target(%dma_start3A_111 : memref<1024xf32, #tpu.memory_space<vmem>>) target_semaphore(%arg27 : memref<!tpu.dma_semaphore, #tpu.memory_space<semaphore_mem>>)
    %dma_wait3A = tpu.memref_slice %arg2[%multiple_of3A] : memref<16384xi32, #tpu.memory_space<hbm>> -> memref<1024xi32, #tpu.memory_space<hbm>>
    %dma_wait3A_114 = tpu.memref_slice %arg2[%multiple_of3A] : memref<16384xi32, #tpu.memory_space<hbm>> -> memref<1024xi32, #tpu.memory_space<hbm>>
    tpu.wait_dma2 semaphore(%arg27 : memref<!tpu.dma_semaphore, #tpu.memory_space<semaphore_mem>>) src(%dma_wait3A_114 : memref<1024xi32, #tpu.memory_space<hbm>>) dst(%arg13 : memref<1024xi32, #tpu.memory_space<vmem>>)
    %dma_wait3A_115 = tpu.memref_slice %arg3[%multiple_of3A] : memref<16384xi32, #tpu.memory_space<hbm>> -> memref<1024xi32, #tpu.memory_space<hbm>>
    %dma_wait3A_116 = tpu.memref_slice %arg3[%multiple_of3A] : memref<16384xi32, #tpu.memory_space<hbm>> -> memref<1024xi32, #tpu.memory_space<hbm>>
    tpu.wait_dma2 semaphore(%arg27 : memref<!tpu.dma_semaphore, #tpu.memory_space<semaphore_mem>>) src(%dma_wait3A_116 : memref<1024xi32, #tpu.memory_space<hbm>>) dst(%arg14 : memref<1024xi32, #tpu.memory_space<vmem>>)
    %dma_wait3A_117 = tpu.memref_slice %arg4[%multiple_of3A] : memref<16384xi32, #tpu.memory_space<hbm>> -> memref<1024xi32, #tpu.memory_space<hbm>>
    %dma_wait3A_118 = tpu.memref_slice %arg4[%multiple_of3A] : memref<16384xi32, #tpu.memory_space<hbm>> -> memref<1024xi32, #tpu.memory_space<hbm>>
    tpu.wait_dma2 semaphore(%arg27 : memref<!tpu.dma_semaphore, #tpu.memory_space<semaphore_mem>>) src(%dma_wait3A_118 : memref<1024xi32, #tpu.memory_space<hbm>>) dst(%arg15 : memref<1024xi32, #tpu.memory_space<vmem>>)
    tpu.wait_dma2 semaphore(%arg27 : memref<!tpu.dma_semaphore, #tpu.memory_space<semaphore_mem>>) src(%arg11 : memref<1232xf32, #tpu.memory_space<hbm>>) dst(%arg24 : memref<1232xf32, #tpu.memory_space<vmem>>)
    tpu.wait_dma2 semaphore(%arg27 : memref<!tpu.dma_semaphore, #tpu.memory_space<semaphore_mem>>) src(%arg6 : memref<16000xf32, #tpu.memory_space<hbm>>) dst(%arg20 : memref<16000xf32, #tpu.memory_space<vmem>>)
    tpu.wait_dma2 semaphore(%arg27 : memref<!tpu.dma_semaphore, #tpu.memory_space<semaphore_mem>>) src(%arg9 : memref<512xf32, #tpu.memory_space<hbm>>) dst(%arg22 : memref<512xf32, #tpu.memory_space<vmem>>)
    tpu.wait_dma2 semaphore(%arg27 : memref<!tpu.dma_semaphore, #tpu.memory_space<semaphore_mem>>) src(%arg10 : memref<2048xf32, #tpu.memory_space<hbm>>) dst(%arg23 : memref<2048xf32, #tpu.memory_space<vmem>>)
    %dma_wait3A_119 = arith.constant 0 : i32
    %dma_wait3A_120 = arith.constant 0 : i32
    %dma_wait3A_121 = tpu.memref_slice %arg21[%dma_wait3A_120] : memref<12288xf32, #tpu.memory_space<vmem>> -> memref<1024xf32, #tpu.memory_space<vmem>>
    %dma_wait3A_122 = tpu.memref_slice %arg5[%dma_wait3A_119, %multiple_of3A] : memref<12x16384xf32, #tpu.memory_space<hbm>> -> memref<1x1024xf32, #tpu.memory_space<hbm>>
    %dma_wait3A_123 = tpu.memref_squeeze %dma_wait3A_122 : memref<1x1024xf32, #tpu.memory_space<hbm>> -> memref<1024xf32, #tpu.memory_space<hbm>>
    %dma_wait3A_124 = arith.constant 0 : i32
    %dma_wait3A_125 = tpu.memref_slice %arg21[%dma_wait3A_124] : memref<12288xf32, #tpu.memory_space<vmem>> -> memref<1024xf32, #tpu.memory_space<vmem>>
    %dma_wait3A_126 = tpu.memref_slice %arg5[%dma_wait3A_119, %multiple_of3A] : memref<12x16384xf32, #tpu.memory_space<hbm>> -> memref<1x1024xf32, #tpu.memory_space<hbm>>
    %dma_wait3A_127 = tpu.memref_squeeze %dma_wait3A_126 : memref<1x1024xf32, #tpu.memory_space<hbm>> -> memref<1024xf32, #tpu.memory_space<hbm>>
    tpu.wait_dma2 semaphore(%arg27 : memref<!tpu.dma_semaphore, #tpu.memory_space<semaphore_mem>>) src(%dma_wait3A_127 : memref<1024xf32, #tpu.memory_space<hbm>>) dst(%dma_wait3A_125 : memref<1024xf32, #tpu.memory_space<vmem>>)
    %dma_wait3A_128 = arith.constant 1 : i32
    %dma_wait3A_129 = arith.constant 1024 : i32
    %dma_wait3A_130 = tpu.memref_slice %arg21[%dma_wait3A_129] : memref<12288xf32, #tpu.memory_space<vmem>> -> memref<1024xf32, #tpu.memory_space<vmem>>
    %dma_wait3A_131 = tpu.memref_slice %arg5[%dma_wait3A_128, %multiple_of3A] : memref<12x16384xf32, #tpu.memory_space<hbm>> -> memref<1x1024xf32, #tpu.memory_space<hbm>>
    %dma_wait3A_132 = tpu.memref_squeeze %dma_wait3A_131 : memref<1x1024xf32, #tpu.memory_space<hbm>> -> memref<1024xf32, #tpu.memory_space<hbm>>
    %dma_wait3A_133 = arith.constant 1024 : i32
    %dma_wait3A_134 = tpu.memref_slice %arg21[%dma_wait3A_133] : memref<12288xf32, #tpu.memory_space<vmem>> -> memref<1024xf32, #tpu.memory_space<vmem>>
    %dma_wait3A_135 = tpu.memref_slice %arg5[%dma_wait3A_128, %multiple_of3A] : memref<12x16384xf32, #tpu.memory_space<hbm>> -> memref<1x1024xf32, #tpu.memory_space<hbm>>
    %dma_wait3A_136 = tpu.memref_squeeze %dma_wait3A_135 : memref<1x1024xf32, #tpu.memory_space<hbm>> -> memref<1024xf32, #tpu.memory_space<hbm>>
    tpu.wait_dma2 semaphore(%arg27 : memref<!tpu.dma_semaphore, #tpu.memory_space<semaphore_mem>>) src(%dma_wait3A_136 : memref<1024xf32, #tpu.memory_space<hbm>>) dst(%dma_wait3A_134 : memref<1024xf32, #tpu.memory_space<vmem>>)
    %dma_wait3A_137 = arith.constant 2 : i32
    %dma_wait3A_138 = arith.constant 2048 : i32
    %dma_wait3A_139 = tpu.memref_slice %arg21[%dma_wait3A_138] : memref<12288xf32, #tpu.memory_space<vmem>> -> memref<1024xf32, #tpu.memory_space<vmem>>
    %dma_wait3A_140 = tpu.memref_slice %arg5[%dma_wait3A_137, %multiple_of3A] : memref<12x16384xf32, #tpu.memory_space<hbm>> -> memref<1x1024xf32, #tpu.memory_space<hbm>>
    %dma_wait3A_141 = tpu.memref_squeeze %dma_wait3A_140 : memref<1x1024xf32, #tpu.memory_space<hbm>> -> memref<1024xf32, #tpu.memory_space<hbm>>
    %dma_wait3A_142 = arith.constant 2048 : i32
    %dma_wait3A_143 = tpu.memref_slice %arg21[%dma_wait3A_142] : memref<12288xf32, #tpu.memory_space<vmem>> -> memref<1024xf32, #tpu.memory_space<vmem>>
    %dma_wait3A_144 = tpu.memref_slice %arg5[%dma_wait3A_137, %multiple_of3A] : memref<12x16384xf32, #tpu.memory_space<hbm>> -> memref<1x1024xf32, #tpu.memory_space<hbm>>
    %dma_wait3A_145 = tpu.memref_squeeze %dma_wait3A_144 : memref<1x1024xf32, #tpu.memory_space<hbm>> -> memref<1024xf32, #tpu.memory_space<hbm>>
    tpu.wait_dma2 semaphore(%arg27 : memref<!tpu.dma_semaphore, #tpu.memory_space<semaphore_mem>>) src(%dma_wait3A_145 : memref<1024xf32, #tpu.memory_space<hbm>>) dst(%dma_wait3A_143 : memref<1024xf32, #tpu.memory_space<vmem>>)
    %dma_wait3A_146 = arith.constant 3 : i32
    %dma_wait3A_147 = arith.constant 3072 : i32
    %dma_wait3A_148 = tpu.memref_slice %arg21[%dma_wait3A_147] : memref<12288xf32, #tpu.memory_space<vmem>> -> memref<1024xf32, #tpu.memory_space<vmem>>
    %dma_wait3A_149 = tpu.memref_slice %arg5[%dma_wait3A_146, %multiple_of3A] : memref<12x16384xf32, #tpu.memory_space<hbm>> -> memref<1x1024xf32, #tpu.memory_space<hbm>>
    %dma_wait3A_150 = tpu.memref_squeeze %dma_wait3A_149 : memref<1x1024xf32, #tpu.memory_space<hbm>> -> memref<1024xf32, #tpu.memory_space<hbm>>
    %dma_wait3A_151 = arith.constant 3072 : i32
    %dma_wait3A_152 = tpu.memref_slice %arg21[%dma_wait3A_151] : memref<12288xf32, #tpu.memory_space<vmem>> -> memref<1024xf32, #tpu.memory_space<vmem>>
    %dma_wait3A_153 = tpu.memref_slice %arg5[%dma_wait3A_146, %multiple_of3A] : memref<12x16384xf32, #tpu.memory_space<hbm>> -> memref<1x1024xf32, #tpu.memory_space<hbm>>
    %dma_wait3A_154 = tpu.memref_squeeze %dma_wait3A_153 : memref<1x1024xf32, #tpu.memory_space<hbm>> -> memref<1024xf32, #tpu.memory_space<hbm>>
    tpu.wait_dma2 semaphore(%arg27 : memref<!tpu.dma_semaphore, #tpu.memory_space<semaphore_mem>>) src(%dma_wait3A_154 : memref<1024xf32, #tpu.memory_space<hbm>>) dst(%dma_wait3A_152 : memref<1024xf32, #tpu.memory_space<vmem>>)
    %dma_wait3A_155 = arith.constant 4 : i32
    %dma_wait3A_156 = arith.constant 4096 : i32
    %dma_wait3A_157 = tpu.memref_slice %arg21[%dma_wait3A_156] : memref<12288xf32, #tpu.memory_space<vmem>> -> memref<1024xf32, #tpu.memory_space<vmem>>
    %dma_wait3A_158 = tpu.memref_slice %arg5[%dma_wait3A_155, %multiple_of3A] : memref<12x16384xf32, #tpu.memory_space<hbm>> -> memref<1x1024xf32, #tpu.memory_space<hbm>>
    %dma_wait3A_159 = tpu.memref_squeeze %dma_wait3A_158 : memref<1x1024xf32, #tpu.memory_space<hbm>> -> memref<1024xf32, #tpu.memory_space<hbm>>
    %dma_wait3A_160 = arith.constant 4096 : i32
    %dma_wait3A_161 = tpu.memref_slice %arg21[%dma_wait3A_160] : memref<12288xf32, #tpu.memory_space<vmem>> -> memref<1024xf32, #tpu.memory_space<vmem>>
    %dma_wait3A_162 = tpu.memref_slice %arg5[%dma_wait3A_155, %multiple_of3A] : memref<12x16384xf32, #tpu.memory_space<hbm>> -> memref<1x1024xf32, #tpu.memory_space<hbm>>
    %dma_wait3A_163 = tpu.memref_squeeze %dma_wait3A_162 : memref<1x1024xf32, #tpu.memory_space<hbm>> -> memref<1024xf32, #tpu.memory_space<hbm>>
    tpu.wait_dma2 semaphore(%arg27 : memref<!tpu.dma_semaphore, #tpu.memory_space<semaphore_mem>>) src(%dma_wait3A_163 : memref<1024xf32, #tpu.memory_space<hbm>>) dst(%dma_wait3A_161 : memref<1024xf32, #tpu.memory_space<vmem>>)
    %dma_wait3A_164 = arith.constant 5 : i32
    %dma_wait3A_165 = arith.constant 5120 : i32
    %dma_wait3A_166 = tpu.memref_slice %arg21[%dma_wait3A_165] : memref<12288xf32, #tpu.memory_space<vmem>> -> memref<1024xf32, #tpu.memory_space<vmem>>
    %dma_wait3A_167 = tpu.memref_slice %arg5[%dma_wait3A_164, %multiple_of3A] : memref<12x16384xf32, #tpu.memory_space<hbm>> -> memref<1x1024xf32, #tpu.memory_space<hbm>>
    %dma_wait3A_168 = tpu.memref_squeeze %dma_wait3A_167 : memref<1x1024xf32, #tpu.memory_space<hbm>> -> memref<1024xf32, #tpu.memory_space<hbm>>
    %dma_wait3A_169 = arith.constant 5120 : i32
    %dma_wait3A_170 = tpu.memref_slice %arg21[%dma_wait3A_169] : memref<12288xf32, #tpu.memory_space<vmem>> -> memref<1024xf32, #tpu.memory_space<vmem>>
    %dma_wait3A_171 = tpu.memref_slice %arg5[%dma_wait3A_164, %multiple_of3A] : memref<12x16384xf32, #tpu.memory_space<hbm>> -> memref<1x1024xf32, #tpu.memory_space<hbm>>
    %dma_wait3A_172 = tpu.memref_squeeze %dma_wait3A_171 : memref<1x1024xf32, #tpu.memory_space<hbm>> -> memref<1024xf32, #tpu.memory_space<hbm>>
    tpu.wait_dma2 semaphore(%arg27 : memref<!tpu.dma_semaphore, #tpu.memory_space<semaphore_mem>>) src(%dma_wait3A_172 : memref<1024xf32, #tpu.memory_space<hbm>>) dst(%dma_wait3A_170 : memref<1024xf32, #tpu.memory_space<vmem>>)
    %dma_wait3A_173 = arith.constant 6 : i32
    %dma_wait3A_174 = arith.constant 6144 : i32
    %dma_wait3A_175 = tpu.memref_slice %arg21[%dma_wait3A_174] : memref<12288xf32, #tpu.memory_space<vmem>> -> memref<1024xf32, #tpu.memory_space<vmem>>
    %dma_wait3A_176 = tpu.memref_slice %arg5[%dma_wait3A_173, %multiple_of3A] : memref<12x16384xf32, #tpu.memory_space<hbm>> -> memref<1x1024xf32, #tpu.memory_space<hbm>>
    %dma_wait3A_177 = tpu.memref_squeeze %dma_wait3A_176 : memref<1x1024xf32, #tpu.memory_space<hbm>> -> memref<1024xf32, #tpu.memory_space<hbm>>
    %dma_wait3A_178 = arith.constant 6144 : i32
    %dma_wait3A_179 = tpu.memref_slice %arg21[%dma_wait3A_178] : memref<12288xf32, #tpu.memory_space<vmem>> -> memref<1024xf32, #tpu.memory_space<vmem>>
    %dma_wait3A_180 = tpu.memref_slice %arg5[%dma_wait3A_173, %multiple_of3A] : memref<12x16384xf32, #tpu.memory_space<hbm>> -> memref<1x1024xf32, #tpu.memory_space<hbm>>
    %dma_wait3A_181 = tpu.memref_squeeze %dma_wait3A_180 : memref<1x1024xf32, #tpu.memory_space<hbm>> -> memref<1024xf32, #tpu.memory_space<hbm>>
    tpu.wait_dma2 semaphore(%arg27 : memref<!tpu.dma_semaphore, #tpu.memory_space<semaphore_mem>>) src(%dma_wait3A_181 : memref<1024xf32, #tpu.memory_space<hbm>>) dst(%dma_wait3A_179 : memref<1024xf32, #tpu.memory_space<vmem>>)
    %dma_wait3A_182 = arith.constant 7 : i32
    %dma_wait3A_183 = arith.constant 7168 : i32
    %dma_wait3A_184 = tpu.memref_slice %arg21[%dma_wait3A_183] : memref<12288xf32, #tpu.memory_space<vmem>> -> memref<1024xf32, #tpu.memory_space<vmem>>
    %dma_wait3A_185 = tpu.memref_slice %arg5[%dma_wait3A_182, %multiple_of3A] : memref<12x16384xf32, #tpu.memory_space<hbm>> -> memref<1x1024xf32, #tpu.memory_space<hbm>>
    %dma_wait3A_186 = tpu.memref_squeeze %dma_wait3A_185 : memref<1x1024xf32, #tpu.memory_space<hbm>> -> memref<1024xf32, #tpu.memory_space<hbm>>
    %dma_wait3A_187 = arith.constant 7168 : i32
    %dma_wait3A_188 = tpu.memref_slice %arg21[%dma_wait3A_187] : memref<12288xf32, #tpu.memory_space<vmem>> -> memref<1024xf32, #tpu.memory_space<vmem>>
    %dma_wait3A_189 = tpu.memref_slice %arg5[%dma_wait3A_182, %multiple_of3A] : memref<12x16384xf32, #tpu.memory_space<hbm>> -> memref<1x1024xf32, #tpu.memory_space<hbm>>
    %dma_wait3A_190 = tpu.memref_squeeze %dma_wait3A_189 : memref<1x1024xf32, #tpu.memory_space<hbm>> -> memref<1024xf32, #tpu.memory_space<hbm>>
    tpu.wait_dma2 semaphore(%arg27 : memref<!tpu.dma_semaphore, #tpu.memory_space<semaphore_mem>>) src(%dma_wait3A_190 : memref<1024xf32, #tpu.memory_space<hbm>>) dst(%dma_wait3A_188 : memref<1024xf32, #tpu.memory_space<vmem>>)
    %dma_wait3A_191 = arith.constant 8 : i32
    %dma_wait3A_192 = arith.constant 8192 : i32
    %dma_wait3A_193 = tpu.memref_slice %arg21[%dma_wait3A_192] : memref<12288xf32, #tpu.memory_space<vmem>> -> memref<1024xf32, #tpu.memory_space<vmem>>
    %dma_wait3A_194 = tpu.memref_slice %arg5[%dma_wait3A_191, %multiple_of3A] : memref<12x16384xf32, #tpu.memory_space<hbm>> -> memref<1x1024xf32, #tpu.memory_space<hbm>>
    %dma_wait3A_195 = tpu.memref_squeeze %dma_wait3A_194 : memref<1x1024xf32, #tpu.memory_space<hbm>> -> memref<1024xf32, #tpu.memory_space<hbm>>
    %dma_wait3A_196 = arith.constant 8192 : i32
    %dma_wait3A_197 = tpu.memref_slice %arg21[%dma_wait3A_196] : memref<12288xf32, #tpu.memory_space<vmem>> -> memref<1024xf32, #tpu.memory_space<vmem>>
    %dma_wait3A_198 = tpu.memref_slice %arg5[%dma_wait3A_191, %multiple_of3A] : memref<12x16384xf32, #tpu.memory_space<hbm>> -> memref<1x1024xf32, #tpu.memory_space<hbm>>
    %dma_wait3A_199 = tpu.memref_squeeze %dma_wait3A_198 : memref<1x1024xf32, #tpu.memory_space<hbm>> -> memref<1024xf32, #tpu.memory_space<hbm>>
    tpu.wait_dma2 semaphore(%arg27 : memref<!tpu.dma_semaphore, #tpu.memory_space<semaphore_mem>>) src(%dma_wait3A_199 : memref<1024xf32, #tpu.memory_space<hbm>>) dst(%dma_wait3A_197 : memref<1024xf32, #tpu.memory_space<vmem>>)
    %dma_wait3A_200 = arith.constant 9 : i32
    %dma_wait3A_201 = arith.constant 9216 : i32
    %dma_wait3A_202 = tpu.memref_slice %arg21[%dma_wait3A_201] : memref<12288xf32, #tpu.memory_space<vmem>> -> memref<1024xf32, #tpu.memory_space<vmem>>
    %dma_wait3A_203 = tpu.memref_slice %arg5[%dma_wait3A_200, %multiple_of3A] : memref<12x16384xf32, #tpu.memory_space<hbm>> -> memref<1x1024xf32, #tpu.memory_space<hbm>>
    %dma_wait3A_204 = tpu.memref_squeeze %dma_wait3A_203 : memref<1x1024xf32, #tpu.memory_space<hbm>> -> memref<1024xf32, #tpu.memory_space<hbm>>
    %dma_wait3A_205 = arith.constant 9216 : i32
    %dma_wait3A_206 = tpu.memref_slice %arg21[%dma_wait3A_205] : memref<12288xf32, #tpu.memory_space<vmem>> -> memref<1024xf32, #tpu.memory_space<vmem>>
    %dma_wait3A_207 = tpu.memref_slice %arg5[%dma_wait3A_200, %multiple_of3A] : memref<12x16384xf32, #tpu.memory_space<hbm>> -> memref<1x1024xf32, #tpu.memory_space<hbm>>
    %dma_wait3A_208 = tpu.memref_squeeze %dma_wait3A_207 : memref<1x1024xf32, #tpu.memory_space<hbm>> -> memref<1024xf32, #tpu.memory_space<hbm>>
    tpu.wait_dma2 semaphore(%arg27 : memref<!tpu.dma_semaphore, #tpu.memory_space<semaphore_mem>>) src(%dma_wait3A_208 : memref<1024xf32, #tpu.memory_space<hbm>>) dst(%dma_wait3A_206 : memref<1024xf32, #tpu.memory_space<vmem>>)
    %dma_wait3A_209 = arith.constant 10 : i32
    %dma_wait3A_210 = arith.constant 10240 : i32
    %dma_wait3A_211 = tpu.memref_slice %arg21[%dma_wait3A_210] : memref<12288xf32, #tpu.memory_space<vmem>> -> memref<1024xf32, #tpu.memory_space<vmem>>
    %dma_wait3A_212 = tpu.memref_slice %arg5[%dma_wait3A_209, %multiple_of3A] : memref<12x16384xf32, #tpu.memory_space<hbm>> -> memref<1x1024xf32, #tpu.memory_space<hbm>>
    %dma_wait3A_213 = tpu.memref_squeeze %dma_wait3A_212 : memref<1x1024xf32, #tpu.memory_space<hbm>> -> memref<1024xf32, #tpu.memory_space<hbm>>
    %dma_wait3A_214 = arith.constant 10240 : i32
    %dma_wait3A_215 = tpu.memref_slice %arg21[%dma_wait3A_214] : memref<12288xf32, #tpu.memory_space<vmem>> -> memref<1024xf32, #tpu.memory_space<vmem>>
    %dma_wait3A_216 = tpu.memref_slice %arg5[%dma_wait3A_209, %multiple_of3A] : memref<12x16384xf32, #tpu.memory_space<hbm>> -> memref<1x1024xf32, #tpu.memory_space<hbm>>
    %dma_wait3A_217 = tpu.memref_squeeze %dma_wait3A_216 : memref<1x1024xf32, #tpu.memory_space<hbm>> -> memref<1024xf32, #tpu.memory_space<hbm>>
    tpu.wait_dma2 semaphore(%arg27 : memref<!tpu.dma_semaphore, #tpu.memory_space<semaphore_mem>>) src(%dma_wait3A_217 : memref<1024xf32, #tpu.memory_space<hbm>>) dst(%dma_wait3A_215 : memref<1024xf32, #tpu.memory_space<vmem>>)
    %dma_wait3A_218 = arith.constant 11 : i32
    %dma_wait3A_219 = arith.constant 11264 : i32
    %dma_wait3A_220 = tpu.memref_slice %arg21[%dma_wait3A_219] : memref<12288xf32, #tpu.memory_space<vmem>> -> memref<1024xf32, #tpu.memory_space<vmem>>
    %dma_wait3A_221 = tpu.memref_slice %arg5[%dma_wait3A_218, %multiple_of3A] : memref<12x16384xf32, #tpu.memory_space<hbm>> -> memref<1x1024xf32, #tpu.memory_space<hbm>>
    %dma_wait3A_222 = tpu.memref_squeeze %dma_wait3A_221 : memref<1x1024xf32, #tpu.memory_space<hbm>> -> memref<1024xf32, #tpu.memory_space<hbm>>
    %dma_wait3A_223 = arith.constant 11264 : i32
    %dma_wait3A_224 = tpu.memref_slice %arg21[%dma_wait3A_223] : memref<12288xf32, #tpu.memory_space<vmem>> -> memref<1024xf32, #tpu.memory_space<vmem>>
    %dma_wait3A_225 = tpu.memref_slice %arg5[%dma_wait3A_218, %multiple_of3A] : memref<12x16384xf32, #tpu.memory_space<hbm>> -> memref<1x1024xf32, #tpu.memory_space<hbm>>
    %dma_wait3A_226 = tpu.memref_squeeze %dma_wait3A_225 : memref<1x1024xf32, #tpu.memory_space<hbm>> -> memref<1024xf32, #tpu.memory_space<hbm>>
    tpu.wait_dma2 semaphore(%arg27 : memref<!tpu.dma_semaphore, #tpu.memory_space<semaphore_mem>>) src(%dma_wait3A_226 : memref<1024xf32, #tpu.memory_space<hbm>>) dst(%dma_wait3A_224 : memref<1024xf32, #tpu.memory_space<vmem>>)
    %scan3A = arith.constant 0 : i32
    %scan3A_227 = arith.constant 0 : i32
    %scan3A_228 = arith.constant 64 : i32
    %scan3A_229 = arith.addi %scan3A_227, %scan3A_228 : i32
    %scan3A_230 = arith.constant 1 : i32
    %scan3A_231 = scf.for %scan3A_270 = %scan3A_227 to %scan3A_229 step %scan3A_230 iter_args(%scan3A_271 = %scan3A) -> (i32)  : i32 {
      %mul3A_272 = arith.constant 16 : i32
      %mul3A_273 = arith.muli %scan3A_270, %mul3A_272 : i32
      %get3A = arith.index_cast %mul3A_273 : i32 to index
      %get3A_274 = tpu.vector_load %arg14[%get3A] {strides = array<i32>} : memref<1024xi32, #tpu.memory_space<vmem>>, vector<16xi32>,
      %get3A_275 = arith.index_cast %mul3A_273 : i32 to index
      %get3A_276 = tpu.vector_load %arg15[%get3A_275] {strides = array<i32>} : memref<1024xi32, #tpu.memory_space<vmem>>, vector<16xi32>,
      %min3A = arith.constant 99967 : i32
      %min3A_277 = vector.broadcast %min3A : i32 to vector<16xi32>
      %min3A_278 = arith.minsi %get3A_274, %min3A_277 : vector<16xi32>
      %swap3A = arith.index_cast %mul3A_273 : i32 to index
      %swap3A_279 = tpu.vector_load %arg16[%swap3A] {strides = array<i32>} : memref<1024xi32, #tpu.memory_space<vmem>>, vector<16xi32>,
      tpu.vector_store %arg16[%swap3A], %min3A_278 {strides = array<i32>} : memref<1024xi32, #tpu.memory_space<vmem>>, vector<16xi32>,
      %jit3A = arith.constant 0 : i32
      %jit3A_280 = arith.constant 499967 : i32
      %max3A = vector.broadcast %jit3A : i32 to vector<16xi32>
      %max3A_281 = arith.maxsi %max3A, %get3A_276 : vector<16xi32>
      %min3A_282 = vector.broadcast %jit3A_280 : i32 to vector<16xi32>
      %min3A_283 = arith.minsi %min3A_282, %max3A_281 : vector<16xi32>
      %mul3A_284 = arith.constant 16 : i32
      %mul3A_285 = arith.muli %scan3A_270, %mul3A_284 : i32
      %swap3A_286 = arith.index_cast %mul3A_285 : i32 to index
      %swap3A_287 = tpu.vector_load %arg17[%swap3A_286] {strides = array<i32>} : memref<2048xi32, #tpu.memory_space<vmem>>, vector<16xi32>,
      tpu.vector_store %arg17[%swap3A_286], %min3A_283 {strides = array<i32>} : memref<2048xi32, #tpu.memory_space<vmem>>, vector<16xi32>,
      %sub3A = arith.constant 499968 : i32
      %sub3A_288 = vector.broadcast %sub3A : i32 to vector<16xi32>
      %sub3A_289 = arith.subi %get3A_276, %sub3A_288 : vector<16xi32>
      %jit3A_290 = arith.constant 0 : i32
      %jit3A_291 = arith.constant 499967 : i32
      %max3A_292 = vector.broadcast %jit3A_290 : i32 to vector<16xi32>
      %max3A_293 = arith.maxsi %max3A_292, %sub3A_289 : vector<16xi32>
      %min3A_294 = vector.broadcast %jit3A_291 : i32 to vector<16xi32>
      %min3A_295 = arith.minsi %min3A_294, %max3A_293 : vector<16xi32>
      %mul3A_296 = arith.constant 16 : i32
      %mul3A_297 = arith.muli %scan3A_270, %mul3A_296 : i32
      %add3A_298 = arith.constant 1024 : i32
      %add3A_299 = arith.addi %add3A_298, %mul3A_297 : i32
      %swap3A_300 = arith.index_cast %add3A_299 : i32 to index
      %swap3A_301 = tpu.vector_load %arg17[%swap3A_300] {strides = array<i32>} : memref<2048xi32, #tpu.memory_space<vmem>>, vector<16xi32>,
      tpu.vector_store %arg17[%swap3A_300], %min3A_295 {strides = array<i32>} : memref<2048xi32, #tpu.memory_space<vmem>>, vector<16xi32>,
      %scan3A_302 = arith.constant 0 : i32
      scf.yield %scan3A_302 : i32
    }
    %scan3A_232 = arith.constant 64 : i32
    %eq3A = arith.constant 0 : i32
    %eq3A_233 = arith.cmpi eq, %arg0, %eq3A : i32
    %convert_element_type3A = arith.extui %eq3A_233 : i1 to i32
    %cond3A = arith.constant 0 : i32
    %cond3A_234 = arith.cmpi ne, %convert_element_type3A, %cond3A : i32
    scf.if %cond3A_234 {
      %scan3A_270 = arith.constant 0 : i32
      %scan3A_271 = arith.constant 0 : i32
      %scan3A_272 = arith.constant 64 : i32
      %scan3A_273 = arith.addi %scan3A_271, %scan3A_272 : i32
      %scan3A_274 = arith.constant 1 : i32
      %scan3A_275 = scf.for %scan3A_277 = %scan3A_271 to %scan3A_273 step %scan3A_274 iter_args(%scan3A_278 = %scan3A_270) -> (i32)  : i32 {
        %mul3A_279 = arith.constant 16 : i32
        %mul3A_280 = arith.muli %scan3A_277, %mul3A_279 : i32
        %get3A = arith.constant 1216 : index
        %get3A_281 = tpu.vector_load %arg24[%get3A] {strides = array<i32>} : memref<1232xf32, #tpu.memory_space<vmem>>, vector<16xf32>,
        %mul3A_282 = arith.constant 16 : i32
        %mul3A_283 = arith.muli %scan3A_277, %mul3A_282 : i32
        %add3A_284 = arith.constant 0 : i32
        %add3A_285 = arith.addi %add3A_284, %mul3A_283 : i32
        %get3A_286 = arith.index_cast %add3A_285 : i32 to index
        %get3A_287 = tpu.vector_load %arg21[%get3A_286] {strides = array<i32>} : memref<12288xf32, #tpu.memory_space<vmem>>, vector<16xf32>,
        %get3A_288 = arith.constant 1024 : index
        %get3A_289 = tpu.vector_load %arg24[%get3A_288] {strides = array<i32>} : memref<1232xf32, #tpu.memory_space<vmem>>, vector<16xf32>,
        %mul3A_290 = arith.mulf %get3A_287, %get3A_289 : vector<16xf32>
        %add3A_291 = arith.addf %get3A_281, %mul3A_290 : vector<16xf32>
        %mul3A_292 = arith.constant 16 : i32
        %mul3A_293 = arith.muli %scan3A_277, %mul3A_292 : i32
        %add3A_294 = arith.constant 1024 : i32
        %add3A_295 = arith.addi %add3A_294, %mul3A_293 : i32
        %get3A_296 = arith.index_cast %add3A_295 : i32 to index
        %get3A_297 = tpu.vector_load %arg21[%get3A_296] {strides = array<i32>} : memref<12288xf32, #tpu.memory_space<vmem>>, vector<16xf32>,
        %get3A_298 = arith.constant 1040 : index
        %get3A_299 = tpu.vector_load %arg24[%get3A_298] {strides = array<i32>} : memref<1232xf32, #tpu.memory_space<vmem>>, vector<16xf32>,
        %mul3A_300 = arith.mulf %get3A_297, %get3A_299 : vector<16xf32>
        %add3A_301 = arith.addf %add3A_291, %mul3A_300 : vector<16xf32>
        %mul3A_302 = arith.constant 16 : i32
        %mul3A_303 = arith.muli %scan3A_277, %mul3A_302 : i32
        %add3A_304 = arith.constant 2048 : i32
        %add3A_305 = arith.addi %add3A_304, %mul3A_303 : i32
        %get3A_306 = arith.index_cast %add3A_305 : i32 to index
        %get3A_307 = tpu.vector_load %arg21[%get3A_306] {strides = array<i32>} : memref<12288xf32, #tpu.memory_space<vmem>>, vector<16xf32>,
        %get3A_308 = arith.constant 1056 : index
        %get3A_309 = tpu.vector_load %arg24[%get3A_308] {strides = array<i32>} : memref<1232xf32, #tpu.memory_space<vmem>>, vector<16xf32>,
        %mul3A_310 = arith.mulf %get3A_307, %get3A_309 : vector<16xf32>
        %add3A_311 = arith.addf %add3A_301, %mul3A_310 : vector<16xf32>
        %mul3A_312 = arith.constant 16 : i32
        %mul3A_313 = arith.muli %scan3A_277, %mul3A_312 : i32
        %add3A_314 = arith.constant 3072 : i32
        %add3A_315 = arith.addi %add3A_314, %mul3A_313 : i32
        %get3A_316 = arith.index_cast %add3A_315 : i32 to index
        %get3A_317 = tpu.vector_load %arg21[%get3A_316] {strides = array<i32>} : memref<12288xf32, #tpu.memory_space<vmem>>, vector<16xf32>,
        %get3A_318 = arith.constant 1072 : index
        %get3A_319 = tpu.vector_load %arg24[%get3A_318] {strides = array<i32>} : memref<1232xf32, #tpu.memory_space<vmem>>, vector<16xf32>,
        %mul3A_320 = arith.mulf %get3A_317, %get3A_319 : vector<16xf32>
        %add3A_321 = arith.addf %add3A_311, %mul3A_320 : vector<16xf32>
        %mul3A_322 = arith.constant 16 : i32
        %mul3A_323 = arith.muli %scan3A_277, %mul3A_322 : i32
        %add3A_324 = arith.constant 4096 : i32
        %add3A_325 = arith.addi %add3A_324, %mul3A_323 : i32
        %get3A_326 = arith.index_cast %add3A_325 : i32 to index
        %get3A_327 = tpu.vector_load %arg21[%get3A_326] {strides = array<i32>} : memref<12288xf32, #tpu.memory_space<vmem>>, vector<16xf32>,
        %get3A_328 = arith.constant 1088 : index
        %get3A_329 = tpu.vector_load %arg24[%get3A_328] {strides = array<i32>} : memref<1232xf32, #tpu.memory_space<vmem>>, vector<16xf32>,
        %mul3A_330 = arith.mulf %get3A_327, %get3A_329 : vector<16xf32>
        %add3A_331 = arith.addf %add3A_321, %mul3A_330 : vector<16xf32>
        %mul3A_332 = arith.constant 16 : i32
        %mul3A_333 = arith.muli %scan3A_277, %mul3A_332 : i32
        %add3A_334 = arith.constant 5120 : i32
        %add3A_335 = arith.addi %add3A_334, %mul3A_333 : i32
        %get3A_336 = arith.index_cast %add3A_335 : i32 to index
        %get3A_337 = tpu.vector_load %arg21[%get3A_336] {strides = array<i32>} : memref<12288xf32, #tpu.memory_space<vmem>>, vector<16xf32>,
        %get3A_338 = arith.constant 1104 : index
        %get3A_339 = tpu.vector_load %arg24[%get3A_338] {strides = array<i32>} : memref<1232xf32, #tpu.memory_space<vmem>>, vector<16xf32>,
        %mul3A_340 = arith.mulf %get3A_337, %get3A_339 : vector<16xf32>
        %add3A_341 = arith.addf %add3A_331, %mul3A_340 : vector<16xf32>
        %mul3A_342 = arith.constant 16 : i32
        %mul3A_343 = arith.muli %scan3A_277, %mul3A_342 : i32
        %add3A_344 = arith.constant 6144 : i32
        %add3A_345 = arith.addi %add3A_344, %mul3A_343 : i32
        %get3A_346 = arith.index_cast %add3A_345 : i32 to index
        %get3A_347 = tpu.vector_load %arg21[%get3A_346] {strides = array<i32>} : memref<12288xf32, #tpu.memory_space<vmem>>, vector<16xf32>,
        %get3A_348 = arith.constant 1120 : index
        %get3A_349 = tpu.vector_load %arg24[%get3A_348] {strides = array<i32>} : memref<1232xf32, #tpu.memory_space<vmem>>, vector<16xf32>,
        %mul3A_350 = arith.mulf %get3A_347, %get3A_349 : vector<16xf32>
        %add3A_351 = arith.addf %add3A_341, %mul3A_350 : vector<16xf32>
        %mul3A_352 = arith.constant 16 : i32
        %mul3A_353 = arith.muli %scan3A_277, %mul3A_352 : i32
        %add3A_354 = arith.constant 7168 : i32
        %add3A_355 = arith.addi %add3A_354, %mul3A_353 : i32
        %get3A_356 = arith.index_cast %add3A_355 : i32 to index
        %get3A_357 = tpu.vector_load %arg21[%get3A_356] {strides = array<i32>} : memref<12288xf32, #tpu.memory_space<vmem>>, vector<16xf32>,
        %get3A_358 = arith.constant 1136 : index
        %get3A_359 = tpu.vector_load %arg24[%get3A_358] {strides = array<i32>} : memref<1232xf32, #tpu.memory_space<vmem>>, vector<16xf32>,
        %mul3A_360 = arith.mulf %get3A_357, %get3A_359 : vector<16xf32>
        %add3A_361 = arith.addf %add3A_351, %mul3A_360 : vector<16xf32>
        %mul3A_362 = arith.constant 16 : i32
        %mul3A_363 = arith.muli %scan3A_277, %mul3A_362 : i32
        %add3A_364 = arith.constant 8192 : i32
        %add3A_365 = arith.addi %add3A_364, %mul3A_363 : i32
        %get3A_366 = arith.index_cast %add3A_365 : i32 to index
        %get3A_367 = tpu.vector_load %arg21[%get3A_366] {strides = array<i32>} : memref<12288xf32, #tpu.memory_space<vmem>>, vector<16xf32>,
        %get3A_368 = arith.constant 1152 : index
        %get3A_369 = tpu.vector_load %arg24[%get3A_368] {strides = array<i32>} : memref<1232xf32, #tpu.memory_space<vmem>>, vector<16xf32>,
        %mul3A_370 = arith.mulf %get3A_367, %get3A_369 : vector<16xf32>
        %add3A_371 = arith.addf %add3A_361, %mul3A_370 : vector<16xf32>
        %mul3A_372 = arith.constant 16 : i32
        %mul3A_373 = arith.muli %scan3A_277, %mul3A_372 : i32
        %add3A_374 = arith.constant 9216 : i32
        %add3A_375 = arith.addi %add3A_374, %mul3A_373 : i32
        %get3A_376 = arith.index_cast %add3A_375 : i32 to index
        %get3A_377 = tpu.vector_load %arg21[%get3A_376] {strides = array<i32>} : memref<12288xf32, #tpu.memory_space<vmem>>, vector<16xf32>,
        %get3A_378 = arith.constant 1168 : index
        %get3A_379 = tpu.vector_load %arg24[%get3A_378] {strides = array<i32>} : memref<1232xf32, #tpu.memory_space<vmem>>, vector<16xf32>,
        %mul3A_380 = arith.mulf %get3A_377, %get3A_379 : vector<16xf32>
        %add3A_381 = arith.addf %add3A_371, %mul3A_380 : vector<16xf32>
        %mul3A_382 = arith.constant 16 : i32
        %mul3A_383 = arith.muli %scan3A_277, %mul3A_382 : i32
        %add3A_384 = arith.constant 10240 : i32
        %add3A_385 = arith.addi %add3A_384, %mul3A_383 : i32
        %get3A_386 = arith.index_cast %add3A_385 : i32 to index
        %get3A_387 = tpu.vector_load %arg21[%get3A_386] {strides = array<i32>} : memref<12288xf32, #tpu.memory_space<vmem>>, vector<16xf32>,
        %get3A_388 = arith.constant 1184 : index
        %get3A_389 = tpu.vector_load %arg24[%get3A_388] {strides = array<i32>} : memref<1232xf32, #tpu.memory_space<vmem>>, vector<16xf32>,
        %mul3A_390 = arith.mulf %get3A_387, %get3A_389 : vector<16xf32>
        %add3A_391 = arith.addf %add3A_381, %mul3A_390 : vector<16xf32>
        %mul3A_392 = arith.constant 16 : i32
        %mul3A_393 = arith.muli %scan3A_277, %mul3A_392 : i32
        %add3A_394 = arith.constant 11264 : i32
        %add3A_395 = arith.addi %add3A_394, %mul3A_393 : i32
        %get3A_396 = arith.index_cast %add3A_395 : i32 to index
        %get3A_397 = tpu.vector_load %arg21[%get3A_396] {strides = array<i32>} : memref<12288xf32, #tpu.memory_space<vmem>>, vector<16xf32>,
        %get3A_398 = arith.constant 1200 : index
        %get3A_399 = tpu.vector_load %arg24[%get3A_398] {strides = array<i32>} : memref<1232xf32, #tpu.memory_space<vmem>>, vector<16xf32>,
        %mul3A_400 = arith.mulf %get3A_397, %get3A_399 : vector<16xf32>
        %add3A_401 = arith.addf %add3A_391, %mul3A_400 : vector<16xf32>
        %get3A_402 = arith.index_cast %mul3A_280 : i32 to index
        %get3A_403 = tpu.vector_load %arg13[%get3A_402] {strides = array<i32>} : memref<1024xi32, #tpu.memory_space<vmem>>, vector<16xi32>,
        %broadcast_in_dim3A = arith.constant 0 : i32
        %broadcast_in_dim3A_404 = vector.broadcast %broadcast_in_dim3A : i32 to vector<16xi32>
        %add3A_405 = arith.addi %get3A_403, %broadcast_in_dim3A_404 : vector<16xi32>
        %gather3A = tpu.vector_load_idx %arg20[%add3A_405] : memref<16000xf32, #tpu.memory_space<vmem>>[vector<16xi32>], vector<16xf32>,
        %get3A_406 = arith.constant 0 : index
        %get3A_407 = tpu.vector_load %arg24[%get3A_406] {strides = array<i32>} : memref<1232xf32, #tpu.memory_space<vmem>>, vector<16xf32>,
        %mul3A_408 = arith.mulf %gather3A, %get3A_407 : vector<16xf32>
        %add3A_409 = arith.addf %add3A_401, %mul3A_408 : vector<16xf32>
        %broadcast_in_dim3A_410 = arith.constant 1000 : i32
        %broadcast_in_dim3A_411 = vector.broadcast %broadcast_in_dim3A_410 : i32 to vector<16xi32>
        %add3A_412 = arith.addi %get3A_403, %broadcast_in_dim3A_411 : vector<16xi32>
        %gather3A_413 = tpu.vector_load_idx %arg20[%add3A_412] : memref<16000xf32, #tpu.memory_space<vmem>>[vector<16xi32>], vector<16xf32>,
        %get3A_414 = arith.constant 16 : index
        %get3A_415 = tpu.vector_load %arg24[%get3A_414] {strides = array<i32>} : memref<1232xf32, #tpu.memory_space<vmem>>, vector<16xf32>,
        %mul3A_416 = arith.mulf %gather3A_413, %get3A_415 : vector<16xf32>
        %add3A_417 = arith.addf %add3A_409, %mul3A_416 : vector<16xf32>
        %broadcast_in_dim3A_418 = arith.constant 2000 : i32
        %broadcast_in_dim3A_419 = vector.broadcast %broadcast_in_dim3A_418 : i32 to vector<16xi32>
        %add3A_420 = arith.addi %get3A_403, %broadcast_in_dim3A_419 : vector<16xi32>
        %gather3A_421 = tpu.vector_load_idx %arg20[%add3A_420] : memref<16000xf32, #tpu.memory_space<vmem>>[vector<16xi32>], vector<16xf32>,
        %get3A_422 = arith.constant 32 : index
        %get3A_423 = tpu.vector_load %arg24[%get3A_422] {strides = array<i32>} : memref<1232xf32, #tpu.memory_space<vmem>>, vector<16xf32>,
        %mul3A_424 = arith.mulf %gather3A_421, %get3A_423 : vector<16xf32>
        %add3A_425 = arith.addf %add3A_417, %mul3A_424 : vector<16xf32>
        %broadcast_in_dim3A_426 = arith.constant 3000 : i32
        %broadcast_in_dim3A_427 = vector.broadcast %broadcast_in_dim3A_426 : i32 to vector<16xi32>
        %add3A_428 = arith.addi %get3A_403, %broadcast_in_dim3A_427 : vector<16xi32>
        %gather3A_429 = tpu.vector_load_idx %arg20[%add3A_428] : memref<16000xf32, #tpu.memory_space<vmem>>[vector<16xi32>], vector<16xf32>,
        %get3A_430 = arith.constant 48 : index
        %get3A_431 = tpu.vector_load %arg24[%get3A_430] {strides = array<i32>} : memref<1232xf32, #tpu.memory_space<vmem>>, vector<16xf32>,
        %mul3A_432 = arith.mulf %gather3A_429, %get3A_431 : vector<16xf32>
        %add3A_433 = arith.addf %add3A_425, %mul3A_432 : vector<16xf32>
        %broadcast_in_dim3A_434 = arith.constant 4000 : i32
        %broadcast_in_dim3A_435 = vector.broadcast %broadcast_in_dim3A_434 : i32 to vector<16xi32>
        %add3A_436 = arith.addi %get3A_403, %broadcast_in_dim3A_435 : vector<16xi32>
        %gather3A_437 = tpu.vector_load_idx %arg20[%add3A_436] : memref<16000xf32, #tpu.memory_space<vmem>>[vector<16xi32>], vector<16xf32>,
        %get3A_438 = arith.constant 64 : index
        %get3A_439 = tpu.vector_load %arg24[%get3A_438] {strides = array<i32>} : memref<1232xf32, #tpu.memory_space<vmem>>, vector<16xf32>,
        %mul3A_440 = arith.mulf %gather3A_437, %get3A_439 : vector<16xf32>
        %add3A_441 = arith.addf %add3A_433, %mul3A_440 : vector<16xf32>
        %broadcast_in_dim3A_442 = arith.constant 5000 : i32
        %broadcast_in_dim3A_443 = vector.broadcast %broadcast_in_dim3A_442 : i32 to vector<16xi32>
        %add3A_444 = arith.addi %get3A_403, %broadcast_in_dim3A_443 : vector<16xi32>
        %gather3A_445 = tpu.vector_load_idx %arg20[%add3A_444] : memref<16000xf32, #tpu.memory_space<vmem>>[vector<16xi32>], vector<16xf32>,
        %get3A_446 = arith.constant 80 : index
        %get3A_447 = tpu.vector_load %arg24[%get3A_446] {strides = array<i32>} : memref<1232xf32, #tpu.memory_space<vmem>>, vector<16xf32>,
        %mul3A_448 = arith.mulf %gather3A_445, %get3A_447 : vector<16xf32>
        %add3A_449 = arith.addf %add3A_441, %mul3A_448 : vector<16xf32>
        %broadcast_in_dim3A_450 = arith.constant 6000 : i32
        %broadcast_in_dim3A_451 = vector.broadcast %broadcast_in_dim3A_450 : i32 to vector<16xi32>
        %add3A_452 = arith.addi %get3A_403, %broadcast_in_dim3A_451 : vector<16xi32>
        %gather3A_453 = tpu.vector_load_idx %arg20[%add3A_452] : memref<16000xf32, #tpu.memory_space<vmem>>[vector<16xi32>], vector<16xf32>,
        %get3A_454 = arith.constant 96 : index
        %get3A_455 = tpu.vector_load %arg24[%get3A_454] {strides = array<i32>} : memref<1232xf32, #tpu.memory_space<vmem>>, vector<16xf32>,
        %mul3A_456 = arith.mulf %gather3A_453, %get3A_455 : vector<16xf32>
        %add3A_457 = arith.addf %add3A_449, %mul3A_456 : vector<16xf32>
        %broadcast_in_dim3A_458 = arith.constant 7000 : i32
        %broadcast_in_dim3A_459 = vector.broadcast %broadcast_in_dim3A_458 : i32 to vector<16xi32>
        %add3A_460 = arith.addi %get3A_403, %broadcast_in_dim3A_459 : vector<16xi32>
        %gather3A_461 = tpu.vector_load_idx %arg20[%add3A_460] : memref<16000xf32, #tpu.memory_space<vmem>>[vector<16xi32>], vector<16xf32>,
        %get3A_462 = arith.constant 112 : index
        %get3A_463 = tpu.vector_load %arg24[%get3A_462] {strides = array<i32>} : memref<1232xf32, #tpu.memory_space<vmem>>, vector<16xf32>,
        %mul3A_464 = arith.mulf %gather3A_461, %get3A_463 : vector<16xf32>
        %add3A_465 = arith.addf %add3A_457, %mul3A_464 : vector<16xf32>
        %broadcast_in_dim3A_466 = arith.constant 8000 : i32
        %broadcast_in_dim3A_467 = vector.broadcast %broadcast_in_dim3A_466 : i32 to vector<16xi32>
        %add3A_468 = arith.addi %get3A_403, %broadcast_in_dim3A_467 : vector<16xi32>
        %gather3A_469 = tpu.vector_load_idx %arg20[%add3A_468] : memref<16000xf32, #tpu.memory_space<vmem>>[vector<16xi32>], vector<16xf32>,
        %get3A_470 = arith.constant 128 : index
        %get3A_471 = tpu.vector_load %arg24[%get3A_470] {strides = array<i32>} : memref<1232xf32, #tpu.memory_space<vmem>>, vector<16xf32>,
        %mul3A_472 = arith.mulf %gather3A_469, %get3A_471 : vector<16xf32>
        %add3A_473 = arith.addf %add3A_465, %mul3A_472 : vector<16xf32>
        %broadcast_in_dim3A_474 = arith.constant 9000 : i32
        %broadcast_in_dim3A_475 = vector.broadcast %broadcast_in_dim3A_474 : i32 to vector<16xi32>
        %add3A_476 = arith.addi %get3A_403, %broadcast_in_dim3A_475 : vector<16xi32>
        %gather3A_477 = tpu.vector_load_idx %arg20[%add3A_476] : memref<16000xf32, #tpu.memory_space<vmem>>[vector<16xi32>], vector<16xf32>,
        %get3A_478 = arith.constant 144 : index
        %get3A_479 = tpu.vector_load %arg24[%get3A_478] {strides = array<i32>} : memref<1232xf32, #tpu.memory_space<vmem>>, vector<16xf32>,
        %mul3A_480 = arith.mulf %gather3A_477, %get3A_479 : vector<16xf32>
        %add3A_481 = arith.addf %add3A_473, %mul3A_480 : vector<16xf32>
        %broadcast_in_dim3A_482 = arith.constant 10000 : i32
        %broadcast_in_dim3A_483 = vector.broadcast %broadcast_in_dim3A_482 : i32 to vector<16xi32>
        %add3A_484 = arith.addi %get3A_403, %broadcast_in_dim3A_483 : vector<16xi32>
        %gather3A_485 = tpu.vector_load_idx %arg20[%add3A_484] : memref<16000xf32, #tpu.memory_space<vmem>>[vector<16xi32>], vector<16xf32>,
        %get3A_486 = arith.constant 160 : index
        %get3A_487 = tpu.vector_load %arg24[%get3A_486] {strides = array<i32>} : memref<1232xf32, #tpu.memory_space<vmem>>, vector<16xf32>,
        %mul3A_488 = arith.mulf %gather3A_485, %get3A_487 : vector<16xf32>
        %add3A_489 = arith.addf %add3A_481, %mul3A_488 : vector<16xf32>
        %broadcast_in_dim3A_490 = arith.constant 11000 : i32
        %broadcast_in_dim3A_491 = vector.broadcast %broadcast_in_dim3A_490 : i32 to vector<16xi32>
        %add3A_492 = arith.addi %get3A_403, %broadcast_in_dim3A_491 : vector<16xi32>
        %gather3A_493 = tpu.vector_load_idx %arg20[%add3A_492] : memref<16000xf32, #tpu.memory_space<vmem>>[vector<16xi32>], vector<16xf32>,
        %get3A_494 = arith.constant 176 : index
        %get3A_495 = tpu.vector_load %arg24[%get3A_494] {strides = array<i32>} : memref<1232xf32, #tpu.memory_space<vmem>>, vector<16xf32>,
        %mul3A_496 = arith.mulf %gather3A_493, %get3A_495 : vector<16xf32>
        %add3A_497 = arith.addf %add3A_489, %mul3A_496 : vector<16xf32>
        %broadcast_in_dim3A_498 = arith.constant 12000 : i32
        %broadcast_in_dim3A_499 = vector.broadcast %broadcast_in_dim3A_498 : i32 to vector<16xi32>
        %add3A_500 = arith.addi %get3A_403, %broadcast_in_dim3A_499 : vector<16xi32>
        %gather3A_501 = tpu.vector_load_idx %arg20[%add3A_500] : memref<16000xf32, #tpu.memory_space<vmem>>[vector<16xi32>], vector<16xf32>,
        %get3A_502 = arith.constant 192 : index
        %get3A_503 = tpu.vector_load %arg24[%get3A_502] {strides = array<i32>} : memref<1232xf32, #tpu.memory_space<vmem>>, vector<16xf32>,
        %mul3A_504 = arith.mulf %gather3A_501, %get3A_503 : vector<16xf32>
        %add3A_505 = arith.addf %add3A_497, %mul3A_504 : vector<16xf32>
        %broadcast_in_dim3A_506 = arith.constant 13000 : i32
        %broadcast_in_dim3A_507 = vector.broadcast %broadcast_in_dim3A_506 : i32 to vector<16xi32>
        %add3A_508 = arith.addi %get3A_403, %broadcast_in_dim3A_507 : vector<16xi32>
        %gather3A_509 = tpu.vector_load_idx %arg20[%add3A_508] : memref<16000xf32, #tpu.memory_space<vmem>>[vector<16xi32>], vector<16xf32>,
        %get3A_510 = arith.constant 208 : index
        %get3A_511 = tpu.vector_load %arg24[%get3A_510] {strides = array<i32>} : memref<1232xf32, #tpu.memory_space<vmem>>, vector<16xf32>,
        %mul3A_512 = arith.mulf %gather3A_509, %get3A_511 : vector<16xf32>
        %add3A_513 = arith.addf %add3A_505, %mul3A_512 : vector<16xf32>
        %broadcast_in_dim3A_514 = arith.constant 14000 : i32
        %broadcast_in_dim3A_515 = vector.broadcast %broadcast_in_dim3A_514 : i32 to vector<16xi32>
        %add3A_516 = arith.addi %get3A_403, %broadcast_in_dim3A_515 : vector<16xi32>
        %gather3A_517 = tpu.vector_load_idx %arg20[%add3A_516] : memref<16000xf32, #tpu.memory_space<vmem>>[vector<16xi32>], vector<16xf32>,
        %get3A_518 = arith.constant 224 : index
        %get3A_519 = tpu.vector_load %arg24[%get3A_518] {strides = array<i32>} : memref<1232xf32, #tpu.memory_space<vmem>>, vector<16xf32>,
        %mul3A_520 = arith.mulf %gather3A_517, %get3A_519 : vector<16xf32>
        %add3A_521 = arith.addf %add3A_513, %mul3A_520 : vector<16xf32>
        %broadcast_in_dim3A_522 = arith.constant 15000 : i32
        %broadcast_in_dim3A_523 = vector.broadcast %broadcast_in_dim3A_522 : i32 to vector<16xi32>
        %add3A_524 = arith.addi %get3A_403, %broadcast_in_dim3A_523 : vector<16xi32>
        %gather3A_525 = tpu.vector_load_idx %arg20[%add3A_524] : memref<16000xf32, #tpu.memory_space<vmem>>[vector<16xi32>], vector<16xf32>,
        %get3A_526 = arith.constant 240 : index
        %get3A_527 = tpu.vector_load %arg24[%get3A_526] {strides = array<i32>} : memref<1232xf32, #tpu.memory_space<vmem>>, vector<16xf32>,
        %mul3A_528 = arith.mulf %gather3A_525, %get3A_527 : vector<16xf32>
        %add3A_529 = arith.addf %add3A_521, %mul3A_528 : vector<16xf32>
        %swap3A = arith.index_cast %mul3A_280 : i32 to index
        %swap3A_530 = tpu.vector_load %arg19[%swap3A] {strides = array<i32>} : memref<1024xf32, #tpu.memory_space<vmem>>, vector<16xf32>,
        tpu.vector_store %arg19[%swap3A], %add3A_529 {strides = array<i32>} : memref<1024xf32, #tpu.memory_space<vmem>>, vector<16xf32>,
        %scan3A_531 = arith.constant 0 : i32
        scf.yield %scan3A_531 : i32
      }
      %scan3A_276 = arith.constant 64 : i32
    } else {
    }
    %eq3A_235 = arith.constant 1 : i32
    %eq3A_236 = arith.cmpi eq, %arg0, %eq3A_235 : i32
    %convert_element_type3A_237 = arith.extui %eq3A_236 : i1 to i32
    %cond3A_238 = arith.constant 0 : i32
    %cond3A_239 = arith.cmpi ne, %convert_element_type3A_237, %cond3A_238 : i32
    scf.if %cond3A_239 {
      %scan3A_270 = arith.constant 0 : i32
      %scan3A_271 = arith.constant 0 : i32
      %scan3A_272 = arith.constant 64 : i32
      %scan3A_273 = arith.addi %scan3A_271, %scan3A_272 : i32
      %scan3A_274 = arith.constant 1 : i32
      %scan3A_275 = scf.for %scan3A_277 = %scan3A_271 to %scan3A_273 step %scan3A_274 iter_args(%scan3A_278 = %scan3A_270) -> (i32)  : i32 {
        %broadcast_in_dim3A = arith.constant 0.000000e+00 : f32
        %broadcast_in_dim3A_279 = vector.broadcast %broadcast_in_dim3A : f32 to vector<16xf32>
        %mul3A_280 = arith.constant 16 : i32
        %mul3A_281 = arith.muli %scan3A_277, %mul3A_280 : i32
        %swap3A = arith.index_cast %mul3A_281 : i32 to index
        %swap3A_282 = tpu.vector_load %arg19[%swap3A] {strides = array<i32>} : memref<1024xf32, #tpu.memory_space<vmem>>, vector<16xf32>,
        tpu.vector_store %arg19[%swap3A], %broadcast_in_dim3A_279 {strides = array<i32>} : memref<1024xf32, #tpu.memory_space<vmem>>, vector<16xf32>,
        %scan3A_283 = arith.constant 0 : i32
        scf.yield %scan3A_283 : i32
      }
      %scan3A_276 = arith.constant 64 : i32
    } else {
    }
    %mul3A_240 = arith.constant 8 : i32
    %mul3A_241 = arith.muli %arg0, %mul3A_240 : i32
    %eq3A_242 = arith.constant 0 : i32
    %eq3A_243 = arith.cmpi eq, %arg1, %eq3A_242 : i32
    %convert_element_type3A_244 = arith.extui %eq3A_243 : i1 to i32
    %cond3A_245 = arith.constant 0 : i32
    %cond3A_246 = arith.cmpi ne, %convert_element_type3A_244, %cond3A_245 : i32
    scf.if %cond3A_246 {
      %add3A_270 = arith.constant 0 : i32
      %add3A_271 = arith.addi %mul3A_241, %add3A_270 : i32
      %dma_start3A_272 = arith.constant 0 : i32
      %dma_start3A_273 = tpu.memref_slice %arg25[%dma_start3A_272] : memref<499968xf32, #tpu.memory_space<vmem_shared>> -> memref<99968xf32, #tpu.memory_space<vmem_shared>>
      %dma_start3A_274 = arith.constant 0 : i32
      %dma_start3A_275 = tpu.memref_slice %arg7[%add3A_271, %dma_start3A_274] : memref<16x100000xf32, #tpu.memory_space<hbm>> -> memref<1x99968xf32, #tpu.memory_space<hbm>>
      %dma_start3A_276 = tpu.memref_squeeze %dma_start3A_275 : memref<1x99968xf32, #tpu.memory_space<hbm>> -> memref<99968xf32, #tpu.memory_space<hbm>>
      tpu.enqueue_dma source(%dma_start3A_276 : memref<99968xf32, #tpu.memory_space<hbm>>) target(%dma_start3A_273 : memref<99968xf32, #tpu.memory_space<vmem_shared>>) target_semaphore(%arg28 : memref<!tpu.dma_semaphore, #tpu.memory_space<semaphore_mem>>)
    } else {
    }
    %scan3A_247 = arith.constant 0 : i32
    %scan3A_248 = arith.constant 0 : i32
    %scan3A_249 = arith.constant 4 : i32
    %scan3A_250 = arith.addi %scan3A_248, %scan3A_249 : i32
    %scan3A_251 = arith.constant 1 : i32
    %scan3A_252 = scf.for %scan3A_270 = %scan3A_248 to %scan3A_250 step %scan3A_251 iter_args(%scan3A_271 = %scan3A_247) -> (i32)  : i32 {
      %mul3A_272 = arith.constant 2 : i32
      %mul3A_273 = arith.muli %mul3A_272, %scan3A_270 : i32
      %eq3A_274 = arith.constant 0 : i32
      %eq3A_275 = arith.cmpi eq, %arg1, %eq3A_274 : i32
      %convert_element_type3A_276 = arith.extui %eq3A_275 : i1 to i32
      %cond3A_277 = arith.constant 0 : i32
      %cond3A_278 = arith.cmpi ne, %convert_element_type3A_276, %cond3A_277 : i32
      scf.if %cond3A_278 {
        %add3A_526 = arith.addi %mul3A_241, %mul3A_273 : i32
        %dma_wait3A_527 = arith.constant 0 : i32
        %dma_wait3A_528 = tpu.memref_slice %arg25[%dma_wait3A_527] : memref<499968xf32, #tpu.memory_space<vmem_shared>> -> memref<99968xf32, #tpu.memory_space<vmem_shared>>
        %dma_wait3A_529 = arith.constant 0 : i32
        %dma_wait3A_530 = tpu.memref_slice %arg7[%add3A_526, %dma_wait3A_529] : memref<16x100000xf32, #tpu.memory_space<hbm>> -> memref<1x99968xf32, #tpu.memory_space<hbm>>
        %dma_wait3A_531 = tpu.memref_squeeze %dma_wait3A_530 : memref<1x99968xf32, #tpu.memory_space<hbm>> -> memref<99968xf32, #tpu.memory_space<hbm>>
        tpu.wait_dma2 semaphore(%arg28 : memref<!tpu.dma_semaphore, #tpu.memory_space<semaphore_mem>>) src(%dma_wait3A_531 : memref<99968xf32, #tpu.memory_space<hbm>>) dst(%dma_wait3A_528 : memref<99968xf32, #tpu.memory_space<vmem_shared>>)
      } else {
      }
      %barrier3A = arith.constant 0 : index
      tpu.barrier barrier_id(%barrier3A)
      %eq3A_279 = arith.constant 0 : i32
      %eq3A_280 = arith.cmpi eq, %arg1, %eq3A_279 : i32
      %convert_element_type3A_281 = arith.extui %eq3A_280 : i1 to i32
      %cond3A_282 = arith.constant 0 : i32
      %cond3A_283 = arith.cmpi ne, %convert_element_type3A_281, %cond3A_282 : i32
      scf.if %cond3A_283 {
        %add3A_526 = arith.constant 1 : i32
        %add3A_527 = arith.addi %mul3A_273, %add3A_526 : i32
        %add3A_528 = arith.addi %mul3A_241, %add3A_527 : i32
        %dma_start3A_529 = arith.constant 0 : i32
        %dma_start3A_530 = tpu.memref_slice %arg26[%dma_start3A_529] : memref<499968xf32, #tpu.memory_space<vmem_shared>> -> memref<99968xf32, #tpu.memory_space<vmem_shared>>
        %dma_start3A_531 = arith.constant 0 : i32
        %dma_start3A_532 = tpu.memref_slice %arg7[%add3A_528, %dma_start3A_531] : memref<16x100000xf32, #tpu.memory_space<hbm>> -> memref<1x99968xf32, #tpu.memory_space<hbm>>
        %dma_start3A_533 = tpu.memref_squeeze %dma_start3A_532 : memref<1x99968xf32, #tpu.memory_space<hbm>> -> memref<99968xf32, #tpu.memory_space<hbm>>
        tpu.enqueue_dma source(%dma_start3A_533 : memref<99968xf32, #tpu.memory_space<hbm>>) target(%dma_start3A_530 : memref<99968xf32, #tpu.memory_space<vmem_shared>>) target_semaphore(%arg29 : memref<!tpu.dma_semaphore, #tpu.memory_space<semaphore_mem>>)
      } else {
      }
      %add3A_284 = arith.addi %mul3A_241, %mul3A_273 : i32
      %dma_start3A_285 = arith.constant 0 : i32
      %dma_start3A_286 = tpu.memref_slice %arg18[%dma_start3A_285] : memref<1024xf32, #tpu.memory_space<vmem>> -> memref<128xf32, #tpu.memory_space<vmem>>
      %dma_start3A_287 = arith.constant 0 : i32
      %dma_start3A_288 = tpu.memref_slice %arg16[%dma_start3A_287] : memref<1024xi32, #tpu.memory_space<vmem>> -> memref<128xi32, #tpu.memory_space<vmem>>
      %dma_start3A_289 = arith.constant 0 : i32
      %dma_start3A_290 = tpu.memref_slice %arg25[%dma_start3A_289] : memref<499968xf32, #tpu.memory_space<vmem_shared>> -> memref<499968xf32, #tpu.memory_space<vmem_shared>>
      tpu.enqueue_indirect_dma source(%dma_start3A_290 : memref<499968xf32, #tpu.memory_space<vmem_shared>>) target(%dma_start3A_286 : memref<128xf32, #tpu.memory_space<vmem>>) offsets(%dma_start3A_288 : memref<128xi32, #tpu.memory_space<vmem>>) semaphore(%arg27 : memref<!tpu.dma_semaphore, #tpu.memory_space<semaphore_mem>>)
      %dma_start3A_291 = arith.constant 128 : i32
      %dma_start3A_292 = tpu.memref_slice %arg18[%dma_start3A_291] : memref<1024xf32, #tpu.memory_space<vmem>> -> memref<128xf32, #tpu.memory_space<vmem>>
      %dma_start3A_293 = arith.constant 128 : i32
      %dma_start3A_294 = tpu.memref_slice %arg16[%dma_start3A_293] : memref<1024xi32, #tpu.memory_space<vmem>> -> memref<128xi32, #tpu.memory_space<vmem>>
      %dma_start3A_295 = arith.constant 0 : i32
      %dma_start3A_296 = tpu.memref_slice %arg25[%dma_start3A_295] : memref<499968xf32, #tpu.memory_space<vmem_shared>> -> memref<499968xf32, #tpu.memory_space<vmem_shared>>
      tpu.enqueue_indirect_dma source(%dma_start3A_296 : memref<499968xf32, #tpu.memory_space<vmem_shared>>) target(%dma_start3A_292 : memref<128xf32, #tpu.memory_space<vmem>>) offsets(%dma_start3A_294 : memref<128xi32, #tpu.memory_space<vmem>>) semaphore(%arg27 : memref<!tpu.dma_semaphore, #tpu.memory_space<semaphore_mem>>)
      %dma_start3A_297 = arith.constant 256 : i32
      %dma_start3A_298 = tpu.memref_slice %arg18[%dma_start3A_297] : memref<1024xf32, #tpu.memory_space<vmem>> -> memref<128xf32, #tpu.memory_space<vmem>>
      %dma_start3A_299 = arith.constant 256 : i32
      %dma_start3A_300 = tpu.memref_slice %arg16[%dma_start3A_299] : memref<1024xi32, #tpu.memory_space<vmem>> -> memref<128xi32, #tpu.memory_space<vmem>>
      %dma_start3A_301 = arith.constant 0 : i32
      %dma_start3A_302 = tpu.memref_slice %arg25[%dma_start3A_301] : memref<499968xf32, #tpu.memory_space<vmem_shared>> -> memref<499968xf32, #tpu.memory_space<vmem_shared>>
      tpu.enqueue_indirect_dma source(%dma_start3A_302 : memref<499968xf32, #tpu.memory_space<vmem_shared>>) target(%dma_start3A_298 : memref<128xf32, #tpu.memory_space<vmem>>) offsets(%dma_start3A_300 : memref<128xi32, #tpu.memory_space<vmem>>) semaphore(%arg27 : memref<!tpu.dma_semaphore, #tpu.memory_space<semaphore_mem>>)
      %dma_start3A_303 = arith.constant 384 : i32
      %dma_start3A_304 = tpu.memref_slice %arg18[%dma_start3A_303] : memref<1024xf32, #tpu.memory_space<vmem>> -> memref<128xf32, #tpu.memory_space<vmem>>
      %dma_start3A_305 = arith.constant 384 : i32
      %dma_start3A_306 = tpu.memref_slice %arg16[%dma_start3A_305] : memref<1024xi32, #tpu.memory_space<vmem>> -> memref<128xi32, #tpu.memory_space<vmem>>
      %dma_start3A_307 = arith.constant 0 : i32
      %dma_start3A_308 = tpu.memref_slice %arg25[%dma_start3A_307] : memref<499968xf32, #tpu.memory_space<vmem_shared>> -> memref<499968xf32, #tpu.memory_space<vmem_shared>>
      tpu.enqueue_indirect_dma source(%dma_start3A_308 : memref<499968xf32, #tpu.memory_space<vmem_shared>>) target(%dma_start3A_304 : memref<128xf32, #tpu.memory_space<vmem>>) offsets(%dma_start3A_306 : memref<128xi32, #tpu.memory_space<vmem>>) semaphore(%arg27 : memref<!tpu.dma_semaphore, #tpu.memory_space<semaphore_mem>>)
      %dma_start3A_309 = arith.constant 512 : i32
      %dma_start3A_310 = tpu.memref_slice %arg18[%dma_start3A_309] : memref<1024xf32, #tpu.memory_space<vmem>> -> memref<128xf32, #tpu.memory_space<vmem>>
      %dma_start3A_311 = arith.constant 512 : i32
      %dma_start3A_312 = tpu.memref_slice %arg16[%dma_start3A_311] : memref<1024xi32, #tpu.memory_space<vmem>> -> memref<128xi32, #tpu.memory_space<vmem>>
      %dma_start3A_313 = arith.constant 0 : i32
      %dma_start3A_314 = tpu.memref_slice %arg25[%dma_start3A_313] : memref<499968xf32, #tpu.memory_space<vmem_shared>> -> memref<499968xf32, #tpu.memory_space<vmem_shared>>
      tpu.enqueue_indirect_dma source(%dma_start3A_314 : memref<499968xf32, #tpu.memory_space<vmem_shared>>) target(%dma_start3A_310 : memref<128xf32, #tpu.memory_space<vmem>>) offsets(%dma_start3A_312 : memref<128xi32, #tpu.memory_space<vmem>>) semaphore(%arg27 : memref<!tpu.dma_semaphore, #tpu.memory_space<semaphore_mem>>)
      %dma_start3A_315 = arith.constant 640 : i32
      %dma_start3A_316 = tpu.memref_slice %arg18[%dma_start3A_315] : memref<1024xf32, #tpu.memory_space<vmem>> -> memref<128xf32, #tpu.memory_space<vmem>>
      %dma_start3A_317 = arith.constant 640 : i32
      %dma_start3A_318 = tpu.memref_slice %arg16[%dma_start3A_317] : memref<1024xi32, #tpu.memory_space<vmem>> -> memref<128xi32, #tpu.memory_space<vmem>>
      %dma_start3A_319 = arith.constant 0 : i32
      %dma_start3A_320 = tpu.memref_slice %arg25[%dma_start3A_319] : memref<499968xf32, #tpu.memory_space<vmem_shared>> -> memref<499968xf32, #tpu.memory_space<vmem_shared>>
      tpu.enqueue_indirect_dma source(%dma_start3A_320 : memref<499968xf32, #tpu.memory_space<vmem_shared>>) target(%dma_start3A_316 : memref<128xf32, #tpu.memory_space<vmem>>) offsets(%dma_start3A_318 : memref<128xi32, #tpu.memory_space<vmem>>) semaphore(%arg27 : memref<!tpu.dma_semaphore, #tpu.memory_space<semaphore_mem>>)
      %dma_start3A_321 = arith.constant 768 : i32
      %dma_start3A_322 = tpu.memref_slice %arg18[%dma_start3A_321] : memref<1024xf32, #tpu.memory_space<vmem>> -> memref<128xf32, #tpu.memory_space<vmem>>
      %dma_start3A_323 = arith.constant 768 : i32
      %dma_start3A_324 = tpu.memref_slice %arg16[%dma_start3A_323] : memref<1024xi32, #tpu.memory_space<vmem>> -> memref<128xi32, #tpu.memory_space<vmem>>
      %dma_start3A_325 = arith.constant 0 : i32
      %dma_start3A_326 = tpu.memref_slice %arg25[%dma_start3A_325] : memref<499968xf32, #tpu.memory_space<vmem_shared>> -> memref<499968xf32, #tpu.memory_space<vmem_shared>>
      tpu.enqueue_indirect_dma source(%dma_start3A_326 : memref<499968xf32, #tpu.memory_space<vmem_shared>>) target(%dma_start3A_322 : memref<128xf32, #tpu.memory_space<vmem>>) offsets(%dma_start3A_324 : memref<128xi32, #tpu.memory_space<vmem>>) semaphore(%arg27 : memref<!tpu.dma_semaphore, #tpu.memory_space<semaphore_mem>>)
      %dma_start3A_327 = arith.constant 896 : i32
      %dma_start3A_328 = tpu.memref_slice %arg18[%dma_start3A_327] : memref<1024xf32, #tpu.memory_space<vmem>> -> memref<128xf32, #tpu.memory_space<vmem>>
      %dma_start3A_329 = arith.constant 896 : i32
      %dma_start3A_330 = tpu.memref_slice %arg16[%dma_start3A_329] : memref<1024xi32, #tpu.memory_space<vmem>> -> memref<128xi32, #tpu.memory_space<vmem>>
      %dma_start3A_331 = arith.constant 0 : i32
      %dma_start3A_332 = tpu.memref_slice %arg25[%dma_start3A_331] : memref<499968xf32, #tpu.memory_space<vmem_shared>> -> memref<499968xf32, #tpu.memory_space<vmem_shared>>
      tpu.enqueue_indirect_dma source(%dma_start3A_332 : memref<499968xf32, #tpu.memory_space<vmem_shared>>) target(%dma_start3A_328 : memref<128xf32, #tpu.memory_space<vmem>>) offsets(%dma_start3A_330 : memref<128xi32, #tpu.memory_space<vmem>>) semaphore(%arg27 : memref<!tpu.dma_semaphore, #tpu.memory_space<semaphore_mem>>)
      %dma_wait3A_333 = arith.constant 0 : i32
      %dma_wait3A_334 = tpu.memref_slice %arg18[%dma_wait3A_333] : memref<1024xf32, #tpu.memory_space<vmem>> -> memref<128xf32, #tpu.memory_space<vmem>>
      %dma_wait3A_335 = arith.constant 0 : i32
      %dma_wait3A_336 = tpu.memref_slice %arg16[%dma_wait3A_335] : memref<1024xi32, #tpu.memory_space<vmem>> -> memref<128xi32, #tpu.memory_space<vmem>>
      %dma_wait3A_337 = arith.constant 0 : i32
      %dma_wait3A_338 = tpu.memref_slice %arg25[%dma_wait3A_337] : memref<499968xf32, #tpu.memory_space<vmem_shared>> -> memref<499968xf32, #tpu.memory_space<vmem_shared>>
      tpu.wait_indirect_dma semaphore(%arg27 : memref<!tpu.dma_semaphore, #tpu.memory_space<semaphore_mem>>) src(%dma_wait3A_338 : memref<499968xf32, #tpu.memory_space<vmem_shared>>) dst(%dma_wait3A_334 : memref<128xf32, #tpu.memory_space<vmem>>)
      %dma_wait3A_339 = arith.constant 128 : i32
      %dma_wait3A_340 = tpu.memref_slice %arg18[%dma_wait3A_339] : memref<1024xf32, #tpu.memory_space<vmem>> -> memref<128xf32, #tpu.memory_space<vmem>>
      %dma_wait3A_341 = arith.constant 128 : i32
      %dma_wait3A_342 = tpu.memref_slice %arg16[%dma_wait3A_341] : memref<1024xi32, #tpu.memory_space<vmem>> -> memref<128xi32, #tpu.memory_space<vmem>>
      %dma_wait3A_343 = arith.constant 0 : i32
      %dma_wait3A_344 = tpu.memref_slice %arg25[%dma_wait3A_343] : memref<499968xf32, #tpu.memory_space<vmem_shared>> -> memref<499968xf32, #tpu.memory_space<vmem_shared>>
      tpu.wait_indirect_dma semaphore(%arg27 : memref<!tpu.dma_semaphore, #tpu.memory_space<semaphore_mem>>) src(%dma_wait3A_344 : memref<499968xf32, #tpu.memory_space<vmem_shared>>) dst(%dma_wait3A_340 : memref<128xf32, #tpu.memory_space<vmem>>)
      %dma_wait3A_345 = arith.constant 256 : i32
      %dma_wait3A_346 = tpu.memref_slice %arg18[%dma_wait3A_345] : memref<1024xf32, #tpu.memory_space<vmem>> -> memref<128xf32, #tpu.memory_space<vmem>>
      %dma_wait3A_347 = arith.constant 256 : i32
      %dma_wait3A_348 = tpu.memref_slice %arg16[%dma_wait3A_347] : memref<1024xi32, #tpu.memory_space<vmem>> -> memref<128xi32, #tpu.memory_space<vmem>>
      %dma_wait3A_349 = arith.constant 0 : i32
      %dma_wait3A_350 = tpu.memref_slice %arg25[%dma_wait3A_349] : memref<499968xf32, #tpu.memory_space<vmem_shared>> -> memref<499968xf32, #tpu.memory_space<vmem_shared>>
      tpu.wait_indirect_dma semaphore(%arg27 : memref<!tpu.dma_semaphore, #tpu.memory_space<semaphore_mem>>) src(%dma_wait3A_350 : memref<499968xf32, #tpu.memory_space<vmem_shared>>) dst(%dma_wait3A_346 : memref<128xf32, #tpu.memory_space<vmem>>)
      %dma_wait3A_351 = arith.constant 384 : i32
      %dma_wait3A_352 = tpu.memref_slice %arg18[%dma_wait3A_351] : memref<1024xf32, #tpu.memory_space<vmem>> -> memref<128xf32, #tpu.memory_space<vmem>>
      %dma_wait3A_353 = arith.constant 384 : i32
      %dma_wait3A_354 = tpu.memref_slice %arg16[%dma_wait3A_353] : memref<1024xi32, #tpu.memory_space<vmem>> -> memref<128xi32, #tpu.memory_space<vmem>>
      %dma_wait3A_355 = arith.constant 0 : i32
      %dma_wait3A_356 = tpu.memref_slice %arg25[%dma_wait3A_355] : memref<499968xf32, #tpu.memory_space<vmem_shared>> -> memref<499968xf32, #tpu.memory_space<vmem_shared>>
      tpu.wait_indirect_dma semaphore(%arg27 : memref<!tpu.dma_semaphore, #tpu.memory_space<semaphore_mem>>) src(%dma_wait3A_356 : memref<499968xf32, #tpu.memory_space<vmem_shared>>) dst(%dma_wait3A_352 : memref<128xf32, #tpu.memory_space<vmem>>)
      %dma_wait3A_357 = arith.constant 512 : i32
      %dma_wait3A_358 = tpu.memref_slice %arg18[%dma_wait3A_357] : memref<1024xf32, #tpu.memory_space<vmem>> -> memref<128xf32, #tpu.memory_space<vmem>>
      %dma_wait3A_359 = arith.constant 512 : i32
      %dma_wait3A_360 = tpu.memref_slice %arg16[%dma_wait3A_359] : memref<1024xi32, #tpu.memory_space<vmem>> -> memref<128xi32, #tpu.memory_space<vmem>>
      %dma_wait3A_361 = arith.constant 0 : i32
      %dma_wait3A_362 = tpu.memref_slice %arg25[%dma_wait3A_361] : memref<499968xf32, #tpu.memory_space<vmem_shared>> -> memref<499968xf32, #tpu.memory_space<vmem_shared>>
      tpu.wait_indirect_dma semaphore(%arg27 : memref<!tpu.dma_semaphore, #tpu.memory_space<semaphore_mem>>) src(%dma_wait3A_362 : memref<499968xf32, #tpu.memory_space<vmem_shared>>) dst(%dma_wait3A_358 : memref<128xf32, #tpu.memory_space<vmem>>)
      %dma_wait3A_363 = arith.constant 640 : i32
      %dma_wait3A_364 = tpu.memref_slice %arg18[%dma_wait3A_363] : memref<1024xf32, #tpu.memory_space<vmem>> -> memref<128xf32, #tpu.memory_space<vmem>>
      %dma_wait3A_365 = arith.constant 640 : i32
      %dma_wait3A_366 = tpu.memref_slice %arg16[%dma_wait3A_365] : memref<1024xi32, #tpu.memory_space<vmem>> -> memref<128xi32, #tpu.memory_space<vmem>>
      %dma_wait3A_367 = arith.constant 0 : i32
      %dma_wait3A_368 = tpu.memref_slice %arg25[%dma_wait3A_367] : memref<499968xf32, #tpu.memory_space<vmem_shared>> -> memref<499968xf32, #tpu.memory_space<vmem_shared>>
      tpu.wait_indirect_dma semaphore(%arg27 : memref<!tpu.dma_semaphore, #tpu.memory_space<semaphore_mem>>) src(%dma_wait3A_368 : memref<499968xf32, #tpu.memory_space<vmem_shared>>) dst(%dma_wait3A_364 : memref<128xf32, #tpu.memory_space<vmem>>)
      %dma_wait3A_369 = arith.constant 768 : i32
      %dma_wait3A_370 = tpu.memref_slice %arg18[%dma_wait3A_369] : memref<1024xf32, #tpu.memory_space<vmem>> -> memref<128xf32, #tpu.memory_space<vmem>>
      %dma_wait3A_371 = arith.constant 768 : i32
      %dma_wait3A_372 = tpu.memref_slice %arg16[%dma_wait3A_371] : memref<1024xi32, #tpu.memory_space<vmem>> -> memref<128xi32, #tpu.memory_space<vmem>>
      %dma_wait3A_373 = arith.constant 0 : i32
      %dma_wait3A_374 = tpu.memref_slice %arg25[%dma_wait3A_373] : memref<499968xf32, #tpu.memory_space<vmem_shared>> -> memref<499968xf32, #tpu.memory_space<vmem_shared>>
      tpu.wait_indirect_dma semaphore(%arg27 : memref<!tpu.dma_semaphore, #tpu.memory_space<semaphore_mem>>) src(%dma_wait3A_374 : memref<499968xf32, #tpu.memory_space<vmem_shared>>) dst(%dma_wait3A_370 : memref<128xf32, #tpu.memory_space<vmem>>)
      %dma_wait3A_375 = arith.constant 896 : i32
      %dma_wait3A_376 = tpu.memref_slice %arg18[%dma_wait3A_375] : memref<1024xf32, #tpu.memory_space<vmem>> -> memref<128xf32, #tpu.memory_space<vmem>>
      %dma_wait3A_377 = arith.constant 896 : i32
      %dma_wait3A_378 = tpu.memref_slice %arg16[%dma_wait3A_377] : memref<1024xi32, #tpu.memory_space<vmem>> -> memref<128xi32, #tpu.memory_space<vmem>>
      %dma_wait3A_379 = arith.constant 0 : i32
      %dma_wait3A_380 = tpu.memref_slice %arg25[%dma_wait3A_379] : memref<499968xf32, #tpu.memory_space<vmem_shared>> -> memref<499968xf32, #tpu.memory_space<vmem_shared>>
      tpu.wait_indirect_dma semaphore(%arg27 : memref<!tpu.dma_semaphore, #tpu.memory_space<semaphore_mem>>) src(%dma_wait3A_380 : memref<499968xf32, #tpu.memory_space<vmem_shared>>) dst(%dma_wait3A_376 : memref<128xf32, #tpu.memory_space<vmem>>)
      %add3A_381 = arith.constant 16 : i32
      %add3A_382 = arith.addi %add3A_381, %add3A_284 : i32
      %mul3A_383 = arith.constant 16 : i32
      %mul3A_384 = arith.muli %add3A_382, %mul3A_383 : i32
      %get3A = arith.index_cast %mul3A_384 : i32 to index
      %get3A_385 = tpu.vector_load %arg24[%get3A] {strides = array<i32>} : memref<1232xf32, #tpu.memory_space<vmem>>, vector<16xf32>,
      %mul3A_386 = arith.constant 32 : i32
      %mul3A_387 = arith.muli %add3A_284, %mul3A_386 : i32
      %scan3A_388 = arith.constant 0 : i32
      %scan3A_389 = arith.constant 0 : i32
      %scan3A_390 = arith.constant 64 : i32
      %scan3A_391 = arith.addi %scan3A_389, %scan3A_390 : i32
      %scan3A_392 = arith.constant 1 : i32
      %scan3A_393 = scf.for %scan3A_526 = %scan3A_389 to %scan3A_391 step %scan3A_392 iter_args(%scan3A_527 = %scan3A_388) -> (i32)  : i32 {
        %mul3A_528 = arith.constant 16 : i32
        %mul3A_529 = arith.muli %scan3A_526, %mul3A_528 : i32
        %get3A_530 = arith.index_cast %mul3A_529 : i32 to index
        %get3A_531 = tpu.vector_load %arg14[%get3A_530] {strides = array<i32>} : memref<1024xi32, #tpu.memory_space<vmem>>, vector<16xi32>,
        %sub3A = arith.constant 99968 : i32
        %sub3A_532 = vector.broadcast %sub3A : i32 to vector<16xi32>
        %sub3A_533 = arith.subi %get3A_531, %sub3A_532 : vector<16xi32>
        %max3A = arith.constant 0 : i32
        %max3A_534 = vector.broadcast %max3A : i32 to vector<16xi32>
        %max3A_535 = arith.maxsi %sub3A_533, %max3A_534 : vector<16xi32>
        %add3A_536 = vector.broadcast %mul3A_387 : i32 to vector<16xi32>
        %add3A_537 = arith.addi %max3A_535, %add3A_536 : vector<16xi32>
        %gather3A = tpu.vector_load_idx %arg22[%add3A_537] : memref<512xf32, #tpu.memory_space<vmem>>[vector<16xi32>], vector<16xf32>,
        %ge3A = arith.constant 99968 : i32
        %ge3A_538 = vector.broadcast %ge3A : i32 to vector<16xi32>
        %ge3A_539 = arith.cmpi sge, %get3A_531, %ge3A_538 : vector<16xi32>
        %get3A_540 = arith.index_cast %mul3A_529 : i32 to index
        %get3A_541 = tpu.vector_load %arg18[%get3A_540] {strides = array<i32>} : memref<1024xf32, #tpu.memory_space<vmem>>, vector<16xf32>,
        %select_n3A = arith.select %ge3A_539, %gather3A, %get3A_541 : vector<16xi1>, vector<16xf32>
        %get3A_542 = arith.index_cast %mul3A_529 : i32 to index
        %get3A_543 = tpu.vector_load %arg19[%get3A_542] {strides = array<i32>} : memref<1024xf32, #tpu.memory_space<vmem>>, vector<16xf32>,
        %mul3A_544 = arith.mulf %select_n3A, %get3A_385 : vector<16xf32>
        %add3A_545 = arith.addf %get3A_543, %mul3A_544 : vector<16xf32>
        %swap3A = arith.index_cast %mul3A_529 : i32 to index
        %swap3A_546 = tpu.vector_load %arg19[%swap3A] {strides = array<i32>} : memref<1024xf32, #tpu.memory_space<vmem>>, vector<16xf32>,
        tpu.vector_store %arg19[%swap3A], %add3A_545 {strides = array<i32>} : memref<1024xf32, #tpu.memory_space<vmem>>, vector<16xf32>,
        %scan3A_547 = arith.constant 0 : i32
        scf.yield %scan3A_547 : i32
      }
      %scan3A_394 = arith.constant 64 : i32
      %eq3A_395 = arith.constant 0 : i32
      %eq3A_396 = arith.cmpi eq, %arg1, %eq3A_395 : i32
      %convert_element_type3A_397 = arith.extui %eq3A_396 : i1 to i32
      %cond3A_398 = arith.constant 0 : i32
      %cond3A_399 = arith.cmpi ne, %convert_element_type3A_397, %cond3A_398 : i32
      scf.if %cond3A_399 {
        %add3A_526 = arith.constant 1 : i32
        %add3A_527 = arith.addi %mul3A_273, %add3A_526 : i32
        %add3A_528 = arith.addi %mul3A_241, %add3A_527 : i32
        %dma_wait3A_529 = arith.constant 0 : i32
        %dma_wait3A_530 = tpu.memref_slice %arg26[%dma_wait3A_529] : memref<499968xf32, #tpu.memory_space<vmem_shared>> -> memref<99968xf32, #tpu.memory_space<vmem_shared>>
        %dma_wait3A_531 = arith.constant 0 : i32
        %dma_wait3A_532 = tpu.memref_slice %arg7[%add3A_528, %dma_wait3A_531] : memref<16x100000xf32, #tpu.memory_space<hbm>> -> memref<1x99968xf32, #tpu.memory_space<hbm>>
        %dma_wait3A_533 = tpu.memref_squeeze %dma_wait3A_532 : memref<1x99968xf32, #tpu.memory_space<hbm>> -> memref<99968xf32, #tpu.memory_space<hbm>>
        tpu.wait_dma2 semaphore(%arg29 : memref<!tpu.dma_semaphore, #tpu.memory_space<semaphore_mem>>) src(%dma_wait3A_533 : memref<99968xf32, #tpu.memory_space<hbm>>) dst(%dma_wait3A_530 : memref<99968xf32, #tpu.memory_space<vmem_shared>>)
      } else {
      }
      %barrier3A_400 = arith.constant 0 : index
      tpu.barrier barrier_id(%barrier3A_400)
      %eq3A_401 = arith.constant 0 : i32
      %eq3A_402 = arith.cmpi eq, %arg1, %eq3A_401 : i32
      %mul3A_403 = arith.constant 2 : i32
      %mul3A_404 = arith.muli %mul3A_403, %scan3A_270 : i32
      %add3A_405 = arith.constant 2 : i32
      %add3A_406 = arith.addi %mul3A_404, %add3A_405 : i32
      %lt3A = arith.constant 8 : i32
      %lt3A_407 = arith.cmpi slt, %add3A_406, %lt3A : i32
      %and3A = arith.andi %eq3A_402, %lt3A_407 : i1
      %convert_element_type3A_408 = arith.extui %and3A : i1 to i32
      %cond3A_409 = arith.constant 0 : i32
      %cond3A_410 = arith.cmpi ne, %convert_element_type3A_408, %cond3A_409 : i32
      scf.if %cond3A_410 {
        %add3A_526 = arith.constant 2 : i32
        %add3A_527 = arith.addi %mul3A_273, %add3A_526 : i32
        %add3A_528 = arith.addi %mul3A_241, %add3A_527 : i32
        %dma_start3A_529 = arith.constant 0 : i32
        %dma_start3A_530 = tpu.memref_slice %arg25[%dma_start3A_529] : memref<499968xf32, #tpu.memory_space<vmem_shared>> -> memref<99968xf32, #tpu.memory_space<vmem_shared>>
        %dma_start3A_531 = arith.constant 0 : i32
        %dma_start3A_532 = tpu.memref_slice %arg7[%add3A_528, %dma_start3A_531] : memref<16x100000xf32, #tpu.memory_space<hbm>> -> memref<1x99968xf32, #tpu.memory_space<hbm>>
        %dma_start3A_533 = tpu.memref_squeeze %dma_start3A_532 : memref<1x99968xf32, #tpu.memory_space<hbm>> -> memref<99968xf32, #tpu.memory_space<hbm>>
        tpu.enqueue_dma source(%dma_start3A_533 : memref<99968xf32, #tpu.memory_space<hbm>>) target(%dma_start3A_530 : memref<99968xf32, #tpu.memory_space<vmem_shared>>) target_semaphore(%arg28 : memref<!tpu.dma_semaphore, #tpu.memory_space<semaphore_mem>>)
      } else {
      }
      %add3A_411 = arith.constant 1 : i32
      %add3A_412 = arith.addi %mul3A_273, %add3A_411 : i32
      %add3A_413 = arith.addi %mul3A_241, %add3A_412 : i32
      %dma_start3A_414 = arith.constant 0 : i32
      %dma_start3A_415 = tpu.memref_slice %arg18[%dma_start3A_414] : memref<1024xf32, #tpu.memory_space<vmem>> -> memref<128xf32, #tpu.memory_space<vmem>>
      %dma_start3A_416 = arith.constant 0 : i32
      %dma_start3A_417 = tpu.memref_slice %arg16[%dma_start3A_416] : memref<1024xi32, #tpu.memory_space<vmem>> -> memref<128xi32, #tpu.memory_space<vmem>>
      %dma_start3A_418 = arith.constant 0 : i32
      %dma_start3A_419 = tpu.memref_slice %arg26[%dma_start3A_418] : memref<499968xf32, #tpu.memory_space<vmem_shared>> -> memref<499968xf32, #tpu.memory_space<vmem_shared>>
      tpu.enqueue_indirect_dma source(%dma_start3A_419 : memref<499968xf32, #tpu.memory_space<vmem_shared>>) target(%dma_start3A_415 : memref<128xf32, #tpu.memory_space<vmem>>) offsets(%dma_start3A_417 : memref<128xi32, #tpu.memory_space<vmem>>) semaphore(%arg27 : memref<!tpu.dma_semaphore, #tpu.memory_space<semaphore_mem>>)
      %dma_start3A_420 = arith.constant 128 : i32
      %dma_start3A_421 = tpu.memref_slice %arg18[%dma_start3A_420] : memref<1024xf32, #tpu.memory_space<vmem>> -> memref<128xf32, #tpu.memory_space<vmem>>
      %dma_start3A_422 = arith.constant 128 : i32
      %dma_start3A_423 = tpu.memref_slice %arg16[%dma_start3A_422] : memref<1024xi32, #tpu.memory_space<vmem>> -> memref<128xi32, #tpu.memory_space<vmem>>
      %dma_start3A_424 = arith.constant 0 : i32
      %dma_start3A_425 = tpu.memref_slice %arg26[%dma_start3A_424] : memref<499968xf32, #tpu.memory_space<vmem_shared>> -> memref<499968xf32, #tpu.memory_space<vmem_shared>>
      tpu.enqueue_indirect_dma source(%dma_start3A_425 : memref<499968xf32, #tpu.memory_space<vmem_shared>>) target(%dma_start3A_421 : memref<128xf32, #tpu.memory_space<vmem>>) offsets(%dma_start3A_423 : memref<128xi32, #tpu.memory_space<vmem>>) semaphore(%arg27 : memref<!tpu.dma_semaphore, #tpu.memory_space<semaphore_mem>>)
      %dma_start3A_426 = arith.constant 256 : i32
      %dma_start3A_427 = tpu.memref_slice %arg18[%dma_start3A_426] : memref<1024xf32, #tpu.memory_space<vmem>> -> memref<128xf32, #tpu.memory_space<vmem>>
      %dma_start3A_428 = arith.constant 256 : i32
      %dma_start3A_429 = tpu.memref_slice %arg16[%dma_start3A_428] : memref<1024xi32, #tpu.memory_space<vmem>> -> memref<128xi32, #tpu.memory_space<vmem>>
      %dma_start3A_430 = arith.constant 0 : i32
      %dma_start3A_431 = tpu.memref_slice %arg26[%dma_start3A_430] : memref<499968xf32, #tpu.memory_space<vmem_shared>> -> memref<499968xf32, #tpu.memory_space<vmem_shared>>
      tpu.enqueue_indirect_dma source(%dma_start3A_431 : memref<499968xf32, #tpu.memory_space<vmem_shared>>) target(%dma_start3A_427 : memref<128xf32, #tpu.memory_space<vmem>>) offsets(%dma_start3A_429 : memref<128xi32, #tpu.memory_space<vmem>>) semaphore(%arg27 : memref<!tpu.dma_semaphore, #tpu.memory_space<semaphore_mem>>)
      %dma_start3A_432 = arith.constant 384 : i32
      %dma_start3A_433 = tpu.memref_slice %arg18[%dma_start3A_432] : memref<1024xf32, #tpu.memory_space<vmem>> -> memref<128xf32, #tpu.memory_space<vmem>>
      %dma_start3A_434 = arith.constant 384 : i32
      %dma_start3A_435 = tpu.memref_slice %arg16[%dma_start3A_434] : memref<1024xi32, #tpu.memory_space<vmem>> -> memref<128xi32, #tpu.memory_space<vmem>>
      %dma_start3A_436 = arith.constant 0 : i32
      %dma_start3A_437 = tpu.memref_slice %arg26[%dma_start3A_436] : memref<499968xf32, #tpu.memory_space<vmem_shared>> -> memref<499968xf32, #tpu.memory_space<vmem_shared>>
      tpu.enqueue_indirect_dma source(%dma_start3A_437 : memref<499968xf32, #tpu.memory_space<vmem_shared>>) target(%dma_start3A_433 : memref<128xf32, #tpu.memory_space<vmem>>) offsets(%dma_start3A_435 : memref<128xi32, #tpu.memory_space<vmem>>) semaphore(%arg27 : memref<!tpu.dma_semaphore, #tpu.memory_space<semaphore_mem>>)
      %dma_start3A_438 = arith.constant 512 : i32
      %dma_start3A_439 = tpu.memref_slice %arg18[%dma_start3A_438] : memref<1024xf32, #tpu.memory_space<vmem>> -> memref<128xf32, #tpu.memory_space<vmem>>
      %dma_start3A_440 = arith.constant 512 : i32
      %dma_start3A_441 = tpu.memref_slice %arg16[%dma_start3A_440] : memref<1024xi32, #tpu.memory_space<vmem>> -> memref<128xi32, #tpu.memory_space<vmem>>
      %dma_start3A_442 = arith.constant 0 : i32
      %dma_start3A_443 = tpu.memref_slice %arg26[%dma_start3A_442] : memref<499968xf32, #tpu.memory_space<vmem_shared>> -> memref<499968xf32, #tpu.memory_space<vmem_shared>>
      tpu.enqueue_indirect_dma source(%dma_start3A_443 : memref<499968xf32, #tpu.memory_space<vmem_shared>>) target(%dma_start3A_439 : memref<128xf32, #tpu.memory_space<vmem>>) offsets(%dma_start3A_441 : memref<128xi32, #tpu.memory_space<vmem>>) semaphore(%arg27 : memref<!tpu.dma_semaphore, #tpu.memory_space<semaphore_mem>>)
      %dma_start3A_444 = arith.constant 640 : i32
      %dma_start3A_445 = tpu.memref_slice %arg18[%dma_start3A_444] : memref<1024xf32, #tpu.memory_space<vmem>> -> memref<128xf32, #tpu.memory_space<vmem>>
      %dma_start3A_446 = arith.constant 640 : i32
      %dma_start3A_447 = tpu.memref_slice %arg16[%dma_start3A_446] : memref<1024xi32, #tpu.memory_space<vmem>> -> memref<128xi32, #tpu.memory_space<vmem>>
      %dma_start3A_448 = arith.constant 0 : i32
      %dma_start3A_449 = tpu.memref_slice %arg26[%dma_start3A_448] : memref<499968xf32, #tpu.memory_space<vmem_shared>> -> memref<499968xf32, #tpu.memory_space<vmem_shared>>
      tpu.enqueue_indirect_dma source(%dma_start3A_449 : memref<499968xf32, #tpu.memory_space<vmem_shared>>) target(%dma_start3A_445 : memref<128xf32, #tpu.memory_space<vmem>>) offsets(%dma_start3A_447 : memref<128xi32, #tpu.memory_space<vmem>>) semaphore(%arg27 : memref<!tpu.dma_semaphore, #tpu.memory_space<semaphore_mem>>)
      %dma_start3A_450 = arith.constant 768 : i32
      %dma_start3A_451 = tpu.memref_slice %arg18[%dma_start3A_450] : memref<1024xf32, #tpu.memory_space<vmem>> -> memref<128xf32, #tpu.memory_space<vmem>>
      %dma_start3A_452 = arith.constant 768 : i32
      %dma_start3A_453 = tpu.memref_slice %arg16[%dma_start3A_452] : memref<1024xi32, #tpu.memory_space<vmem>> -> memref<128xi32, #tpu.memory_space<vmem>>
      %dma_start3A_454 = arith.constant 0 : i32
      %dma_start3A_455 = tpu.memref_slice %arg26[%dma_start3A_454] : memref<499968xf32, #tpu.memory_space<vmem_shared>> -> memref<499968xf32, #tpu.memory_space<vmem_shared>>
      tpu.enqueue_indirect_dma source(%dma_start3A_455 : memref<499968xf32, #tpu.memory_space<vmem_shared>>) target(%dma_start3A_451 : memref<128xf32, #tpu.memory_space<vmem>>) offsets(%dma_start3A_453 : memref<128xi32, #tpu.memory_space<vmem>>) semaphore(%arg27 : memref<!tpu.dma_semaphore, #tpu.memory_space<semaphore_mem>>)
      %dma_start3A_456 = arith.constant 896 : i32
      %dma_start3A_457 = tpu.memref_slice %arg18[%dma_start3A_456] : memref<1024xf32, #tpu.memory_space<vmem>> -> memref<128xf32, #tpu.memory_space<vmem>>
      %dma_start3A_458 = arith.constant 896 : i32
      %dma_start3A_459 = tpu.memref_slice %arg16[%dma_start3A_458] : memref<1024xi32, #tpu.memory_space<vmem>> -> memref<128xi32, #tpu.memory_space<vmem>>
      %dma_start3A_460 = arith.constant 0 : i32
      %dma_start3A_461 = tpu.memref_slice %arg26[%dma_start3A_460] : memref<499968xf32, #tpu.memory_space<vmem_shared>> -> memref<499968xf32, #tpu.memory_space<vmem_shared>>
      tpu.enqueue_indirect_dma source(%dma_start3A_461 : memref<499968xf32, #tpu.memory_space<vmem_shared>>) target(%dma_start3A_457 : memref<128xf32, #tpu.memory_space<vmem>>) offsets(%dma_start3A_459 : memref<128xi32, #tpu.memory_space<vmem>>) semaphore(%arg27 : memref<!tpu.dma_semaphore, #tpu.memory_space<semaphore_mem>>)
      %dma_wait3A_462 = arith.constant 0 : i32
      %dma_wait3A_463 = tpu.memref_slice %arg18[%dma_wait3A_462] : memref<1024xf32, #tpu.memory_space<vmem>> -> memref<128xf32, #tpu.memory_space<vmem>>
      %dma_wait3A_464 = arith.constant 0 : i32
      %dma_wait3A_465 = tpu.memref_slice %arg16[%dma_wait3A_464] : memref<1024xi32, #tpu.memory_space<vmem>> -> memref<128xi32, #tpu.memory_space<vmem>>
      %dma_wait3A_466 = arith.constant 0 : i32
      %dma_wait3A_467 = tpu.memref_slice %arg26[%dma_wait3A_466] : memref<499968xf32, #tpu.memory_space<vmem_shared>> -> memref<499968xf32, #tpu.memory_space<vmem_shared>>
      tpu.wait_indirect_dma semaphore(%arg27 : memref<!tpu.dma_semaphore, #tpu.memory_space<semaphore_mem>>) src(%dma_wait3A_467 : memref<499968xf32, #tpu.memory_space<vmem_shared>>) dst(%dma_wait3A_463 : memref<128xf32, #tpu.memory_space<vmem>>)
      %dma_wait3A_468 = arith.constant 128 : i32
      %dma_wait3A_469 = tpu.memref_slice %arg18[%dma_wait3A_468] : memref<1024xf32, #tpu.memory_space<vmem>> -> memref<128xf32, #tpu.memory_space<vmem>>
      %dma_wait3A_470 = arith.constant 128 : i32
      %dma_wait3A_471 = tpu.memref_slice %arg16[%dma_wait3A_470] : memref<1024xi32, #tpu.memory_space<vmem>> -> memref<128xi32, #tpu.memory_space<vmem>>
      %dma_wait3A_472 = arith.constant 0 : i32
      %dma_wait3A_473 = tpu.memref_slice %arg26[%dma_wait3A_472] : memref<499968xf32, #tpu.memory_space<vmem_shared>> -> memref<499968xf32, #tpu.memory_space<vmem_shared>>
      tpu.wait_indirect_dma semaphore(%arg27 : memref<!tpu.dma_semaphore, #tpu.memory_space<semaphore_mem>>) src(%dma_wait3A_473 : memref<499968xf32, #tpu.memory_space<vmem_shared>>) dst(%dma_wait3A_469 : memref<128xf32, #tpu.memory_space<vmem>>)
      %dma_wait3A_474 = arith.constant 256 : i32
      %dma_wait3A_475 = tpu.memref_slice %arg18[%dma_wait3A_474] : memref<1024xf32, #tpu.memory_space<vmem>> -> memref<128xf32, #tpu.memory_space<vmem>>
      %dma_wait3A_476 = arith.constant 256 : i32
      %dma_wait3A_477 = tpu.memref_slice %arg16[%dma_wait3A_476] : memref<1024xi32, #tpu.memory_space<vmem>> -> memref<128xi32, #tpu.memory_space<vmem>>
      %dma_wait3A_478 = arith.constant 0 : i32
      %dma_wait3A_479 = tpu.memref_slice %arg26[%dma_wait3A_478] : memref<499968xf32, #tpu.memory_space<vmem_shared>> -> memref<499968xf32, #tpu.memory_space<vmem_shared>>
      tpu.wait_indirect_dma semaphore(%arg27 : memref<!tpu.dma_semaphore, #tpu.memory_space<semaphore_mem>>) src(%dma_wait3A_479 : memref<499968xf32, #tpu.memory_space<vmem_shared>>) dst(%dma_wait3A_475 : memref<128xf32, #tpu.memory_space<vmem>>)
      %dma_wait3A_480 = arith.constant 384 : i32
      %dma_wait3A_481 = tpu.memref_slice %arg18[%dma_wait3A_480] : memref<1024xf32, #tpu.memory_space<vmem>> -> memref<128xf32, #tpu.memory_space<vmem>>
      %dma_wait3A_482 = arith.constant 384 : i32
      %dma_wait3A_483 = tpu.memref_slice %arg16[%dma_wait3A_482] : memref<1024xi32, #tpu.memory_space<vmem>> -> memref<128xi32, #tpu.memory_space<vmem>>
      %dma_wait3A_484 = arith.constant 0 : i32
      %dma_wait3A_485 = tpu.memref_slice %arg26[%dma_wait3A_484] : memref<499968xf32, #tpu.memory_space<vmem_shared>> -> memref<499968xf32, #tpu.memory_space<vmem_shared>>
      tpu.wait_indirect_dma semaphore(%arg27 : memref<!tpu.dma_semaphore, #tpu.memory_space<semaphore_mem>>) src(%dma_wait3A_485 : memref<499968xf32, #tpu.memory_space<vmem_shared>>) dst(%dma_wait3A_481 : memref<128xf32, #tpu.memory_space<vmem>>)
      %dma_wait3A_486 = arith.constant 512 : i32
      %dma_wait3A_487 = tpu.memref_slice %arg18[%dma_wait3A_486] : memref<1024xf32, #tpu.memory_space<vmem>> -> memref<128xf32, #tpu.memory_space<vmem>>
      %dma_wait3A_488 = arith.constant 512 : i32
      %dma_wait3A_489 = tpu.memref_slice %arg16[%dma_wait3A_488] : memref<1024xi32, #tpu.memory_space<vmem>> -> memref<128xi32, #tpu.memory_space<vmem>>
      %dma_wait3A_490 = arith.constant 0 : i32
      %dma_wait3A_491 = tpu.memref_slice %arg26[%dma_wait3A_490] : memref<499968xf32, #tpu.memory_space<vmem_shared>> -> memref<499968xf32, #tpu.memory_space<vmem_shared>>
      tpu.wait_indirect_dma semaphore(%arg27 : memref<!tpu.dma_semaphore, #tpu.memory_space<semaphore_mem>>) src(%dma_wait3A_491 : memref<499968xf32, #tpu.memory_space<vmem_shared>>) dst(%dma_wait3A_487 : memref<128xf32, #tpu.memory_space<vmem>>)
      %dma_wait3A_492 = arith.constant 640 : i32
      %dma_wait3A_493 = tpu.memref_slice %arg18[%dma_wait3A_492] : memref<1024xf32, #tpu.memory_space<vmem>> -> memref<128xf32, #tpu.memory_space<vmem>>
      %dma_wait3A_494 = arith.constant 640 : i32
      %dma_wait3A_495 = tpu.memref_slice %arg16[%dma_wait3A_494] : memref<1024xi32, #tpu.memory_space<vmem>> -> memref<128xi32, #tpu.memory_space<vmem>>
      %dma_wait3A_496 = arith.constant 0 : i32
      %dma_wait3A_497 = tpu.memref_slice %arg26[%dma_wait3A_496] : memref<499968xf32, #tpu.memory_space<vmem_shared>> -> memref<499968xf32, #tpu.memory_space<vmem_shared>>
      tpu.wait_indirect_dma semaphore(%arg27 : memref<!tpu.dma_semaphore, #tpu.memory_space<semaphore_mem>>) src(%dma_wait3A_497 : memref<499968xf32, #tpu.memory_space<vmem_shared>>) dst(%dma_wait3A_493 : memref<128xf32, #tpu.memory_space<vmem>>)
      %dma_wait3A_498 = arith.constant 768 : i32
      %dma_wait3A_499 = tpu.memref_slice %arg18[%dma_wait3A_498] : memref<1024xf32, #tpu.memory_space<vmem>> -> memref<128xf32, #tpu.memory_space<vmem>>
      %dma_wait3A_500 = arith.constant 768 : i32
      %dma_wait3A_501 = tpu.memref_slice %arg16[%dma_wait3A_500] : memref<1024xi32, #tpu.memory_space<vmem>> -> memref<128xi32, #tpu.memory_space<vmem>>
      %dma_wait3A_502 = arith.constant 0 : i32
      %dma_wait3A_503 = tpu.memref_slice %arg26[%dma_wait3A_502] : memref<499968xf32, #tpu.memory_space<vmem_shared>> -> memref<499968xf32, #tpu.memory_space<vmem_shared>>
      tpu.wait_indirect_dma semaphore(%arg27 : memref<!tpu.dma_semaphore, #tpu.memory_space<semaphore_mem>>) src(%dma_wait3A_503 : memref<499968xf32, #tpu.memory_space<vmem_shared>>) dst(%dma_wait3A_499 : memref<128xf32, #tpu.memory_space<vmem>>)
      %dma_wait3A_504 = arith.constant 896 : i32
      %dma_wait3A_505 = tpu.memref_slice %arg18[%dma_wait3A_504] : memref<1024xf32, #tpu.memory_space<vmem>> -> memref<128xf32, #tpu.memory_space<vmem>>
      %dma_wait3A_506 = arith.constant 896 : i32
      %dma_wait3A_507 = tpu.memref_slice %arg16[%dma_wait3A_506] : memref<1024xi32, #tpu.memory_space<vmem>> -> memref<128xi32, #tpu.memory_space<vmem>>
      %dma_wait3A_508 = arith.constant 0 : i32
      %dma_wait3A_509 = tpu.memref_slice %arg26[%dma_wait3A_508] : memref<499968xf32, #tpu.memory_space<vmem_shared>> -> memref<499968xf32, #tpu.memory_space<vmem_shared>>
      tpu.wait_indirect_dma semaphore(%arg27 : memref<!tpu.dma_semaphore, #tpu.memory_space<semaphore_mem>>) src(%dma_wait3A_509 : memref<499968xf32, #tpu.memory_space<vmem_shared>>) dst(%dma_wait3A_505 : memref<128xf32, #tpu.memory_space<vmem>>)
      %add3A_510 = arith.constant 16 : i32
      %add3A_511 = arith.addi %add3A_510, %add3A_413 : i32
      %mul3A_512 = arith.constant 16 : i32
      %mul3A_513 = arith.muli %add3A_511, %mul3A_512 : i32
      %get3A_514 = arith.index_cast %mul3A_513 : i32 to index
      %get3A_515 = tpu.vector_load %arg24[%get3A_514] {strides = array<i32>} : memref<1232xf32, #tpu.memory_space<vmem>>, vector<16xf32>,
      %mul3A_516 = arith.constant 32 : i32
      %mul3A_517 = arith.muli %add3A_413, %mul3A_516 : i32
      %scan3A_518 = arith.constant 0 : i32
      %scan3A_519 = arith.constant 0 : i32
      %scan3A_520 = arith.constant 64 : i32
      %scan3A_521 = arith.addi %scan3A_519, %scan3A_520 : i32
      %scan3A_522 = arith.constant 1 : i32
      %scan3A_523 = scf.for %scan3A_526 = %scan3A_519 to %scan3A_521 step %scan3A_522 iter_args(%scan3A_527 = %scan3A_518) -> (i32)  : i32 {
        %mul3A_528 = arith.constant 16 : i32
        %mul3A_529 = arith.muli %scan3A_526, %mul3A_528 : i32
        %get3A_530 = arith.index_cast %mul3A_529 : i32 to index
        %get3A_531 = tpu.vector_load %arg14[%get3A_530] {strides = array<i32>} : memref<1024xi32, #tpu.memory_space<vmem>>, vector<16xi32>,
        %sub3A = arith.constant 99968 : i32
        %sub3A_532 = vector.broadcast %sub3A : i32 to vector<16xi32>
        %sub3A_533 = arith.subi %get3A_531, %sub3A_532 : vector<16xi32>
        %max3A = arith.constant 0 : i32
        %max3A_534 = vector.broadcast %max3A : i32 to vector<16xi32>
        %max3A_535 = arith.maxsi %sub3A_533, %max3A_534 : vector<16xi32>
        %add3A_536 = vector.broadcast %mul3A_517 : i32 to vector<16xi32>
        %add3A_537 = arith.addi %max3A_535, %add3A_536 : vector<16xi32>
        %gather3A = tpu.vector_load_idx %arg22[%add3A_537] : memref<512xf32, #tpu.memory_space<vmem>>[vector<16xi32>], vector<16xf32>,
        %ge3A = arith.constant 99968 : i32
        %ge3A_538 = vector.broadcast %ge3A : i32 to vector<16xi32>
        %ge3A_539 = arith.cmpi sge, %get3A_531, %ge3A_538 : vector<16xi32>
        %get3A_540 = arith.index_cast %mul3A_529 : i32 to index
        %get3A_541 = tpu.vector_load %arg18[%get3A_540] {strides = array<i32>} : memref<1024xf32, #tpu.memory_space<vmem>>, vector<16xf32>,
        %select_n3A = arith.select %ge3A_539, %gather3A, %get3A_541 : vector<16xi1>, vector<16xf32>
        %get3A_542 = arith.index_cast %mul3A_529 : i32 to index
        %get3A_543 = tpu.vector_load %arg19[%get3A_542] {strides = array<i32>} : memref<1024xf32, #tpu.memory_space<vmem>>, vector<16xf32>,
        %mul3A_544 = arith.mulf %select_n3A, %get3A_515 : vector<16xf32>
        %add3A_545 = arith.addf %get3A_543, %mul3A_544 : vector<16xf32>
        %swap3A = arith.index_cast %mul3A_529 : i32 to index
        %swap3A_546 = tpu.vector_load %arg19[%swap3A] {strides = array<i32>} : memref<1024xf32, #tpu.memory_space<vmem>>, vector<16xf32>,
        tpu.vector_store %arg19[%swap3A], %add3A_545 {strides = array<i32>} : memref<1024xf32, #tpu.memory_space<vmem>>, vector<16xf32>,
        %scan3A_547 = arith.constant 0 : i32
        scf.yield %scan3A_547 : i32
      }
      %scan3A_524 = arith.constant 64 : i32
      %scan3A_525 = arith.constant 0 : i32
      scf.yield %scan3A_525 : i32
    }
    %scan3A_253 = arith.constant 4 : i32
    %mul3A_254 = arith.constant 16 : i32
    %mul3A_255 = arith.muli %arg0, %mul3A_254 : i32
    %eq3A_256 = arith.constant 0 : i32
    %eq3A_257 = arith.cmpi eq, %arg1, %eq3A_256 : i32
    %convert_element_type3A_258 = arith.extui %eq3A_257 : i1 to i32
    %cond3A_259 = arith.constant 0 : i32
    %cond3A_260 = arith.cmpi ne, %convert_element_type3A_258, %cond3A_259 : i32
    scf.if %cond3A_260 {
      %add3A_270 = arith.constant 0 : i32
      %add3A_271 = arith.addi %mul3A_255, %add3A_270 : i32
      %dma_start3A_272 = arith.constant 0 : i32
      %dma_start3A_273 = tpu.memref_slice %arg25[%dma_start3A_272] : memref<499968xf32, #tpu.memory_space<vmem_shared>> -> memref<499968xf32, #tpu.memory_space<vmem_shared>>
      %dma_start3A_274 = arith.constant 0 : i32
      %dma_start3A_275 = tpu.memref_slice %arg8[%add3A_271, %dma_start3A_274] : memref<32x1000000xf32, #tpu.memory_space<hbm>> -> memref<1x499968xf32, #tpu.memory_space<hbm>>
      %dma_start3A_276 = tpu.memref_squeeze %dma_start3A_275 : memref<1x499968xf32, #tpu.memory_space<hbm>> -> memref<499968xf32, #tpu.memory_space<hbm>>
      tpu.enqueue_dma source(%dma_start3A_276 : memref<499968xf32, #tpu.memory_space<hbm>>) target(%dma_start3A_273 : memref<499968xf32, #tpu.memory_space<vmem_shared>>) target_semaphore(%arg28 : memref<!tpu.dma_semaphore, #tpu.memory_space<semaphore_mem>>)
    } else {
    }
    %scan3A_261 = arith.constant 0 : i32
    %scan3A_262 = arith.constant 0 : i32
    %scan3A_263 = arith.constant 16 : i32
    %scan3A_264 = arith.addi %scan3A_262, %scan3A_263 : i32
    %scan3A_265 = arith.constant 1 : i32
    %scan3A_266 = scf.for %scan3A_270 = %scan3A_262 to %scan3A_264 step %scan3A_265 iter_args(%scan3A_271 = %scan3A_261) -> (i32)  : i32 {
      %mul3A_272 = arith.constant 2 : i32
      %mul3A_273 = arith.muli %mul3A_272, %scan3A_270 : i32
      %eq3A_274 = arith.constant 0 : i32
      %eq3A_275 = arith.cmpi eq, %arg1, %eq3A_274 : i32
      %convert_element_type3A_276 = arith.extui %eq3A_275 : i1 to i32
      %cond3A_277 = arith.constant 0 : i32
      %cond3A_278 = arith.cmpi ne, %convert_element_type3A_276, %cond3A_277 : i32
      scf.if %cond3A_278 {
        %jit3A_648 = arith.constant 2 : i32
        %div3A_649 = arith.divsi %mul3A_273, %jit3A_648 : i32
        %sign3A_650 = arith.constant 0 : i32
        %sign3A_651 = arith.cmpi sgt, %mul3A_273, %sign3A_650 : i32
        %sign3A_652 = arith.extui %sign3A_651 : i1 to i32
        %sign3A_653 = arith.constant 0 : i32
        %sign3A_654 = arith.cmpi slt, %mul3A_273, %sign3A_653 : i32
        %sign3A_655 = arith.extui %sign3A_654 : i1 to i32
        %sign3A_656 = arith.subi %sign3A_652, %sign3A_655 : i32
        %sign3A_657 = arith.constant 0 : i32
        %sign3A_658 = arith.cmpi sgt, %jit3A_648, %sign3A_657 : i32
        %sign3A_659 = arith.extui %sign3A_658 : i1 to i32
        %sign3A_660 = arith.constant 0 : i32
        %sign3A_661 = arith.cmpi slt, %jit3A_648, %sign3A_660 : i32
        %sign3A_662 = arith.extui %sign3A_661 : i1 to i32
        %sign3A_663 = arith.subi %sign3A_659, %sign3A_662 : i32
        %ne3A_664 = arith.cmpi ne, %sign3A_656, %sign3A_663 : i32
        %rem3A_665 = arith.remsi %mul3A_273, %jit3A_648 : i32
        %ne3A_666 = arith.constant 0 : i32
        %ne3A_667 = arith.cmpi ne, %rem3A_665, %ne3A_666 : i32
        %and3A_668 = arith.andi %ne3A_664, %ne3A_667 : i1
        %sub3A_669 = arith.constant 1 : i32
        %sub3A_670 = arith.subi %div3A_649, %sub3A_669 : i32
        %select_n3A_671 = arith.select %and3A_668, %sub3A_670, %div3A_649 : i32
        %add3A_672 = arith.addi %mul3A_255, %select_n3A_671 : i32
        %jit3A_673 = arith.constant 2 : i32
        %eq3A_674 = arith.constant 0 : i32
        %eq3A_675 = arith.cmpi eq, %jit3A_673, %eq3A_674 : i32
        %jit3A_676 = arith.constant 1 : i32
        %select_n3A_677 = arith.select %eq3A_675, %jit3A_676, %jit3A_673 : i32
        %rem3A_678 = arith.remsi %mul3A_273, %select_n3A_677 : i32
        %ne3A_679 = arith.constant 0 : i32
        %ne3A_680 = arith.cmpi ne, %rem3A_678, %ne3A_679 : i32
        %lt3A_681 = arith.constant 0 : i32
        %lt3A_682 = arith.cmpi slt, %rem3A_678, %lt3A_681 : i32
        %lt3A_683 = arith.constant 0 : i32
        %lt3A_684 = arith.cmpi slt, %select_n3A_677, %lt3A_683 : i32
        %ne3A_685 = arith.xori %lt3A_682, %lt3A_684 : i1
        %and3A_686 = arith.andi %ne3A_685, %ne3A_680 : i1
        %add3A_687 = arith.addi %rem3A_678, %select_n3A_677 : i32
        %select_n3A_688 = arith.select %and3A_686, %add3A_687, %rem3A_678 : i32
        %mul3A_689 = arith.constant 499968 : i32
        %mul3A_690 = arith.muli %select_n3A_688, %mul3A_689 : i32
        %dma_wait3A_691 = arith.constant 0 : i32
        %dma_wait3A_692 = tpu.memref_slice %arg25[%dma_wait3A_691] : memref<499968xf32, #tpu.memory_space<vmem_shared>> -> memref<499968xf32, #tpu.memory_space<vmem_shared>>
        %dma_wait3A_693 = tpu.memref_slice %arg8[%add3A_672, %mul3A_690] : memref<32x1000000xf32, #tpu.memory_space<hbm>> -> memref<1x499968xf32, #tpu.memory_space<hbm>>
        %dma_wait3A_694 = tpu.memref_squeeze %dma_wait3A_693 : memref<1x499968xf32, #tpu.memory_space<hbm>> -> memref<499968xf32, #tpu.memory_space<hbm>>
        tpu.wait_dma2 semaphore(%arg28 : memref<!tpu.dma_semaphore, #tpu.memory_space<semaphore_mem>>) src(%dma_wait3A_694 : memref<499968xf32, #tpu.memory_space<hbm>>) dst(%dma_wait3A_692 : memref<499968xf32, #tpu.memory_space<vmem_shared>>)
      } else {
      }
      %barrier3A = arith.constant 0 : index
      tpu.barrier barrier_id(%barrier3A)
      %eq3A_279 = arith.constant 0 : i32
      %eq3A_280 = arith.cmpi eq, %arg1, %eq3A_279 : i32
      %convert_element_type3A_281 = arith.extui %eq3A_280 : i1 to i32
      %cond3A_282 = arith.constant 0 : i32
      %cond3A_283 = arith.cmpi ne, %convert_element_type3A_281, %cond3A_282 : i32
      scf.if %cond3A_283 {
        %add3A_648 = arith.constant 1 : i32
        %add3A_649 = arith.addi %mul3A_273, %add3A_648 : i32
        %jit3A_650 = arith.constant 2 : i32
        %div3A_651 = arith.divsi %add3A_649, %jit3A_650 : i32
        %sign3A_652 = arith.constant 0 : i32
        %sign3A_653 = arith.cmpi sgt, %add3A_649, %sign3A_652 : i32
        %sign3A_654 = arith.extui %sign3A_653 : i1 to i32
        %sign3A_655 = arith.constant 0 : i32
        %sign3A_656 = arith.cmpi slt, %add3A_649, %sign3A_655 : i32
        %sign3A_657 = arith.extui %sign3A_656 : i1 to i32
        %sign3A_658 = arith.subi %sign3A_654, %sign3A_657 : i32
        %sign3A_659 = arith.constant 0 : i32
        %sign3A_660 = arith.cmpi sgt, %jit3A_650, %sign3A_659 : i32
        %sign3A_661 = arith.extui %sign3A_660 : i1 to i32
        %sign3A_662 = arith.constant 0 : i32
        %sign3A_663 = arith.cmpi slt, %jit3A_650, %sign3A_662 : i32
        %sign3A_664 = arith.extui %sign3A_663 : i1 to i32
        %sign3A_665 = arith.subi %sign3A_661, %sign3A_664 : i32
        %ne3A_666 = arith.cmpi ne, %sign3A_658, %sign3A_665 : i32
        %rem3A_667 = arith.remsi %add3A_649, %jit3A_650 : i32
        %ne3A_668 = arith.constant 0 : i32
        %ne3A_669 = arith.cmpi ne, %rem3A_667, %ne3A_668 : i32
        %and3A_670 = arith.andi %ne3A_666, %ne3A_669 : i1
        %sub3A_671 = arith.constant 1 : i32
        %sub3A_672 = arith.subi %div3A_651, %sub3A_671 : i32
        %select_n3A_673 = arith.select %and3A_670, %sub3A_672, %div3A_651 : i32
        %add3A_674 = arith.addi %mul3A_255, %select_n3A_673 : i32
        %jit3A_675 = arith.constant 2 : i32
        %eq3A_676 = arith.constant 0 : i32
        %eq3A_677 = arith.cmpi eq, %jit3A_675, %eq3A_676 : i32
        %jit3A_678 = arith.constant 1 : i32
        %select_n3A_679 = arith.select %eq3A_677, %jit3A_678, %jit3A_675 : i32
        %rem3A_680 = arith.remsi %add3A_649, %select_n3A_679 : i32
        %ne3A_681 = arith.constant 0 : i32
        %ne3A_682 = arith.cmpi ne, %rem3A_680, %ne3A_681 : i32
        %lt3A_683 = arith.constant 0 : i32
        %lt3A_684 = arith.cmpi slt, %rem3A_680, %lt3A_683 : i32
        %lt3A_685 = arith.constant 0 : i32
        %lt3A_686 = arith.cmpi slt, %select_n3A_679, %lt3A_685 : i32
        %ne3A_687 = arith.xori %lt3A_684, %lt3A_686 : i1
        %and3A_688 = arith.andi %ne3A_687, %ne3A_682 : i1
        %add3A_689 = arith.addi %rem3A_680, %select_n3A_679 : i32
        %select_n3A_690 = arith.select %and3A_688, %add3A_689, %rem3A_680 : i32
        %mul3A_691 = arith.constant 499968 : i32
        %mul3A_692 = arith.muli %select_n3A_690, %mul3A_691 : i32
        %dma_start3A_693 = arith.constant 0 : i32
        %dma_start3A_694 = tpu.memref_slice %arg26[%dma_start3A_693] : memref<499968xf32, #tpu.memory_space<vmem_shared>> -> memref<499968xf32, #tpu.memory_space<vmem_shared>>
        %dma_start3A_695 = tpu.memref_slice %arg8[%add3A_674, %mul3A_692] : memref<32x1000000xf32, #tpu.memory_space<hbm>> -> memref<1x499968xf32, #tpu.memory_space<hbm>>
        %dma_start3A_696 = tpu.memref_squeeze %dma_start3A_695 : memref<1x499968xf32, #tpu.memory_space<hbm>> -> memref<499968xf32, #tpu.memory_space<hbm>>
        tpu.enqueue_dma source(%dma_start3A_696 : memref<499968xf32, #tpu.memory_space<hbm>>) target(%dma_start3A_694 : memref<499968xf32, #tpu.memory_space<vmem_shared>>) target_semaphore(%arg29 : memref<!tpu.dma_semaphore, #tpu.memory_space<semaphore_mem>>)
      } else {
      }
      %jit3A = arith.constant 2 : i32
      %div3A = arith.divsi %mul3A_273, %jit3A : i32
      %sign3A = arith.constant 0 : i32
      %sign3A_284 = arith.cmpi sgt, %mul3A_273, %sign3A : i32
      %sign3A_285 = arith.extui %sign3A_284 : i1 to i32
      %sign3A_286 = arith.constant 0 : i32
      %sign3A_287 = arith.cmpi slt, %mul3A_273, %sign3A_286 : i32
      %sign3A_288 = arith.extui %sign3A_287 : i1 to i32
      %sign3A_289 = arith.subi %sign3A_285, %sign3A_288 : i32
      %sign3A_290 = arith.constant 0 : i32
      %sign3A_291 = arith.cmpi sgt, %jit3A, %sign3A_290 : i32
      %sign3A_292 = arith.extui %sign3A_291 : i1 to i32
      %sign3A_293 = arith.constant 0 : i32
      %sign3A_294 = arith.cmpi slt, %jit3A, %sign3A_293 : i32
      %sign3A_295 = arith.extui %sign3A_294 : i1 to i32
      %sign3A_296 = arith.subi %sign3A_292, %sign3A_295 : i32
      %ne3A = arith.cmpi ne, %sign3A_289, %sign3A_296 : i32
      %rem3A = arith.remsi %mul3A_273, %jit3A : i32
      %ne3A_297 = arith.constant 0 : i32
      %ne3A_298 = arith.cmpi ne, %rem3A, %ne3A_297 : i32
      %and3A = arith.andi %ne3A, %ne3A_298 : i1
      %sub3A = arith.constant 1 : i32
      %sub3A_299 = arith.subi %div3A, %sub3A : i32
      %select_n3A = arith.select %and3A, %sub3A_299, %div3A : i32
      %add3A_300 = arith.addi %mul3A_255, %select_n3A : i32
      %jit3A_301 = arith.constant 2 : i32
      %eq3A_302 = arith.constant 0 : i32
      %eq3A_303 = arith.cmpi eq, %jit3A_301, %eq3A_302 : i32
      %jit3A_304 = arith.constant 1 : i32
      %select_n3A_305 = arith.select %eq3A_303, %jit3A_304, %jit3A_301 : i32
      %rem3A_306 = arith.remsi %mul3A_273, %select_n3A_305 : i32
      %ne3A_307 = arith.constant 0 : i32
      %ne3A_308 = arith.cmpi ne, %rem3A_306, %ne3A_307 : i32
      %lt3A = arith.constant 0 : i32
      %lt3A_309 = arith.cmpi slt, %rem3A_306, %lt3A : i32
      %lt3A_310 = arith.constant 0 : i32
      %lt3A_311 = arith.cmpi slt, %select_n3A_305, %lt3A_310 : i32
      %ne3A_312 = arith.xori %lt3A_309, %lt3A_311 : i1
      %and3A_313 = arith.andi %ne3A_312, %ne3A_308 : i1
      %add3A_314 = arith.addi %rem3A_306, %select_n3A_305 : i32
      %select_n3A_315 = arith.select %and3A_313, %add3A_314, %rem3A_306 : i32
      %mul3A_316 = arith.constant 499968 : i32
      %mul3A_317 = arith.muli %select_n3A_315, %mul3A_316 : i32
      %mul3A_318 = arith.constant 1024 : i32
      %mul3A_319 = arith.muli %select_n3A_315, %mul3A_318 : i32
      %add3A_320 = arith.constant 0 : i32
      %add3A_321 = arith.addi %mul3A_319, %add3A_320 : i32
      %dma_start3A_322 = arith.constant 0 : i32
      %dma_start3A_323 = tpu.memref_slice %arg18[%dma_start3A_322] : memref<1024xf32, #tpu.memory_space<vmem>> -> memref<128xf32, #tpu.memory_space<vmem>>
      %dma_start3A_324 = tpu.memref_slice %arg17[%add3A_321] : memref<2048xi32, #tpu.memory_space<vmem>> -> memref<128xi32, #tpu.memory_space<vmem>>
      %dma_start3A_325 = arith.constant 0 : i32
      %dma_start3A_326 = tpu.memref_slice %arg25[%dma_start3A_325] : memref<499968xf32, #tpu.memory_space<vmem_shared>> -> memref<499968xf32, #tpu.memory_space<vmem_shared>>
      tpu.enqueue_indirect_dma source(%dma_start3A_326 : memref<499968xf32, #tpu.memory_space<vmem_shared>>) target(%dma_start3A_323 : memref<128xf32, #tpu.memory_space<vmem>>) offsets(%dma_start3A_324 : memref<128xi32, #tpu.memory_space<vmem>>) semaphore(%arg27 : memref<!tpu.dma_semaphore, #tpu.memory_space<semaphore_mem>>)
      %mul3A_327 = arith.constant 1024 : i32
      %mul3A_328 = arith.muli %select_n3A_315, %mul3A_327 : i32
      %add3A_329 = arith.constant 128 : i32
      %add3A_330 = arith.addi %mul3A_328, %add3A_329 : i32
      %dma_start3A_331 = arith.constant 128 : i32
      %dma_start3A_332 = tpu.memref_slice %arg18[%dma_start3A_331] : memref<1024xf32, #tpu.memory_space<vmem>> -> memref<128xf32, #tpu.memory_space<vmem>>
      %dma_start3A_333 = tpu.memref_slice %arg17[%add3A_330] : memref<2048xi32, #tpu.memory_space<vmem>> -> memref<128xi32, #tpu.memory_space<vmem>>
      %dma_start3A_334 = arith.constant 0 : i32
      %dma_start3A_335 = tpu.memref_slice %arg25[%dma_start3A_334] : memref<499968xf32, #tpu.memory_space<vmem_shared>> -> memref<499968xf32, #tpu.memory_space<vmem_shared>>
      tpu.enqueue_indirect_dma source(%dma_start3A_335 : memref<499968xf32, #tpu.memory_space<vmem_shared>>) target(%dma_start3A_332 : memref<128xf32, #tpu.memory_space<vmem>>) offsets(%dma_start3A_333 : memref<128xi32, #tpu.memory_space<vmem>>) semaphore(%arg27 : memref<!tpu.dma_semaphore, #tpu.memory_space<semaphore_mem>>)
      %mul3A_336 = arith.constant 1024 : i32
      %mul3A_337 = arith.muli %select_n3A_315, %mul3A_336 : i32
      %add3A_338 = arith.constant 256 : i32
      %add3A_339 = arith.addi %mul3A_337, %add3A_338 : i32
      %dma_start3A_340 = arith.constant 256 : i32
      %dma_start3A_341 = tpu.memref_slice %arg18[%dma_start3A_340] : memref<1024xf32, #tpu.memory_space<vmem>> -> memref<128xf32, #tpu.memory_space<vmem>>
      %dma_start3A_342 = tpu.memref_slice %arg17[%add3A_339] : memref<2048xi32, #tpu.memory_space<vmem>> -> memref<128xi32, #tpu.memory_space<vmem>>
      %dma_start3A_343 = arith.constant 0 : i32
      %dma_start3A_344 = tpu.memref_slice %arg25[%dma_start3A_343] : memref<499968xf32, #tpu.memory_space<vmem_shared>> -> memref<499968xf32, #tpu.memory_space<vmem_shared>>
      tpu.enqueue_indirect_dma source(%dma_start3A_344 : memref<499968xf32, #tpu.memory_space<vmem_shared>>) target(%dma_start3A_341 : memref<128xf32, #tpu.memory_space<vmem>>) offsets(%dma_start3A_342 : memref<128xi32, #tpu.memory_space<vmem>>) semaphore(%arg27 : memref<!tpu.dma_semaphore, #tpu.memory_space<semaphore_mem>>)
      %mul3A_345 = arith.constant 1024 : i32
      %mul3A_346 = arith.muli %select_n3A_315, %mul3A_345 : i32
      %add3A_347 = arith.constant 384 : i32
      %add3A_348 = arith.addi %mul3A_346, %add3A_347 : i32
      %dma_start3A_349 = arith.constant 384 : i32
      %dma_start3A_350 = tpu.memref_slice %arg18[%dma_start3A_349] : memref<1024xf32, #tpu.memory_space<vmem>> -> memref<128xf32, #tpu.memory_space<vmem>>
      %dma_start3A_351 = tpu.memref_slice %arg17[%add3A_348] : memref<2048xi32, #tpu.memory_space<vmem>> -> memref<128xi32, #tpu.memory_space<vmem>>
      %dma_start3A_352 = arith.constant 0 : i32
      %dma_start3A_353 = tpu.memref_slice %arg25[%dma_start3A_352] : memref<499968xf32, #tpu.memory_space<vmem_shared>> -> memref<499968xf32, #tpu.memory_space<vmem_shared>>
      tpu.enqueue_indirect_dma source(%dma_start3A_353 : memref<499968xf32, #tpu.memory_space<vmem_shared>>) target(%dma_start3A_350 : memref<128xf32, #tpu.memory_space<vmem>>) offsets(%dma_start3A_351 : memref<128xi32, #tpu.memory_space<vmem>>) semaphore(%arg27 : memref<!tpu.dma_semaphore, #tpu.memory_space<semaphore_mem>>)
      %mul3A_354 = arith.constant 1024 : i32
      %mul3A_355 = arith.muli %select_n3A_315, %mul3A_354 : i32
      %add3A_356 = arith.constant 512 : i32
      %add3A_357 = arith.addi %mul3A_355, %add3A_356 : i32
      %dma_start3A_358 = arith.constant 512 : i32
      %dma_start3A_359 = tpu.memref_slice %arg18[%dma_start3A_358] : memref<1024xf32, #tpu.memory_space<vmem>> -> memref<128xf32, #tpu.memory_space<vmem>>
      %dma_start3A_360 = tpu.memref_slice %arg17[%add3A_357] : memref<2048xi32, #tpu.memory_space<vmem>> -> memref<128xi32, #tpu.memory_space<vmem>>
      %dma_start3A_361 = arith.constant 0 : i32
      %dma_start3A_362 = tpu.memref_slice %arg25[%dma_start3A_361] : memref<499968xf32, #tpu.memory_space<vmem_shared>> -> memref<499968xf32, #tpu.memory_space<vmem_shared>>
      tpu.enqueue_indirect_dma source(%dma_start3A_362 : memref<499968xf32, #tpu.memory_space<vmem_shared>>) target(%dma_start3A_359 : memref<128xf32, #tpu.memory_space<vmem>>) offsets(%dma_start3A_360 : memref<128xi32, #tpu.memory_space<vmem>>) semaphore(%arg27 : memref<!tpu.dma_semaphore, #tpu.memory_space<semaphore_mem>>)
      %mul3A_363 = arith.constant 1024 : i32
      %mul3A_364 = arith.muli %select_n3A_315, %mul3A_363 : i32
      %add3A_365 = arith.constant 640 : i32
      %add3A_366 = arith.addi %mul3A_364, %add3A_365 : i32
      %dma_start3A_367 = arith.constant 640 : i32
      %dma_start3A_368 = tpu.memref_slice %arg18[%dma_start3A_367] : memref<1024xf32, #tpu.memory_space<vmem>> -> memref<128xf32, #tpu.memory_space<vmem>>
      %dma_start3A_369 = tpu.memref_slice %arg17[%add3A_366] : memref<2048xi32, #tpu.memory_space<vmem>> -> memref<128xi32, #tpu.memory_space<vmem>>
      %dma_start3A_370 = arith.constant 0 : i32
      %dma_start3A_371 = tpu.memref_slice %arg25[%dma_start3A_370] : memref<499968xf32, #tpu.memory_space<vmem_shared>> -> memref<499968xf32, #tpu.memory_space<vmem_shared>>
      tpu.enqueue_indirect_dma source(%dma_start3A_371 : memref<499968xf32, #tpu.memory_space<vmem_shared>>) target(%dma_start3A_368 : memref<128xf32, #tpu.memory_space<vmem>>) offsets(%dma_start3A_369 : memref<128xi32, #tpu.memory_space<vmem>>) semaphore(%arg27 : memref<!tpu.dma_semaphore, #tpu.memory_space<semaphore_mem>>)
      %mul3A_372 = arith.constant 1024 : i32
      %mul3A_373 = arith.muli %select_n3A_315, %mul3A_372 : i32
      %add3A_374 = arith.constant 768 : i32
      %add3A_375 = arith.addi %mul3A_373, %add3A_374 : i32
      %dma_start3A_376 = arith.constant 768 : i32
      %dma_start3A_377 = tpu.memref_slice %arg18[%dma_start3A_376] : memref<1024xf32, #tpu.memory_space<vmem>> -> memref<128xf32, #tpu.memory_space<vmem>>
      %dma_start3A_378 = tpu.memref_slice %arg17[%add3A_375] : memref<2048xi32, #tpu.memory_space<vmem>> -> memref<128xi32, #tpu.memory_space<vmem>>
      %dma_start3A_379 = arith.constant 0 : i32
      %dma_start3A_380 = tpu.memref_slice %arg25[%dma_start3A_379] : memref<499968xf32, #tpu.memory_space<vmem_shared>> -> memref<499968xf32, #tpu.memory_space<vmem_shared>>
      tpu.enqueue_indirect_dma source(%dma_start3A_380 : memref<499968xf32, #tpu.memory_space<vmem_shared>>) target(%dma_start3A_377 : memref<128xf32, #tpu.memory_space<vmem>>) offsets(%dma_start3A_378 : memref<128xi32, #tpu.memory_space<vmem>>) semaphore(%arg27 : memref<!tpu.dma_semaphore, #tpu.memory_space<semaphore_mem>>)
      %mul3A_381 = arith.constant 1024 : i32
      %mul3A_382 = arith.muli %select_n3A_315, %mul3A_381 : i32
      %add3A_383 = arith.constant 896 : i32
      %add3A_384 = arith.addi %mul3A_382, %add3A_383 : i32
      %dma_start3A_385 = arith.constant 896 : i32
      %dma_start3A_386 = tpu.memref_slice %arg18[%dma_start3A_385] : memref<1024xf32, #tpu.memory_space<vmem>> -> memref<128xf32, #tpu.memory_space<vmem>>
      %dma_start3A_387 = tpu.memref_slice %arg17[%add3A_384] : memref<2048xi32, #tpu.memory_space<vmem>> -> memref<128xi32, #tpu.memory_space<vmem>>
      %dma_start3A_388 = arith.constant 0 : i32
      %dma_start3A_389 = tpu.memref_slice %arg25[%dma_start3A_388] : memref<499968xf32, #tpu.memory_space<vmem_shared>> -> memref<499968xf32, #tpu.memory_space<vmem_shared>>
      tpu.enqueue_indirect_dma source(%dma_start3A_389 : memref<499968xf32, #tpu.memory_space<vmem_shared>>) target(%dma_start3A_386 : memref<128xf32, #tpu.memory_space<vmem>>) offsets(%dma_start3A_387 : memref<128xi32, #tpu.memory_space<vmem>>) semaphore(%arg27 : memref<!tpu.dma_semaphore, #tpu.memory_space<semaphore_mem>>)
      %dma_wait3A_390 = arith.constant 0 : i32
      %dma_wait3A_391 = tpu.memref_slice %arg18[%dma_wait3A_390] : memref<1024xf32, #tpu.memory_space<vmem>> -> memref<128xf32, #tpu.memory_space<vmem>>
      %dma_wait3A_392 = tpu.memref_slice %arg17[%add3A_321] : memref<2048xi32, #tpu.memory_space<vmem>> -> memref<128xi32, #tpu.memory_space<vmem>>
      %dma_wait3A_393 = arith.constant 0 : i32
      %dma_wait3A_394 = tpu.memref_slice %arg25[%dma_wait3A_393] : memref<499968xf32, #tpu.memory_space<vmem_shared>> -> memref<499968xf32, #tpu.memory_space<vmem_shared>>
      tpu.wait_indirect_dma semaphore(%arg27 : memref<!tpu.dma_semaphore, #tpu.memory_space<semaphore_mem>>) src(%dma_wait3A_394 : memref<499968xf32, #tpu.memory_space<vmem_shared>>) dst(%dma_wait3A_391 : memref<128xf32, #tpu.memory_space<vmem>>)
      %dma_wait3A_395 = arith.constant 128 : i32
      %dma_wait3A_396 = tpu.memref_slice %arg18[%dma_wait3A_395] : memref<1024xf32, #tpu.memory_space<vmem>> -> memref<128xf32, #tpu.memory_space<vmem>>
      %dma_wait3A_397 = tpu.memref_slice %arg17[%add3A_330] : memref<2048xi32, #tpu.memory_space<vmem>> -> memref<128xi32, #tpu.memory_space<vmem>>
      %dma_wait3A_398 = arith.constant 0 : i32
      %dma_wait3A_399 = tpu.memref_slice %arg25[%dma_wait3A_398] : memref<499968xf32, #tpu.memory_space<vmem_shared>> -> memref<499968xf32, #tpu.memory_space<vmem_shared>>
      tpu.wait_indirect_dma semaphore(%arg27 : memref<!tpu.dma_semaphore, #tpu.memory_space<semaphore_mem>>) src(%dma_wait3A_399 : memref<499968xf32, #tpu.memory_space<vmem_shared>>) dst(%dma_wait3A_396 : memref<128xf32, #tpu.memory_space<vmem>>)
      %dma_wait3A_400 = arith.constant 256 : i32
      %dma_wait3A_401 = tpu.memref_slice %arg18[%dma_wait3A_400] : memref<1024xf32, #tpu.memory_space<vmem>> -> memref<128xf32, #tpu.memory_space<vmem>>
      %dma_wait3A_402 = tpu.memref_slice %arg17[%add3A_339] : memref<2048xi32, #tpu.memory_space<vmem>> -> memref<128xi32, #tpu.memory_space<vmem>>
      %dma_wait3A_403 = arith.constant 0 : i32
      %dma_wait3A_404 = tpu.memref_slice %arg25[%dma_wait3A_403] : memref<499968xf32, #tpu.memory_space<vmem_shared>> -> memref<499968xf32, #tpu.memory_space<vmem_shared>>
      tpu.wait_indirect_dma semaphore(%arg27 : memref<!tpu.dma_semaphore, #tpu.memory_space<semaphore_mem>>) src(%dma_wait3A_404 : memref<499968xf32, #tpu.memory_space<vmem_shared>>) dst(%dma_wait3A_401 : memref<128xf32, #tpu.memory_space<vmem>>)
      %dma_wait3A_405 = arith.constant 384 : i32
      %dma_wait3A_406 = tpu.memref_slice %arg18[%dma_wait3A_405] : memref<1024xf32, #tpu.memory_space<vmem>> -> memref<128xf32, #tpu.memory_space<vmem>>
      %dma_wait3A_407 = tpu.memref_slice %arg17[%add3A_348] : memref<2048xi32, #tpu.memory_space<vmem>> -> memref<128xi32, #tpu.memory_space<vmem>>
      %dma_wait3A_408 = arith.constant 0 : i32
      %dma_wait3A_409 = tpu.memref_slice %arg25[%dma_wait3A_408] : memref<499968xf32, #tpu.memory_space<vmem_shared>> -> memref<499968xf32, #tpu.memory_space<vmem_shared>>
      tpu.wait_indirect_dma semaphore(%arg27 : memref<!tpu.dma_semaphore, #tpu.memory_space<semaphore_mem>>) src(%dma_wait3A_409 : memref<499968xf32, #tpu.memory_space<vmem_shared>>) dst(%dma_wait3A_406 : memref<128xf32, #tpu.memory_space<vmem>>)
      %dma_wait3A_410 = arith.constant 512 : i32
      %dma_wait3A_411 = tpu.memref_slice %arg18[%dma_wait3A_410] : memref<1024xf32, #tpu.memory_space<vmem>> -> memref<128xf32, #tpu.memory_space<vmem>>
      %dma_wait3A_412 = tpu.memref_slice %arg17[%add3A_357] : memref<2048xi32, #tpu.memory_space<vmem>> -> memref<128xi32, #tpu.memory_space<vmem>>
      %dma_wait3A_413 = arith.constant 0 : i32
      %dma_wait3A_414 = tpu.memref_slice %arg25[%dma_wait3A_413] : memref<499968xf32, #tpu.memory_space<vmem_shared>> -> memref<499968xf32, #tpu.memory_space<vmem_shared>>
      tpu.wait_indirect_dma semaphore(%arg27 : memref<!tpu.dma_semaphore, #tpu.memory_space<semaphore_mem>>) src(%dma_wait3A_414 : memref<499968xf32, #tpu.memory_space<vmem_shared>>) dst(%dma_wait3A_411 : memref<128xf32, #tpu.memory_space<vmem>>)
      %dma_wait3A_415 = arith.constant 640 : i32
      %dma_wait3A_416 = tpu.memref_slice %arg18[%dma_wait3A_415] : memref<1024xf32, #tpu.memory_space<vmem>> -> memref<128xf32, #tpu.memory_space<vmem>>
      %dma_wait3A_417 = tpu.memref_slice %arg17[%add3A_366] : memref<2048xi32, #tpu.memory_space<vmem>> -> memref<128xi32, #tpu.memory_space<vmem>>
      %dma_wait3A_418 = arith.constant 0 : i32
      %dma_wait3A_419 = tpu.memref_slice %arg25[%dma_wait3A_418] : memref<499968xf32, #tpu.memory_space<vmem_shared>> -> memref<499968xf32, #tpu.memory_space<vmem_shared>>
      tpu.wait_indirect_dma semaphore(%arg27 : memref<!tpu.dma_semaphore, #tpu.memory_space<semaphore_mem>>) src(%dma_wait3A_419 : memref<499968xf32, #tpu.memory_space<vmem_shared>>) dst(%dma_wait3A_416 : memref<128xf32, #tpu.memory_space<vmem>>)
      %dma_wait3A_420 = arith.constant 768 : i32
      %dma_wait3A_421 = tpu.memref_slice %arg18[%dma_wait3A_420] : memref<1024xf32, #tpu.memory_space<vmem>> -> memref<128xf32, #tpu.memory_space<vmem>>
      %dma_wait3A_422 = tpu.memref_slice %arg17[%add3A_375] : memref<2048xi32, #tpu.memory_space<vmem>> -> memref<128xi32, #tpu.memory_space<vmem>>
      %dma_wait3A_423 = arith.constant 0 : i32
      %dma_wait3A_424 = tpu.memref_slice %arg25[%dma_wait3A_423] : memref<499968xf32, #tpu.memory_space<vmem_shared>> -> memref<499968xf32, #tpu.memory_space<vmem_shared>>
      tpu.wait_indirect_dma semaphore(%arg27 : memref<!tpu.dma_semaphore, #tpu.memory_space<semaphore_mem>>) src(%dma_wait3A_424 : memref<499968xf32, #tpu.memory_space<vmem_shared>>) dst(%dma_wait3A_421 : memref<128xf32, #tpu.memory_space<vmem>>)
      %dma_wait3A_425 = arith.constant 896 : i32
      %dma_wait3A_426 = tpu.memref_slice %arg18[%dma_wait3A_425] : memref<1024xf32, #tpu.memory_space<vmem>> -> memref<128xf32, #tpu.memory_space<vmem>>
      %dma_wait3A_427 = tpu.memref_slice %arg17[%add3A_384] : memref<2048xi32, #tpu.memory_space<vmem>> -> memref<128xi32, #tpu.memory_space<vmem>>
      %dma_wait3A_428 = arith.constant 0 : i32
      %dma_wait3A_429 = tpu.memref_slice %arg25[%dma_wait3A_428] : memref<499968xf32, #tpu.memory_space<vmem_shared>> -> memref<499968xf32, #tpu.memory_space<vmem_shared>>
      tpu.wait_indirect_dma semaphore(%arg27 : memref<!tpu.dma_semaphore, #tpu.memory_space<semaphore_mem>>) src(%dma_wait3A_429 : memref<499968xf32, #tpu.memory_space<vmem_shared>>) dst(%dma_wait3A_426 : memref<128xf32, #tpu.memory_space<vmem>>)
      %add3A_430 = arith.constant 32 : i32
      %add3A_431 = arith.addi %add3A_430, %add3A_300 : i32
      %mul3A_432 = arith.constant 16 : i32
      %mul3A_433 = arith.muli %add3A_431, %mul3A_432 : i32
      %get3A = arith.index_cast %mul3A_433 : i32 to index
      %get3A_434 = tpu.vector_load %arg24[%get3A] {strides = array<i32>} : memref<1232xf32, #tpu.memory_space<vmem>>, vector<16xf32>,
      %mul3A_435 = arith.constant 64 : i32
      %mul3A_436 = arith.muli %add3A_300, %mul3A_435 : i32
      %convert_element_type3A_437 = arith.sitofp %select_n3A_315 : i32 to f32
      %mul3A_438 = arith.constant 1.000000e+00 : f32
      %mul3A_439 = arith.mulf %convert_element_type3A_437, %mul3A_438 : f32
      %broadcast_in_dim3A = arith.constant 1.000000e+00 : f32
      %broadcast_in_dim3A_440 = vector.broadcast %broadcast_in_dim3A : f32 to vector<16xf32>
      %mul3A_441 = vector.broadcast %mul3A_439 : f32 to vector<16xf32>
      %mul3A_442 = arith.mulf %mul3A_441, %broadcast_in_dim3A_440 : vector<16xf32>
      %scan3A_443 = arith.constant 0 : i32
      %scan3A_444 = arith.constant 0 : i32
      %scan3A_445 = arith.constant 64 : i32
      %scan3A_446 = arith.addi %scan3A_444, %scan3A_445 : i32
      %scan3A_447 = arith.constant 1 : i32
      %scan3A_448 = scf.for %scan3A_648 = %scan3A_444 to %scan3A_446 step %scan3A_447 iter_args(%scan3A_649 = %scan3A_443) -> (i32)  : i32 {
        %mul3A_650 = arith.constant 16 : i32
        %mul3A_651 = arith.muli %scan3A_648, %mul3A_650 : i32
        %get3A_652 = arith.index_cast %mul3A_651 : i32 to index
        %get3A_653 = tpu.vector_load %arg15[%get3A_652] {strides = array<i32>} : memref<1024xi32, #tpu.memory_space<vmem>>, vector<16xi32>,
        %ge3A = vector.broadcast %mul3A_317 : i32 to vector<16xi32>
        %ge3A_654 = arith.cmpi sge, %get3A_653, %ge3A : vector<16xi32>
        %add3A_655 = arith.constant 499968 : i32
        %add3A_656 = arith.addi %mul3A_317, %add3A_655 : i32
        %lt3A_657 = vector.broadcast %add3A_656 : i32 to vector<16xi32>
        %lt3A_658 = arith.cmpi slt, %get3A_653, %lt3A_657 : vector<16xi32>
        %and3A_659 = arith.andi %ge3A_654, %lt3A_658 : vector<16xi1>
        %sub3A_660 = arith.constant 999936 : i32
        %sub3A_661 = vector.broadcast %sub3A_660 : i32 to vector<16xi32>
        %sub3A_662 = arith.subi %get3A_653, %sub3A_661 : vector<16xi32>
        %max3A = arith.constant 0 : i32
        %max3A_663 = vector.broadcast %max3A : i32 to vector<16xi32>
        %max3A_664 = arith.maxsi %sub3A_662, %max3A_663 : vector<16xi32>
        %add3A_665 = vector.broadcast %mul3A_436 : i32 to vector<16xi32>
        %add3A_666 = arith.addi %max3A_664, %add3A_665 : vector<16xi32>
        %gather3A = tpu.vector_load_idx %arg23[%add3A_666] : memref<2048xf32, #tpu.memory_space<vmem>>[vector<16xi32>], vector<16xf32>,
        %broadcast_in_dim3A_667 = arith.constant 0.000000e+00 : f32
        %broadcast_in_dim3A_668 = vector.broadcast %broadcast_in_dim3A_667 : f32 to vector<16xf32>
        %get3A_669 = arith.index_cast %mul3A_651 : i32 to index
        %get3A_670 = tpu.vector_load %arg18[%get3A_669] {strides = array<i32>} : memref<1024xf32, #tpu.memory_space<vmem>>, vector<16xf32>,
        %select_n3A_671 = arith.select %and3A_659, %get3A_670, %broadcast_in_dim3A_668 : vector<16xi1>, vector<16xf32>
        %ge3A_672 = arith.constant 999936 : i32
        %ge3A_673 = vector.broadcast %ge3A_672 : i32 to vector<16xi32>
        %ge3A_674 = arith.cmpi sge, %get3A_653, %ge3A_673 : vector<16xi32>
        %select_n3A_675 = arith.select %ge3A_674, %gather3A, %broadcast_in_dim3A_668 : vector<16xi1>, vector<16xf32>
        %mul3A_676 = arith.mulf %select_n3A_675, %mul3A_442 : vector<16xf32>
        %add3A_677 = arith.addf %select_n3A_671, %mul3A_676 : vector<16xf32>
        %get3A_678 = arith.index_cast %mul3A_651 : i32 to index
        %get3A_679 = tpu.vector_load %arg19[%get3A_678] {strides = array<i32>} : memref<1024xf32, #tpu.memory_space<vmem>>, vector<16xf32>,
        %mul3A_680 = arith.mulf %add3A_677, %get3A_434 : vector<16xf32>
        %add3A_681 = arith.addf %get3A_679, %mul3A_680 : vector<16xf32>
        %swap3A = arith.index_cast %mul3A_651 : i32 to index
        %swap3A_682 = tpu.vector_load %arg19[%swap3A] {strides = array<i32>} : memref<1024xf32, #tpu.memory_space<vmem>>, vector<16xf32>,
        tpu.vector_store %arg19[%swap3A], %add3A_681 {strides = array<i32>} : memref<1024xf32, #tpu.memory_space<vmem>>, vector<16xf32>,
        %scan3A_683 = arith.constant 0 : i32
        scf.yield %scan3A_683 : i32
      }
      %scan3A_449 = arith.constant 64 : i32
      %eq3A_450 = arith.constant 0 : i32
      %eq3A_451 = arith.cmpi eq, %arg1, %eq3A_450 : i32
      %convert_element_type3A_452 = arith.extui %eq3A_451 : i1 to i32
      %cond3A_453 = arith.constant 0 : i32
      %cond3A_454 = arith.cmpi ne, %convert_element_type3A_452, %cond3A_453 : i32
      scf.if %cond3A_454 {
        %add3A_648 = arith.constant 1 : i32
        %add3A_649 = arith.addi %mul3A_273, %add3A_648 : i32
        %jit3A_650 = arith.constant 2 : i32
        %div3A_651 = arith.divsi %add3A_649, %jit3A_650 : i32
        %sign3A_652 = arith.constant 0 : i32
        %sign3A_653 = arith.cmpi sgt, %add3A_649, %sign3A_652 : i32
        %sign3A_654 = arith.extui %sign3A_653 : i1 to i32
        %sign3A_655 = arith.constant 0 : i32
        %sign3A_656 = arith.cmpi slt, %add3A_649, %sign3A_655 : i32
        %sign3A_657 = arith.extui %sign3A_656 : i1 to i32
        %sign3A_658 = arith.subi %sign3A_654, %sign3A_657 : i32
        %sign3A_659 = arith.constant 0 : i32
        %sign3A_660 = arith.cmpi sgt, %jit3A_650, %sign3A_659 : i32
        %sign3A_661 = arith.extui %sign3A_660 : i1 to i32
        %sign3A_662 = arith.constant 0 : i32
        %sign3A_663 = arith.cmpi slt, %jit3A_650, %sign3A_662 : i32
        %sign3A_664 = arith.extui %sign3A_663 : i1 to i32
        %sign3A_665 = arith.subi %sign3A_661, %sign3A_664 : i32
        %ne3A_666 = arith.cmpi ne, %sign3A_658, %sign3A_665 : i32
        %rem3A_667 = arith.remsi %add3A_649, %jit3A_650 : i32
        %ne3A_668 = arith.constant 0 : i32
        %ne3A_669 = arith.cmpi ne, %rem3A_667, %ne3A_668 : i32
        %and3A_670 = arith.andi %ne3A_666, %ne3A_669 : i1
        %sub3A_671 = arith.constant 1 : i32
        %sub3A_672 = arith.subi %div3A_651, %sub3A_671 : i32
        %select_n3A_673 = arith.select %and3A_670, %sub3A_672, %div3A_651 : i32
        %add3A_674 = arith.addi %mul3A_255, %select_n3A_673 : i32
        %jit3A_675 = arith.constant 2 : i32
        %eq3A_676 = arith.constant 0 : i32
        %eq3A_677 = arith.cmpi eq, %jit3A_675, %eq3A_676 : i32
        %jit3A_678 = arith.constant 1 : i32
        %select_n3A_679 = arith.select %eq3A_677, %jit3A_678, %jit3A_675 : i32
        %rem3A_680 = arith.remsi %add3A_649, %select_n3A_679 : i32
        %ne3A_681 = arith.constant 0 : i32
        %ne3A_682 = arith.cmpi ne, %rem3A_680, %ne3A_681 : i32
        %lt3A_683 = arith.constant 0 : i32
        %lt3A_684 = arith.cmpi slt, %rem3A_680, %lt3A_683 : i32
        %lt3A_685 = arith.constant 0 : i32
        %lt3A_686 = arith.cmpi slt, %select_n3A_679, %lt3A_685 : i32
        %ne3A_687 = arith.xori %lt3A_684, %lt3A_686 : i1
        %and3A_688 = arith.andi %ne3A_687, %ne3A_682 : i1
        %add3A_689 = arith.addi %rem3A_680, %select_n3A_679 : i32
        %select_n3A_690 = arith.select %and3A_688, %add3A_689, %rem3A_680 : i32
        %mul3A_691 = arith.constant 499968 : i32
        %mul3A_692 = arith.muli %select_n3A_690, %mul3A_691 : i32
        %dma_wait3A_693 = arith.constant 0 : i32
        %dma_wait3A_694 = tpu.memref_slice %arg26[%dma_wait3A_693] : memref<499968xf32, #tpu.memory_space<vmem_shared>> -> memref<499968xf32, #tpu.memory_space<vmem_shared>>
        %dma_wait3A_695 = tpu.memref_slice %arg8[%add3A_674, %mul3A_692] : memref<32x1000000xf32, #tpu.memory_space<hbm>> -> memref<1x499968xf32, #tpu.memory_space<hbm>>
        %dma_wait3A_696 = tpu.memref_squeeze %dma_wait3A_695 : memref<1x499968xf32, #tpu.memory_space<hbm>> -> memref<499968xf32, #tpu.memory_space<hbm>>
        tpu.wait_dma2 semaphore(%arg29 : memref<!tpu.dma_semaphore, #tpu.memory_space<semaphore_mem>>) src(%dma_wait3A_696 : memref<499968xf32, #tpu.memory_space<hbm>>) dst(%dma_wait3A_694 : memref<499968xf32, #tpu.memory_space<vmem_shared>>)
      } else {
      }
      %barrier3A_455 = arith.constant 0 : index
      tpu.barrier barrier_id(%barrier3A_455)
      %eq3A_456 = arith.constant 0 : i32
      %eq3A_457 = arith.cmpi eq, %arg1, %eq3A_456 : i32
      %mul3A_458 = arith.constant 2 : i32
      %mul3A_459 = arith.muli %mul3A_458, %scan3A_270 : i32
      %add3A_460 = arith.constant 2 : i32
      %add3A_461 = arith.addi %mul3A_459, %add3A_460 : i32
      %lt3A_462 = arith.constant 32 : i32
      %lt3A_463 = arith.cmpi slt, %add3A_461, %lt3A_462 : i32
      %and3A_464 = arith.andi %eq3A_457, %lt3A_463 : i1
      %convert_element_type3A_465 = arith.extui %and3A_464 : i1 to i32
      %cond3A_466 = arith.constant 0 : i32
      %cond3A_467 = arith.cmpi ne, %convert_element_type3A_465, %cond3A_466 : i32
      scf.if %cond3A_467 {
        %add3A_648 = arith.constant 2 : i32
        %add3A_649 = arith.addi %mul3A_273, %add3A_648 : i32
        %jit3A_650 = arith.constant 2 : i32
        %div3A_651 = arith.divsi %add3A_649, %jit3A_650 : i32
        %sign3A_652 = arith.constant 0 : i32
        %sign3A_653 = arith.cmpi sgt, %add3A_649, %sign3A_652 : i32
        %sign3A_654 = arith.extui %sign3A_653 : i1 to i32
        %sign3A_655 = arith.constant 0 : i32
        %sign3A_656 = arith.cmpi slt, %add3A_649, %sign3A_655 : i32
        %sign3A_657 = arith.extui %sign3A_656 : i1 to i32
        %sign3A_658 = arith.subi %sign3A_654, %sign3A_657 : i32
        %sign3A_659 = arith.constant 0 : i32
        %sign3A_660 = arith.cmpi sgt, %jit3A_650, %sign3A_659 : i32
        %sign3A_661 = arith.extui %sign3A_660 : i1 to i32
        %sign3A_662 = arith.constant 0 : i32
        %sign3A_663 = arith.cmpi slt, %jit3A_650, %sign3A_662 : i32
        %sign3A_664 = arith.extui %sign3A_663 : i1 to i32
        %sign3A_665 = arith.subi %sign3A_661, %sign3A_664 : i32
        %ne3A_666 = arith.cmpi ne, %sign3A_658, %sign3A_665 : i32
        %rem3A_667 = arith.remsi %add3A_649, %jit3A_650 : i32
        %ne3A_668 = arith.constant 0 : i32
        %ne3A_669 = arith.cmpi ne, %rem3A_667, %ne3A_668 : i32
        %and3A_670 = arith.andi %ne3A_666, %ne3A_669 : i1
        %sub3A_671 = arith.constant 1 : i32
        %sub3A_672 = arith.subi %div3A_651, %sub3A_671 : i32
        %select_n3A_673 = arith.select %and3A_670, %sub3A_672, %div3A_651 : i32
        %add3A_674 = arith.addi %mul3A_255, %select_n3A_673 : i32
        %jit3A_675 = arith.constant 2 : i32
        %eq3A_676 = arith.constant 0 : i32
        %eq3A_677 = arith.cmpi eq, %jit3A_675, %eq3A_676 : i32
        %jit3A_678 = arith.constant 1 : i32
        %select_n3A_679 = arith.select %eq3A_677, %jit3A_678, %jit3A_675 : i32
        %rem3A_680 = arith.remsi %add3A_649, %select_n3A_679 : i32
        %ne3A_681 = arith.constant 0 : i32
        %ne3A_682 = arith.cmpi ne, %rem3A_680, %ne3A_681 : i32
        %lt3A_683 = arith.constant 0 : i32
        %lt3A_684 = arith.cmpi slt, %rem3A_680, %lt3A_683 : i32
        %lt3A_685 = arith.constant 0 : i32
        %lt3A_686 = arith.cmpi slt, %select_n3A_679, %lt3A_685 : i32
        %ne3A_687 = arith.xori %lt3A_684, %lt3A_686 : i1
        %and3A_688 = arith.andi %ne3A_687, %ne3A_682 : i1
        %add3A_689 = arith.addi %rem3A_680, %select_n3A_679 : i32
        %select_n3A_690 = arith.select %and3A_688, %add3A_689, %rem3A_680 : i32
        %mul3A_691 = arith.constant 499968 : i32
        %mul3A_692 = arith.muli %select_n3A_690, %mul3A_691 : i32
        %dma_start3A_693 = arith.constant 0 : i32
        %dma_start3A_694 = tpu.memref_slice %arg25[%dma_start3A_693] : memref<499968xf32, #tpu.memory_space<vmem_shared>> -> memref<499968xf32, #tpu.memory_space<vmem_shared>>
        %dma_start3A_695 = tpu.memref_slice %arg8[%add3A_674, %mul3A_692] : memref<32x1000000xf32, #tpu.memory_space<hbm>> -> memref<1x499968xf32, #tpu.memory_space<hbm>>
        %dma_start3A_696 = tpu.memref_squeeze %dma_start3A_695 : memref<1x499968xf32, #tpu.memory_space<hbm>> -> memref<499968xf32, #tpu.memory_space<hbm>>
        tpu.enqueue_dma source(%dma_start3A_696 : memref<499968xf32, #tpu.memory_space<hbm>>) target(%dma_start3A_694 : memref<499968xf32, #tpu.memory_space<vmem_shared>>) target_semaphore(%arg28 : memref<!tpu.dma_semaphore, #tpu.memory_space<semaphore_mem>>)
      } else {
      }
      %add3A_468 = arith.constant 1 : i32
      %add3A_469 = arith.addi %mul3A_273, %add3A_468 : i32
      %jit3A_470 = arith.constant 2 : i32
      %div3A_471 = arith.divsi %add3A_469, %jit3A_470 : i32
      %sign3A_472 = arith.constant 0 : i32
      %sign3A_473 = arith.cmpi sgt, %add3A_469, %sign3A_472 : i32
      %sign3A_474 = arith.extui %sign3A_473 : i1 to i32
      %sign3A_475 = arith.constant 0 : i32
      %sign3A_476 = arith.cmpi slt, %add3A_469, %sign3A_475 : i32
      %sign3A_477 = arith.extui %sign3A_476 : i1 to i32
      %sign3A_478 = arith.subi %sign3A_474, %sign3A_477 : i32
      %sign3A_479 = arith.constant 0 : i32
      %sign3A_480 = arith.cmpi sgt, %jit3A_470, %sign3A_479 : i32
      %sign3A_481 = arith.extui %sign3A_480 : i1 to i32
      %sign3A_482 = arith.constant 0 : i32
      %sign3A_483 = arith.cmpi slt, %jit3A_470, %sign3A_482 : i32
      %sign3A_484 = arith.extui %sign3A_483 : i1 to i32
      %sign3A_485 = arith.subi %sign3A_481, %sign3A_484 : i32
      %ne3A_486 = arith.cmpi ne, %sign3A_478, %sign3A_485 : i32
      %rem3A_487 = arith.remsi %add3A_469, %jit3A_470 : i32
      %ne3A_488 = arith.constant 0 : i32
      %ne3A_489 = arith.cmpi ne, %rem3A_487, %ne3A_488 : i32
      %and3A_490 = arith.andi %ne3A_486, %ne3A_489 : i1
      %sub3A_491 = arith.constant 1 : i32
      %sub3A_492 = arith.subi %div3A_471, %sub3A_491 : i32
      %select_n3A_493 = arith.select %and3A_490, %sub3A_492, %div3A_471 : i32
      %add3A_494 = arith.addi %mul3A_255, %select_n3A_493 : i32
      %jit3A_495 = arith.constant 2 : i32
      %eq3A_496 = arith.constant 0 : i32
      %eq3A_497 = arith.cmpi eq, %jit3A_495, %eq3A_496 : i32
      %jit3A_498 = arith.constant 1 : i32
      %select_n3A_499 = arith.select %eq3A_497, %jit3A_498, %jit3A_495 : i32
      %rem3A_500 = arith.remsi %add3A_469, %select_n3A_499 : i32
      %ne3A_501 = arith.constant 0 : i32
      %ne3A_502 = arith.cmpi ne, %rem3A_500, %ne3A_501 : i32
      %lt3A_503 = arith.constant 0 : i32
      %lt3A_504 = arith.cmpi slt, %rem3A_500, %lt3A_503 : i32
      %lt3A_505 = arith.constant 0 : i32
      %lt3A_506 = arith.cmpi slt, %select_n3A_499, %lt3A_505 : i32
      %ne3A_507 = arith.xori %lt3A_504, %lt3A_506 : i1
      %and3A_508 = arith.andi %ne3A_507, %ne3A_502 : i1
      %add3A_509 = arith.addi %rem3A_500, %select_n3A_499 : i32
      %select_n3A_510 = arith.select %and3A_508, %add3A_509, %rem3A_500 : i32
      %mul3A_511 = arith.constant 499968 : i32
      %mul3A_512 = arith.muli %select_n3A_510, %mul3A_511 : i32
      %mul3A_513 = arith.constant 1024 : i32
      %mul3A_514 = arith.muli %select_n3A_510, %mul3A_513 : i32
      %add3A_515 = arith.constant 0 : i32
      %add3A_516 = arith.addi %mul3A_514, %add3A_515 : i32
      %dma_start3A_517 = arith.constant 0 : i32
      %dma_start3A_518 = tpu.memref_slice %arg18[%dma_start3A_517] : memref<1024xf32, #tpu.memory_space<vmem>> -> memref<128xf32, #tpu.memory_space<vmem>>
      %dma_start3A_519 = tpu.memref_slice %arg17[%add3A_516] : memref<2048xi32, #tpu.memory_space<vmem>> -> memref<128xi32, #tpu.memory_space<vmem>>
      %dma_start3A_520 = arith.constant 0 : i32
      %dma_start3A_521 = tpu.memref_slice %arg26[%dma_start3A_520] : memref<499968xf32, #tpu.memory_space<vmem_shared>> -> memref<499968xf32, #tpu.memory_space<vmem_shared>>
      tpu.enqueue_indirect_dma source(%dma_start3A_521 : memref<499968xf32, #tpu.memory_space<vmem_shared>>) target(%dma_start3A_518 : memref<128xf32, #tpu.memory_space<vmem>>) offsets(%dma_start3A_519 : memref<128xi32, #tpu.memory_space<vmem>>) semaphore(%arg27 : memref<!tpu.dma_semaphore, #tpu.memory_space<semaphore_mem>>)
      %mul3A_522 = arith.constant 1024 : i32
      %mul3A_523 = arith.muli %select_n3A_510, %mul3A_522 : i32
      %add3A_524 = arith.constant 128 : i32
      %add3A_525 = arith.addi %mul3A_523, %add3A_524 : i32
      %dma_start3A_526 = arith.constant 128 : i32
      %dma_start3A_527 = tpu.memref_slice %arg18[%dma_start3A_526] : memref<1024xf32, #tpu.memory_space<vmem>> -> memref<128xf32, #tpu.memory_space<vmem>>
      %dma_start3A_528 = tpu.memref_slice %arg17[%add3A_525] : memref<2048xi32, #tpu.memory_space<vmem>> -> memref<128xi32, #tpu.memory_space<vmem>>
      %dma_start3A_529 = arith.constant 0 : i32
      %dma_start3A_530 = tpu.memref_slice %arg26[%dma_start3A_529] : memref<499968xf32, #tpu.memory_space<vmem_shared>> -> memref<499968xf32, #tpu.memory_space<vmem_shared>>
      tpu.enqueue_indirect_dma source(%dma_start3A_530 : memref<499968xf32, #tpu.memory_space<vmem_shared>>) target(%dma_start3A_527 : memref<128xf32, #tpu.memory_space<vmem>>) offsets(%dma_start3A_528 : memref<128xi32, #tpu.memory_space<vmem>>) semaphore(%arg27 : memref<!tpu.dma_semaphore, #tpu.memory_space<semaphore_mem>>)
      %mul3A_531 = arith.constant 1024 : i32
      %mul3A_532 = arith.muli %select_n3A_510, %mul3A_531 : i32
      %add3A_533 = arith.constant 256 : i32
      %add3A_534 = arith.addi %mul3A_532, %add3A_533 : i32
      %dma_start3A_535 = arith.constant 256 : i32
      %dma_start3A_536 = tpu.memref_slice %arg18[%dma_start3A_535] : memref<1024xf32, #tpu.memory_space<vmem>> -> memref<128xf32, #tpu.memory_space<vmem>>
      %dma_start3A_537 = tpu.memref_slice %arg17[%add3A_534] : memref<2048xi32, #tpu.memory_space<vmem>> -> memref<128xi32, #tpu.memory_space<vmem>>
      %dma_start3A_538 = arith.constant 0 : i32
      %dma_start3A_539 = tpu.memref_slice %arg26[%dma_start3A_538] : memref<499968xf32, #tpu.memory_space<vmem_shared>> -> memref<499968xf32, #tpu.memory_space<vmem_shared>>
      tpu.enqueue_indirect_dma source(%dma_start3A_539 : memref<499968xf32, #tpu.memory_space<vmem_shared>>) target(%dma_start3A_536 : memref<128xf32, #tpu.memory_space<vmem>>) offsets(%dma_start3A_537 : memref<128xi32, #tpu.memory_space<vmem>>) semaphore(%arg27 : memref<!tpu.dma_semaphore, #tpu.memory_space<semaphore_mem>>)
      %mul3A_540 = arith.constant 1024 : i32
      %mul3A_541 = arith.muli %select_n3A_510, %mul3A_540 : i32
      %add3A_542 = arith.constant 384 : i32
      %add3A_543 = arith.addi %mul3A_541, %add3A_542 : i32
      %dma_start3A_544 = arith.constant 384 : i32
      %dma_start3A_545 = tpu.memref_slice %arg18[%dma_start3A_544] : memref<1024xf32, #tpu.memory_space<vmem>> -> memref<128xf32, #tpu.memory_space<vmem>>
      %dma_start3A_546 = tpu.memref_slice %arg17[%add3A_543] : memref<2048xi32, #tpu.memory_space<vmem>> -> memref<128xi32, #tpu.memory_space<vmem>>
      %dma_start3A_547 = arith.constant 0 : i32
      %dma_start3A_548 = tpu.memref_slice %arg26[%dma_start3A_547] : memref<499968xf32, #tpu.memory_space<vmem_shared>> -> memref<499968xf32, #tpu.memory_space<vmem_shared>>
      tpu.enqueue_indirect_dma source(%dma_start3A_548 : memref<499968xf32, #tpu.memory_space<vmem_shared>>) target(%dma_start3A_545 : memref<128xf32, #tpu.memory_space<vmem>>) offsets(%dma_start3A_546 : memref<128xi32, #tpu.memory_space<vmem>>) semaphore(%arg27 : memref<!tpu.dma_semaphore, #tpu.memory_space<semaphore_mem>>)
      %mul3A_549 = arith.constant 1024 : i32
      %mul3A_550 = arith.muli %select_n3A_510, %mul3A_549 : i32
      %add3A_551 = arith.constant 512 : i32
      %add3A_552 = arith.addi %mul3A_550, %add3A_551 : i32
      %dma_start3A_553 = arith.constant 512 : i32
      %dma_start3A_554 = tpu.memref_slice %arg18[%dma_start3A_553] : memref<1024xf32, #tpu.memory_space<vmem>> -> memref<128xf32, #tpu.memory_space<vmem>>
      %dma_start3A_555 = tpu.memref_slice %arg17[%add3A_552] : memref<2048xi32, #tpu.memory_space<vmem>> -> memref<128xi32, #tpu.memory_space<vmem>>
      %dma_start3A_556 = arith.constant 0 : i32
      %dma_start3A_557 = tpu.memref_slice %arg26[%dma_start3A_556] : memref<499968xf32, #tpu.memory_space<vmem_shared>> -> memref<499968xf32, #tpu.memory_space<vmem_shared>>
      tpu.enqueue_indirect_dma source(%dma_start3A_557 : memref<499968xf32, #tpu.memory_space<vmem_shared>>) target(%dma_start3A_554 : memref<128xf32, #tpu.memory_space<vmem>>) offsets(%dma_start3A_555 : memref<128xi32, #tpu.memory_space<vmem>>) semaphore(%arg27 : memref<!tpu.dma_semaphore, #tpu.memory_space<semaphore_mem>>)
      %mul3A_558 = arith.constant 1024 : i32
      %mul3A_559 = arith.muli %select_n3A_510, %mul3A_558 : i32
      %add3A_560 = arith.constant 640 : i32
      %add3A_561 = arith.addi %mul3A_559, %add3A_560 : i32
      %dma_start3A_562 = arith.constant 640 : i32
      %dma_start3A_563 = tpu.memref_slice %arg18[%dma_start3A_562] : memref<1024xf32, #tpu.memory_space<vmem>> -> memref<128xf32, #tpu.memory_space<vmem>>
      %dma_start3A_564 = tpu.memref_slice %arg17[%add3A_561] : memref<2048xi32, #tpu.memory_space<vmem>> -> memref<128xi32, #tpu.memory_space<vmem>>
      %dma_start3A_565 = arith.constant 0 : i32
      %dma_start3A_566 = tpu.memref_slice %arg26[%dma_start3A_565] : memref<499968xf32, #tpu.memory_space<vmem_shared>> -> memref<499968xf32, #tpu.memory_space<vmem_shared>>
      tpu.enqueue_indirect_dma source(%dma_start3A_566 : memref<499968xf32, #tpu.memory_space<vmem_shared>>) target(%dma_start3A_563 : memref<128xf32, #tpu.memory_space<vmem>>) offsets(%dma_start3A_564 : memref<128xi32, #tpu.memory_space<vmem>>) semaphore(%arg27 : memref<!tpu.dma_semaphore, #tpu.memory_space<semaphore_mem>>)
      %mul3A_567 = arith.constant 1024 : i32
      %mul3A_568 = arith.muli %select_n3A_510, %mul3A_567 : i32
      %add3A_569 = arith.constant 768 : i32
      %add3A_570 = arith.addi %mul3A_568, %add3A_569 : i32
      %dma_start3A_571 = arith.constant 768 : i32
      %dma_start3A_572 = tpu.memref_slice %arg18[%dma_start3A_571] : memref<1024xf32, #tpu.memory_space<vmem>> -> memref<128xf32, #tpu.memory_space<vmem>>
      %dma_start3A_573 = tpu.memref_slice %arg17[%add3A_570] : memref<2048xi32, #tpu.memory_space<vmem>> -> memref<128xi32, #tpu.memory_space<vmem>>
      %dma_start3A_574 = arith.constant 0 : i32
      %dma_start3A_575 = tpu.memref_slice %arg26[%dma_start3A_574] : memref<499968xf32, #tpu.memory_space<vmem_shared>> -> memref<499968xf32, #tpu.memory_space<vmem_shared>>
      tpu.enqueue_indirect_dma source(%dma_start3A_575 : memref<499968xf32, #tpu.memory_space<vmem_shared>>) target(%dma_start3A_572 : memref<128xf32, #tpu.memory_space<vmem>>) offsets(%dma_start3A_573 : memref<128xi32, #tpu.memory_space<vmem>>) semaphore(%arg27 : memref<!tpu.dma_semaphore, #tpu.memory_space<semaphore_mem>>)
      %mul3A_576 = arith.constant 1024 : i32
      %mul3A_577 = arith.muli %select_n3A_510, %mul3A_576 : i32
      %add3A_578 = arith.constant 896 : i32
      %add3A_579 = arith.addi %mul3A_577, %add3A_578 : i32
      %dma_start3A_580 = arith.constant 896 : i32
      %dma_start3A_581 = tpu.memref_slice %arg18[%dma_start3A_580] : memref<1024xf32, #tpu.memory_space<vmem>> -> memref<128xf32, #tpu.memory_space<vmem>>
      %dma_start3A_582 = tpu.memref_slice %arg17[%add3A_579] : memref<2048xi32, #tpu.memory_space<vmem>> -> memref<128xi32, #tpu.memory_space<vmem>>
      %dma_start3A_583 = arith.constant 0 : i32
      %dma_start3A_584 = tpu.memref_slice %arg26[%dma_start3A_583] : memref<499968xf32, #tpu.memory_space<vmem_shared>> -> memref<499968xf32, #tpu.memory_space<vmem_shared>>
      tpu.enqueue_indirect_dma source(%dma_start3A_584 : memref<499968xf32, #tpu.memory_space<vmem_shared>>) target(%dma_start3A_581 : memref<128xf32, #tpu.memory_space<vmem>>) offsets(%dma_start3A_582 : memref<128xi32, #tpu.memory_space<vmem>>) semaphore(%arg27 : memref<!tpu.dma_semaphore, #tpu.memory_space<semaphore_mem>>)
      %dma_wait3A_585 = arith.constant 0 : i32
      %dma_wait3A_586 = tpu.memref_slice %arg18[%dma_wait3A_585] : memref<1024xf32, #tpu.memory_space<vmem>> -> memref<128xf32, #tpu.memory_space<vmem>>
      %dma_wait3A_587 = tpu.memref_slice %arg17[%add3A_516] : memref<2048xi32, #tpu.memory_space<vmem>> -> memref<128xi32, #tpu.memory_space<vmem>>
      %dma_wait3A_588 = arith.constant 0 : i32
      %dma_wait3A_589 = tpu.memref_slice %arg26[%dma_wait3A_588] : memref<499968xf32, #tpu.memory_space<vmem_shared>> -> memref<499968xf32, #tpu.memory_space<vmem_shared>>
      tpu.wait_indirect_dma semaphore(%arg27 : memref<!tpu.dma_semaphore, #tpu.memory_space<semaphore_mem>>) src(%dma_wait3A_589 : memref<499968xf32, #tpu.memory_space<vmem_shared>>) dst(%dma_wait3A_586 : memref<128xf32, #tpu.memory_space<vmem>>)
      %dma_wait3A_590 = arith.constant 128 : i32
      %dma_wait3A_591 = tpu.memref_slice %arg18[%dma_wait3A_590] : memref<1024xf32, #tpu.memory_space<vmem>> -> memref<128xf32, #tpu.memory_space<vmem>>
      %dma_wait3A_592 = tpu.memref_slice %arg17[%add3A_525] : memref<2048xi32, #tpu.memory_space<vmem>> -> memref<128xi32, #tpu.memory_space<vmem>>
      %dma_wait3A_593 = arith.constant 0 : i32
      %dma_wait3A_594 = tpu.memref_slice %arg26[%dma_wait3A_593] : memref<499968xf32, #tpu.memory_space<vmem_shared>> -> memref<499968xf32, #tpu.memory_space<vmem_shared>>
      tpu.wait_indirect_dma semaphore(%arg27 : memref<!tpu.dma_semaphore, #tpu.memory_space<semaphore_mem>>) src(%dma_wait3A_594 : memref<499968xf32, #tpu.memory_space<vmem_shared>>) dst(%dma_wait3A_591 : memref<128xf32, #tpu.memory_space<vmem>>)
      %dma_wait3A_595 = arith.constant 256 : i32
      %dma_wait3A_596 = tpu.memref_slice %arg18[%dma_wait3A_595] : memref<1024xf32, #tpu.memory_space<vmem>> -> memref<128xf32, #tpu.memory_space<vmem>>
      %dma_wait3A_597 = tpu.memref_slice %arg17[%add3A_534] : memref<2048xi32, #tpu.memory_space<vmem>> -> memref<128xi32, #tpu.memory_space<vmem>>
      %dma_wait3A_598 = arith.constant 0 : i32
      %dma_wait3A_599 = tpu.memref_slice %arg26[%dma_wait3A_598] : memref<499968xf32, #tpu.memory_space<vmem_shared>> -> memref<499968xf32, #tpu.memory_space<vmem_shared>>
      tpu.wait_indirect_dma semaphore(%arg27 : memref<!tpu.dma_semaphore, #tpu.memory_space<semaphore_mem>>) src(%dma_wait3A_599 : memref<499968xf32, #tpu.memory_space<vmem_shared>>) dst(%dma_wait3A_596 : memref<128xf32, #tpu.memory_space<vmem>>)
      %dma_wait3A_600 = arith.constant 384 : i32
      %dma_wait3A_601 = tpu.memref_slice %arg18[%dma_wait3A_600] : memref<1024xf32, #tpu.memory_space<vmem>> -> memref<128xf32, #tpu.memory_space<vmem>>
      %dma_wait3A_602 = tpu.memref_slice %arg17[%add3A_543] : memref<2048xi32, #tpu.memory_space<vmem>> -> memref<128xi32, #tpu.memory_space<vmem>>
      %dma_wait3A_603 = arith.constant 0 : i32
      %dma_wait3A_604 = tpu.memref_slice %arg26[%dma_wait3A_603] : memref<499968xf32, #tpu.memory_space<vmem_shared>> -> memref<499968xf32, #tpu.memory_space<vmem_shared>>
      tpu.wait_indirect_dma semaphore(%arg27 : memref<!tpu.dma_semaphore, #tpu.memory_space<semaphore_mem>>) src(%dma_wait3A_604 : memref<499968xf32, #tpu.memory_space<vmem_shared>>) dst(%dma_wait3A_601 : memref<128xf32, #tpu.memory_space<vmem>>)
      %dma_wait3A_605 = arith.constant 512 : i32
      %dma_wait3A_606 = tpu.memref_slice %arg18[%dma_wait3A_605] : memref<1024xf32, #tpu.memory_space<vmem>> -> memref<128xf32, #tpu.memory_space<vmem>>
      %dma_wait3A_607 = tpu.memref_slice %arg17[%add3A_552] : memref<2048xi32, #tpu.memory_space<vmem>> -> memref<128xi32, #tpu.memory_space<vmem>>
      %dma_wait3A_608 = arith.constant 0 : i32
      %dma_wait3A_609 = tpu.memref_slice %arg26[%dma_wait3A_608] : memref<499968xf32, #tpu.memory_space<vmem_shared>> -> memref<499968xf32, #tpu.memory_space<vmem_shared>>
      tpu.wait_indirect_dma semaphore(%arg27 : memref<!tpu.dma_semaphore, #tpu.memory_space<semaphore_mem>>) src(%dma_wait3A_609 : memref<499968xf32, #tpu.memory_space<vmem_shared>>) dst(%dma_wait3A_606 : memref<128xf32, #tpu.memory_space<vmem>>)
      %dma_wait3A_610 = arith.constant 640 : i32
      %dma_wait3A_611 = tpu.memref_slice %arg18[%dma_wait3A_610] : memref<1024xf32, #tpu.memory_space<vmem>> -> memref<128xf32, #tpu.memory_space<vmem>>
      %dma_wait3A_612 = tpu.memref_slice %arg17[%add3A_561] : memref<2048xi32, #tpu.memory_space<vmem>> -> memref<128xi32, #tpu.memory_space<vmem>>
      %dma_wait3A_613 = arith.constant 0 : i32
      %dma_wait3A_614 = tpu.memref_slice %arg26[%dma_wait3A_613] : memref<499968xf32, #tpu.memory_space<vmem_shared>> -> memref<499968xf32, #tpu.memory_space<vmem_shared>>
      tpu.wait_indirect_dma semaphore(%arg27 : memref<!tpu.dma_semaphore, #tpu.memory_space<semaphore_mem>>) src(%dma_wait3A_614 : memref<499968xf32, #tpu.memory_space<vmem_shared>>) dst(%dma_wait3A_611 : memref<128xf32, #tpu.memory_space<vmem>>)
      %dma_wait3A_615 = arith.constant 768 : i32
      %dma_wait3A_616 = tpu.memref_slice %arg18[%dma_wait3A_615] : memref<1024xf32, #tpu.memory_space<vmem>> -> memref<128xf32, #tpu.memory_space<vmem>>
      %dma_wait3A_617 = tpu.memref_slice %arg17[%add3A_570] : memref<2048xi32, #tpu.memory_space<vmem>> -> memref<128xi32, #tpu.memory_space<vmem>>
      %dma_wait3A_618 = arith.constant 0 : i32
      %dma_wait3A_619 = tpu.memref_slice %arg26[%dma_wait3A_618] : memref<499968xf32, #tpu.memory_space<vmem_shared>> -> memref<499968xf32, #tpu.memory_space<vmem_shared>>
      tpu.wait_indirect_dma semaphore(%arg27 : memref<!tpu.dma_semaphore, #tpu.memory_space<semaphore_mem>>) src(%dma_wait3A_619 : memref<499968xf32, #tpu.memory_space<vmem_shared>>) dst(%dma_wait3A_616 : memref<128xf32, #tpu.memory_space<vmem>>)
      %dma_wait3A_620 = arith.constant 896 : i32
      %dma_wait3A_621 = tpu.memref_slice %arg18[%dma_wait3A_620] : memref<1024xf32, #tpu.memory_space<vmem>> -> memref<128xf32, #tpu.memory_space<vmem>>
      %dma_wait3A_622 = tpu.memref_slice %arg17[%add3A_579] : memref<2048xi32, #tpu.memory_space<vmem>> -> memref<128xi32, #tpu.memory_space<vmem>>
      %dma_wait3A_623 = arith.constant 0 : i32
      %dma_wait3A_624 = tpu.memref_slice %arg26[%dma_wait3A_623] : memref<499968xf32, #tpu.memory_space<vmem_shared>> -> memref<499968xf32, #tpu.memory_space<vmem_shared>>
      tpu.wait_indirect_dma semaphore(%arg27 : memref<!tpu.dma_semaphore, #tpu.memory_space<semaphore_mem>>) src(%dma_wait3A_624 : memref<499968xf32, #tpu.memory_space<vmem_shared>>) dst(%dma_wait3A_621 : memref<128xf32, #tpu.memory_space<vmem>>)
      %add3A_625 = arith.constant 32 : i32
      %add3A_626 = arith.addi %add3A_625, %add3A_494 : i32
      %mul3A_627 = arith.constant 16 : i32
      %mul3A_628 = arith.muli %add3A_626, %mul3A_627 : i32
      %get3A_629 = arith.index_cast %mul3A_628 : i32 to index
      %get3A_630 = tpu.vector_load %arg24[%get3A_629] {strides = array<i32>} : memref<1232xf32, #tpu.memory_space<vmem>>, vector<16xf32>,
      %mul3A_631 = arith.constant 64 : i32
      %mul3A_632 = arith.muli %add3A_494, %mul3A_631 : i32
      %convert_element_type3A_633 = arith.sitofp %select_n3A_510 : i32 to f32
      %mul3A_634 = arith.constant 1.000000e+00 : f32
      %mul3A_635 = arith.mulf %convert_element_type3A_633, %mul3A_634 : f32
      %broadcast_in_dim3A_636 = arith.constant 1.000000e+00 : f32
      %broadcast_in_dim3A_637 = vector.broadcast %broadcast_in_dim3A_636 : f32 to vector<16xf32>
      %mul3A_638 = vector.broadcast %mul3A_635 : f32 to vector<16xf32>
      %mul3A_639 = arith.mulf %mul3A_638, %broadcast_in_dim3A_637 : vector<16xf32>
      %scan3A_640 = arith.constant 0 : i32
      %scan3A_641 = arith.constant 0 : i32
      %scan3A_642 = arith.constant 64 : i32
      %scan3A_643 = arith.addi %scan3A_641, %scan3A_642 : i32
      %scan3A_644 = arith.constant 1 : i32
      %scan3A_645 = scf.for %scan3A_648 = %scan3A_641 to %scan3A_643 step %scan3A_644 iter_args(%scan3A_649 = %scan3A_640) -> (i32)  : i32 {
        %mul3A_650 = arith.constant 16 : i32
        %mul3A_651 = arith.muli %scan3A_648, %mul3A_650 : i32
        %get3A_652 = arith.index_cast %mul3A_651 : i32 to index
        %get3A_653 = tpu.vector_load %arg15[%get3A_652] {strides = array<i32>} : memref<1024xi32, #tpu.memory_space<vmem>>, vector<16xi32>,
        %ge3A = vector.broadcast %mul3A_512 : i32 to vector<16xi32>
        %ge3A_654 = arith.cmpi sge, %get3A_653, %ge3A : vector<16xi32>
        %add3A_655 = arith.constant 499968 : i32
        %add3A_656 = arith.addi %mul3A_512, %add3A_655 : i32
        %lt3A_657 = vector.broadcast %add3A_656 : i32 to vector<16xi32>
        %lt3A_658 = arith.cmpi slt, %get3A_653, %lt3A_657 : vector<16xi32>
        %and3A_659 = arith.andi %ge3A_654, %lt3A_658 : vector<16xi1>
        %sub3A_660 = arith.constant 999936 : i32
        %sub3A_661 = vector.broadcast %sub3A_660 : i32 to vector<16xi32>
        %sub3A_662 = arith.subi %get3A_653, %sub3A_661 : vector<16xi32>
        %max3A = arith.constant 0 : i32
        %max3A_663 = vector.broadcast %max3A : i32 to vector<16xi32>
        %max3A_664 = arith.maxsi %sub3A_662, %max3A_663 : vector<16xi32>
        %add3A_665 = vector.broadcast %mul3A_632 : i32 to vector<16xi32>
        %add3A_666 = arith.addi %max3A_664, %add3A_665 : vector<16xi32>
        %gather3A = tpu.vector_load_idx %arg23[%add3A_666] : memref<2048xf32, #tpu.memory_space<vmem>>[vector<16xi32>], vector<16xf32>,
        %broadcast_in_dim3A_667 = arith.constant 0.000000e+00 : f32
        %broadcast_in_dim3A_668 = vector.broadcast %broadcast_in_dim3A_667 : f32 to vector<16xf32>
        %get3A_669 = arith.index_cast %mul3A_651 : i32 to index
        %get3A_670 = tpu.vector_load %arg18[%get3A_669] {strides = array<i32>} : memref<1024xf32, #tpu.memory_space<vmem>>, vector<16xf32>,
        %select_n3A_671 = arith.select %and3A_659, %get3A_670, %broadcast_in_dim3A_668 : vector<16xi1>, vector<16xf32>
        %ge3A_672 = arith.constant 999936 : i32
        %ge3A_673 = vector.broadcast %ge3A_672 : i32 to vector<16xi32>
        %ge3A_674 = arith.cmpi sge, %get3A_653, %ge3A_673 : vector<16xi32>
        %select_n3A_675 = arith.select %ge3A_674, %gather3A, %broadcast_in_dim3A_668 : vector<16xi1>, vector<16xf32>
        %mul3A_676 = arith.mulf %select_n3A_675, %mul3A_639 : vector<16xf32>
        %add3A_677 = arith.addf %select_n3A_671, %mul3A_676 : vector<16xf32>
        %get3A_678 = arith.index_cast %mul3A_651 : i32 to index
        %get3A_679 = tpu.vector_load %arg19[%get3A_678] {strides = array<i32>} : memref<1024xf32, #tpu.memory_space<vmem>>, vector<16xf32>,
        %mul3A_680 = arith.mulf %add3A_677, %get3A_630 : vector<16xf32>
        %add3A_681 = arith.addf %get3A_679, %mul3A_680 : vector<16xf32>
        %swap3A = arith.index_cast %mul3A_651 : i32 to index
        %swap3A_682 = tpu.vector_load %arg19[%swap3A] {strides = array<i32>} : memref<1024xf32, #tpu.memory_space<vmem>>, vector<16xf32>,
        tpu.vector_store %arg19[%swap3A], %add3A_681 {strides = array<i32>} : memref<1024xf32, #tpu.memory_space<vmem>>, vector<16xf32>,
        %scan3A_683 = arith.constant 0 : i32
        scf.yield %scan3A_683 : i32
      }
      %scan3A_646 = arith.constant 64 : i32
      %scan3A_647 = arith.constant 0 : i32
      scf.yield %scan3A_647 : i32
    }
    %scan3A_267 = arith.constant 16 : i32
    %mul3A_268 = arith.constant 16384 : i32
    %mul3A_269 = arith.muli %arg0, %mul3A_268 : i32
    %add3A = arith.addi %mul3A_269, %multiple_of3A : i32
    "tpu.region"() ({
      %run_scoped3A = tpu.sem_alloc : memref<!tpu.dma_semaphore, #tpu.memory_space<semaphore_mem>>
      %dma_start3A_270 = tpu.memref_slice %arg12[%add3A] : memref<32768xf32, #tpu.memory_space<hbm>> -> memref<1024xf32, #tpu.memory_space<hbm>>
      %dma_start3A_271 = tpu.memref_slice %arg12[%add3A] : memref<32768xf32, #tpu.memory_space<hbm>> -> memref<1024xf32, #tpu.memory_space<hbm>>
      tpu.enqueue_dma source(%arg19 : memref<1024xf32, #tpu.memory_space<vmem>>) target(%dma_start3A_271 : memref<1024xf32, #tpu.memory_space<hbm>>) target_semaphore(%run_scoped3A : memref<!tpu.dma_semaphore, #tpu.memory_space<semaphore_mem>>)
      %dma_wait3A_272 = tpu.memref_slice %arg12[%add3A] : memref<32768xf32, #tpu.memory_space<hbm>> -> memref<1024xf32, #tpu.memory_space<hbm>>
      %dma_wait3A_273 = tpu.memref_slice %arg12[%add3A] : memref<32768xf32, #tpu.memory_space<hbm>> -> memref<1024xf32, #tpu.memory_space<hbm>>
      tpu.wait_dma2 semaphore(%run_scoped3A : memref<!tpu.dma_semaphore, #tpu.memory_space<semaphore_mem>>) src(%arg19 : memref<1024xf32, #tpu.memory_space<vmem>>) dst(%dma_wait3A_273 : memref<1024xf32, #tpu.memory_space<hbm>>)
      tpu.yield
    }) : () -> ()
    return
  }
}

</mosaic_0001>

<sc_bundles>
// kernel: kernel.3.cloned.1.call-start
scs
__scs_entry_jumppad:
0x0: {  	(pc) =	sbr.rel $0x88, $3  }
0x1: {  	(tag) =	ssettag $0x0;
	lr =	simm.s32 $0x1  }
0x2: {  	[smem:$0x3F98] =	sst lr;
	_ =	strace $0xD0000000  }
0x3: {  	_ = 	snop  }
0x4: {  	_ = 	snop  }
0x5: {  	_ = 	snop  }
0x6: {  	_ = 	snop  }
0x7: {  	_ = 	snop  }
__scs_overlays_trampoline_lowered:
0x8: {  	[smem:$0x3FA7] =	sst s0  }
0x9: {  	[smem:$0x3FA8] =	sst s1  }
0xa: {  	[smem:$0x3FA9] =	sst s2  }
0xb: {  	[smem:$0x3FAA] =	sst s3  }
0xc: {  	[smem:$0x3FAB] =	sst s4  }
0xd: {  	[smem:$0x3FAC] =	sst s5  }
0xe: {  	[smem:$0x3FAD] =	sst s6  }
0xf: {  	[smem:$0x3FAE] =	sst s7  }
0x10: {  	[smem:$0x3FAF] =	sst s8  }
0x11: {  	[smem:$0x3FB0] =	sst s9;
	s0 =	simm.s32 @!p0 $0x0  }
0x12: {  	s1 =	sld [smem:$0x3F96];
	s0 =	simm.s32 @p0 $0x1  }
0x13: {  	[smem:$0x3FB1] =	sst s0;
	s0 =	simm.s32 @!p1 $0x0  }
0x14: {  	s2 =	sld [smem:$0x3F95];
	s0 =	simm.s32 @p1 $0x1  }
0x15: {  	[smem:$0x3FB2] =	sst s0;
	s0 =	simm.s32 @!p2 $0x0  }
0x16: {  	s3 =	sld [smem:$0x3FDB];
	s0 =	simm.s32 @p2 $0x1  }
0x17: {  	s4 =	simm.s32 $0x1BF5;
	[smem:$0x3FB4] =	sst s0  }
0x18: {  	s0 =	sld [smem:$0x3F97];
	_ =	swait.ge [sflag:s4], $0x0  }
0x19: {  	s7 =	sld [smem:$0x3F98]  }
0x1a: {  	s8 =	sadd.s32 $0xFFFFE003, lr  }
0x1b: {  	s9 =	sadd.s32 $0xFFFFFEF7, lr;
	s5 =	simm.s32 $0xFFFFFFFF;
	p2 =	slt.u32 s8, $0xFFFFF086  }
0x1c: {  	p1 =	slt.u32 s9, $0xF7A;
	s5 =	simm.s32 @!p2 $0x0  }
0x1d: {  	s5 =	simm.s32 @p1 $0x1;
	p0 =	seq.s32 s7, s2  }
0x1e: {  	s7 =	smul.u32 @!p0 $0xF7A, s2;
	p2 =	seq.s32 @!p0 s5, $0x0  }
0x1f: {  	s9 =	smul.u32 $0xF7A, s1;
	s8 =	simm.s32 @!p0 $0x1BF5;
	p2 =	por !p2, p0  }
0x20: {  	[sflag:s8] =	ssyncset.s32 @!p0 $0xFFFFF086;
	s6 =	sadd.s32 @!p0 s3, s7;
	s7 =	simm.s32 @!p0 $0x108  }
0x21: {  	s3 =	sadd.s32 s3, s9;
	s6 =	sadd.s32 @!p0 $0x88, s6;
	s7 =	simm.s32 @p2 $0x1082  }
0x22: {  	[simem:s7], [sflag:s8] =	dma.local @!p0 [hbm:s6], $0xF7A  }
0x23: {  	s9 =	sor.u32 $0xD0000000, s2;
	s6 =	simm.s32 $0x108;
	_ =	swait.ge @!p0 [sflag:s8], $0x0  }
0x24: {  	s3 =	sadd.s32 $0x88, s3;
	s6 =	simm.s32 @!p1 $0x1082;
	[sflag:s4] =	ssyncset.s32 $0xFFFFF086  }
0x25: {  	[simem:s6], [sflag:s4] =	dma.local [hbm:s3], $0xF7A  }
0x26: {  	[smem:$0x3F98] =	sst s1;
	(tag) =	ssettag s2;
	_ =	strace s9  }
0x27: {  	s1 =	sld [smem:$0x3FA8]  }
0x28: {  	s2 =	sld [smem:$0x3FA9]  }
0x29: {  	s4 =	sld [smem:$0x3FAB]  }
0x2a: {  	p0 =	seq.s32 s5, $0x0;
	s5 =	sld [smem:$0x3FAC]  }
0x2b: {  	s6 =	sld [smem:$0x3FAD]  }
0x2c: {  	s7 =	sld [smem:$0x3FAE]  }
0x2d: {  	s3 =	simm.s32 $0x108;
	s8 =	sld [smem:$0x3FAF]  }
0x2e: {  	s3 =	simm.s32 @!p0 $0x1082;
	s9 =	sld [smem:$0x3FB0]  }
0x2f: {  	lr =	sadd.s32 s0, s3;
	s0 =	sld [smem:$0x3FA7]  }
0x30: {  	s3 =	sld [smem:$0x3FAA]  }
0x31: {  	[smem:$0x3FB3] =	sst s10  }
0x32: {  	s10 =	sld [smem:$0x3FB1];
	_ =	sdelay $0x3  }
0x33: {  	p0 =	seq.s32 s10, $0x1;
	s10 =	sld [smem:$0x3FB3];
	_ =	sdelay $0x3  }
0x34: {  	[smem:$0x3FB3] =	sst s10  }
0x35: {  	s10 =	sld [smem:$0x3FB2];
	_ =	sdelay $0x3  }
0x36: {  	p1 =	seq.s32 s10, $0x1;
	s10 =	sld [smem:$0x3FB3];
	_ =	sdelay $0x3  }
0x37: {  	[smem:$0x3FB3] =	sst s10  }
0x38: {  	s10 =	sld [smem:$0x3FB4]  }
0x39: {  	_ = 	snop;
	(pc) =	sbr.ind lr, $3  }
0x3a: {  	_ = 	snop  }
0x3b: {  	_ = 	snop  }
0x3c: {  	p2 =	seq.s32 s10, $0x1;
	s10 =	sld [smem:$0x3FB3]  }
0x3d: {  	_ =	shalt  }
0x3e: {  	_ =	shalt  }
0x3f: {  	_ =	shalt  }
0x40: {  	_ =	shalt  }
0x41: {  	_ =	shalt  }
0x42: {  	_ =	shalt  }
0x43: {  	_ =	shalt  }
0x44: {  	_ =	shalt  }
0x45: {  	_ =	shalt  }
0x46: {  	_ =	shalt  }
0x47: {  	_ =	shalt  }
0x48: {  	_ =	shalt  }
0x49: {  	_ =	shalt  }
0x4a: {  	_ =	shalt  }
0x4b: {  	_ =	shalt  }
0x4c: {  	_ =	shalt  }
0x4d: {  	_ =	shalt  }
0x4e: {  	_ =	shalt  }
0x4f: {  	_ =	shalt  }
0x50: {  	_ =	shalt  }
0x51: {  	_ =	shalt  }
0x52: {  	_ =	shalt  }
0x53: {  	_ =	shalt  }
0x54: {  	_ =	shalt  }
0x55: {  	_ =	shalt  }
0x56: {  	_ =	shalt  }
0x57: {  	_ =	shalt  }
0x58: {  	_ =	shalt  }
0x59: {  	_ =	shalt  }
0x5a: {  	_ =	shalt  }
0x5b: {  	_ =	shalt  }
0x5c: {  	_ =	shalt  }
0x5d: {  	_ =	shalt  }
0x5e: {  	_ =	shalt  }
0x5f: {  	_ =	shalt  }
0x60: {  	_ =	shalt  }
0x61: {  	_ =	shalt  }
0x62: {  	_ =	shalt  }
0x63: {  	_ =	shalt  }
0x64: {  	_ =	shalt  }
0x65: {  	_ =	shalt  }
0x66: {  	_ =	shalt  }
0x67: {  	_ =	shalt  }
0x68: {  	_ =	shalt  }
0x69: {  	_ =	shalt  }
0x6a: {  	_ =	shalt  }
0x6b: {  	_ =	shalt  }
0x6c: {  	_ =	shalt  }
0x6d: {  	_ =	shalt  }
0x6e: {  	_ =	shalt  }
0x6f: {  	_ =	shalt  }
0x70: {  	_ =	shalt  }
0x71: {  	_ =	shalt  }
0x72: {  	_ =	shalt  }
0x73: {  	_ =	shalt  }
0x74: {  	_ =	shalt  }
0x75: {  	_ =	shalt  }
0x76: {  	_ =	shalt  }
0x77: {  	_ =	shalt  }
0x78: {  	_ =	shalt  }
0x79: {  	_ =	shalt  }
0x7a: {  	_ =	shalt  }
0x7b: {  	_ =	shalt  }
0x7c: {  	_ =	shalt  }
0x7d: {  	_ =	shalt  }
0x7e: {  	_ =	shalt  }
0x7f: {  	_ =	shalt  }
0x80: {  	_ =	shalt  }
0x81: {  	_ =	shalt  }
0x82: {  	_ =	shalt  }
0x83: {  	_ =	shalt  }
0x84: {  	_ =	shalt  }
0x85: {  	_ =	shalt  }
0x86: {  	_ =	shalt  }
0x87: {  	_ =	shalt  }
.Lfunc_end0:
.L_simem_size_0:
called_computation_lowered:
.L_overlay_start_0:
0x88: {  	s2 =	sld [smem:$0x3FD9]  }
0x89: {  	s3 =	sld [smem:$0x3FFE];
	_ =	sdelay $0x1  }
0x8a: {  	s1 =	srdreg.scid  }
0x8b: {  	s0 =	sand.u32 $0x1, s1  }
0x8c: {  	s17 =	sshll.u32 s0, $0xA;
	s2 =	sadd.s32 s3, s2  }
0x8d: {  	s2 =	sadd.s32 s2, s17  }
0x8e: {  	[smem:$0x3FBF] =	sst s2  }
0x8f: {  	_ = 	snop  }
0x90: {  	s2 =	sld [smem:$0x3FC9]  }
0x91: {  	s18 =	sld [smem:$0x3FC8]  }
0x92: {  	s4 =	sld [smem:$0x3FC7]  }
0x93: {  	s5 =	sld [smem:$0x3FC6]  }
0x94: {  	s6 =	sld [smem:$0x3FC4]  }
0x95: {  	s7 =	sld [smem:$0x3FC3]  }
0x96: {  	s8 =	sld [smem:$0x3FD0];
	(tm) =	ssettm $0x1  }
0x97: {  	s9 =	sld [smem:$0x3FFB];
	_ =	sdelay $0x3  }
0x98: {  	_ =	strace s9  }
0x99: {  	s9 =	sld [smem:$0x3FFC];
	_ =	sdelay $0x3  }
0x9a: {  	_ =	strace s9  }
0x9b: {  	s9 =	sld [smem:$0x3FFD];
	_ =	sdelay $0x3  }
0x9c: {  	_ =	strace s9  }
0x9d: {  	_ =	strace $0x8FFFFFFF  }
0x9e: {  	s19 =	sld [smem:$0x3FDB];
	_ =	sdelay $0x1  }
0x9f: {  	s10 =	simm.s32 $_scs_section_size  }
0xa0: {  	s11 =	simm.s32 $_size__tile_overlayer_lowered;
	s12 =	simm.s32 $_tile_overlayer_lowered  }
0xa1: {  	s22 =	simm.s32 $0x1BFF;
	s21 =	sshll.u32 s12, $0x1;
	s9 =	sadd.s32 s10, s19  }
0xa2: {  	s13 =	simm.s32 $0x0;
	s20 =	sshll.u32 s11, $0x1;
	s11 =	sadd.s32 s21, s9  }
0xa3: {  	[timem:s13], [sflag:s22] =	dma.local [hbm:s11], s20  }
0xa4: {  	_ =	swait.ge [sflag:s22], s20  }
0xa5: {  	s10 =	ssub.s32 $0x0, s20;
	[sflag:s22] =	ssyncset.done $0x0  }
0xa6: {  	[sflag:s22] =	ssyncadd.s32 s10;
	_ =	sdelay $0x1  }
0xa7: {  	s23 =	simm.s32 $0x1B8B  }
0xa8: {  	_ =	swait.ge [sflag:s23], $0x1  }
0xa9: {  	[sflag:s23] =	ssyncset.done $0x0  }
0xaa: {  	s25 =	simm.s32 $0x1B8E;
	s24 =	sld [smem:$0x3FFE];
	[sflag:s23] =	ssyncadd.s32 $0xFFFFFFFF  }
0xab: {  	s26 =	simm.s32 $execute0_lowered;
	[smem:$0x3FD2] =	sst s25  }
0xac: {  	s11 =	sshll.u32 s26, $0x1;
	_ =	strace $0x80000046;
	[dreg:$0x1] =	wrdreg $0xFFFFFFFF  }
0xad: {  	s28 =	simm.s32 $_size_execute0_lowered;
	s9 =	sadd.s32 s9, s11;
	[dreg:$0x0] =	wrdreg $0x0  }
0xae: {  	s11 =	sshll.u32 s28, $0x1;
	[dreg:$0x2] =	wrdreg s9  }
0xaf: {  	[dreg:$0x3] =	wrdreg s11  }
0xb0: {  	[dreg:$0x4] =	wrdreg $0xC0  }
0xb1: {  	_ =	task [dreg:s13], $0x5FFFF  }
0xb2: {  	[dreg:$0x1] =	wrdreg $0xFFFFFFFF  }
0xb3: {  	[dreg:$0x0] =	wrdreg $0x60  }
0xb4: {  	[dreg:$0x2] =	wrdreg s2  }
0xb5: {  	[dreg:$0x3] =	wrdreg s18  }
0xb6: {  	[dreg:$0x4] =	wrdreg s4  }
0xb7: {  	[dreg:$0x5] =	wrdreg s5  }
0xb8: {  	[dreg:$0x6] =	wrdreg s8  }
0xb9: {  	[dreg:$0x7] =	wrdreg s6  }
0xba: {  	[dreg:$0x8] =	wrdreg s7  }
0xbb: {  	[dreg:$0x9] =	wrdreg s24  }
0xbc: {  	[dreg:$0xa] =	wrdreg $0x9D800  }
0xbd: {  	[dreg:$0xb] =	wrdreg $0x117900  }
0xbe: {  	[dreg:$0xc] =	wrdreg $0x9  }
0xbf: {  	_ =	task.clear_ibuf [dreg:s13], $0xDFFFF;
	_ =	strace $0x90000046  }
0xc0: {  	s29 =	simm.s32 $0x9;
	_ =	strace $0x80000048  }
0xc1: {  	_ =	swait.ge [sflag:s29], $0x1  }
0xc2: {  	[sflag:s29] =	ssyncadd.s32 $0xFFFFFFFF  }
0xc3: {  	_ =	strace $0x90000048  }
0xc4: {  	_ =	sfence  }
0xc5: {  	s30 =	sld [smem:$0x0];
	_ =	sdelay $0x2  }
0xc6: {  	s31 =	sshll.u32 s1, $0xD;
	s1 =	sshrl.u32 s1, $0x2  }
0xc7: {  	s3 =	sand.u32 $0x4000, s31;
	s1 =	sadd.s32 s1, s30  }
0xc8: {  	s0 =	sor.u32 s3, s0;
	s1 =	sshll.u32 s1, $0x11  }
0xc9: {  	s0 =	sor.u32 s1, s0  }
0xca: {  	s0 =	sadd.s32 $0x8F2B, s0  }
0xcb: {  	[sflag:s0] =	ssyncadd.remote.s32 $0x1  }
0xcc: {  	_ =	sfence.sel $0xFFFF  }
0xcd: {  	[dreg:$0x0] =	wrdreg $0xFFFFFFFF;
	(pc) =	sbr.abs _section_cstart, $3  }
0xce: {  	[dreg:$0x1] =	wrdreg $0xFFFFFFFF  }
0xcf: {  	_ =	task.clear_ibuf [dreg:s13], $0x2FFFF;
	_ =	strace $0x9FFFFFFF  }
0xd0: {  	(tm) =	ssettm $0x7FFFFFFF  }
0xd1: {  	_ =	shalt  }
tec
execute0_lowered:
.L_overlay_start_1:
0x0: {  	(tag) =	ssettag $0x1  }
0x1: {  	s0 =	rddreg [dreg:$0x0]  }
0x2: {  	s1 =	rddreg [dreg:$0x1]  }
0x3: {  	s2 =	rddreg [dreg:$0x2]  }
0x4: {  	s3 =	rddreg [dreg:$0x3]  }
0x5: {  	s12 =	rddreg [dreg:$0x5]  }
0x6: {  	s13 =	rddreg [dreg:$0x6]  }
0x7: {  	s6 =	rddreg [dreg:$0x7]  }
0x8: {  	s4 =	rddreg [dreg:$0x8]  }
0x9: {  	s5 =	rddreg [dreg:$0x9];
	s16 =	simm.s32 $0x0  }
0xa: {  	s7 =	srdreg.scid;
	s15 =	stileid.u32;
	s28 =	simm.s32 $0xF00  }
0xb: {  	s29 =	simm.s32 $0x1B00;
	s30 =	simm.s32 $0xF80;
	s31 =	simm.s32 $0x1B80  }
0xc: {  	[smem:$0x7FF] =	sst s16;
	s14 =	sand.u32 $0x1, s7;
	s8 =	sadd.s32 $0x400, s6  }
0xd: {  	s10 =	sadd.s32 $0x600, s6;
	_ =	strace $0x80000047;
	[dreg:$0xc] =	wrdreg s8  }
0xe: {  	s17 =	sshll.u32 s15, $0xA;
	s11 =	sadd.s32 $0x800, s6;
	[dreg:$0xd] =	wrdreg s10  }
0xf: {  	s21 =	sshll.u32 s15, $0x7;
	p0 =	sne.s32 s15, $0x0;
	[dreg:$0xe] =	wrdreg s11  }
0x10: {  	p1 =	seq.s32 s15, $0x0;
	s0 =	sadd.s32 s0, s21;
	[dreg:$0xb] =	wrdreg s14  }
0x11: {  	s9 =	sshll.u32 s14, $0xE;
	s22 =	sadd.s32 s1, s21;
	[dreg:$0xf] =	wrdreg s0  }
0x12: {  	s18 =	ssub.s32 $0x2, s14;
	s23 =	sadd.s32 s2, s21;
	[dreg:$0x10] =	wrdreg s22  }
0x13: {  	s3 =	sadd.s32 s3, s17;
	s2 =	smul.u32 $0x18700, s14;
	[dreg:$0x12] =	wrdreg s23  }
0x14: {  	s11 =	smul.u32 $0xC3800, s14;
	s24 =	sadd.s32 $0x10, s3;
	[dreg:$0x11] =	wrdreg s3  }
0x15: {  	s15 =	smul.u32 $0x1E8500, s14;
	s25 =	sadd.s32 $0x20, s3;
	[dreg:$0x13] =	wrdreg s24  }
0x16: {  	p2 =	seq.s32 s14, $0x1;
	s26 =	sadd.s32 $0x30, s3;
	[dreg:$0x14] =	wrdreg s25  }
0x17: {  	s9 =	sor.u32 s17, s9;
	s1 =	sadd.s32 $0x40, s3;
	[dreg:$0x15] =	wrdreg s26  }
0x18: {  	s19 =	sshrl.u32 s18, $0x1;
	s8 =	sadd.s32 $0x50, s3;
	[dreg:$0x16] =	wrdreg s1  }
0x19: {  	s10 =	sadd.s32 $0x60, s3;
	s21 =	sadd.s32 $0x70, s3;
	[dreg:$0x17] =	wrdreg s8  }
0x1a: {  	s22 =	sadd.s32 $0x4000, s3;
	s23 =	sadd.s32 $0x4010, s3;
	[dreg:$0x18] =	wrdreg s10  }
0x1b: {  	s9 =	sshrl.u32 s9, $0x3;
	s20 =	ssub.s32 s18, s19;
	[dreg:$0x1e] =	wrdreg s21  }
0x1c: {  	s0 =	sadd.s32 s12, s2;
	s17 =	sor.u32 $0x80, s11;
	[dreg:$0x1f] =	wrdreg s22  }
0x1d: {  	s18 =	sadd.s32 s13, s15;
	[smem:$0x7FA] =	sst s23;
	s24 =	sadd.s32 $0x4020, s3  }
0x1e: {  	s25 =	sadd.s32 $0x4030, s3;
	s26 =	sshll.u32 s14, $0x3;
	[dreg:$0x19] =	wrdreg s0  }
0x1f: {  	s8 =	simm.s32 $0x2000;
	s10 =	simm.s32 $0x9080;
	[dreg:$0x1a] =	wrdreg s17  }
0x20: {  	s11 =	simm.s32 $0x80;
	s12 =	simm.s32 $0x1;
	[dreg:$0x1b] =	wrdreg s18  }
0x21: {  	s15 =	simm.s32 $0x1800;
	s21 =	simm.s32 $0x1980;
	[smem:$0x7FB] =	sst s24  }
0x22: {  	s3 =	simm.s32 $0x0;
	s6 =	sadd.s32 s9, s6;
	[smem:$0x7FC] =	sst s25  }
0x23: {  	s20 =	smax.u32 s20, $0x1;
	[smem:$0x7FD] =	sst s26;
	s0 =	sshll.u32 s14, $0x4  }
0x24: {  	s9 =	simm.s32 $0x8E80;
	s14 =	simm.s32 $0xC00;
	s17 =	simm.s32 $0x1880  }
0x25: {  	s24 =	simm.s32 $0x1A00;
	s19 =	sadd.s32 $0xA00, s6;
	[dreg:$0x1d] =	wrdreg s20  }
0x26: {  	v0 =	vimm.f32 $0.0e+00;
	s26 =	simm.s32 $0x1A80;
	[dreg:$0x1c] =	wrdreg s19;
	s19 =	simm.s32 $0x1900  }
.LBB2_1:
0x27: {  	[smem:$0x7F9] =	sst s3  }
0x28: {  	s1 =	rddreg [dreg:$0xf]  }
0x29: {  	s6 =	rddreg [dreg:$0x10]  }
0x2a: {  	[tilespmem:s16], [sflag:$0x1] =	stream.linear.gather [hbm4b:s1+s16], $0x400, $0x38;
	[tilespmem:$0x191A0] =	vst v63  }
0x2b: {  	s2 =	simm.s32 $0x400;
	s7 =	rddreg [dreg:$0x12]  }
0x2c: {  	[tilespmem:s2], [sflag:$0x1] =	stream.linear.gather [hbm4b:s6+s16], $0x400, $0x38;
	[tilespmem:$0x191A0] =	vst v63  }
0x2d: {  	s3 =	simm.s32 $0x800;
	s13 =	rddreg [dreg:$0xe]  }
0x2e: {  	[tilespmem:s3], [sflag:$0x1] =	stream.linear.gather [hbm4b:s7+s16], $0x400, $0x38;
	[tilespmem:$0x191A0] =	vst v63  }
0x2f: {  	s18 =	rddreg [dreg:$0x4];
	s6 =	simm.s32 $0x9880  }
0x30: {  	[tilespmem:s6], [sflag:$0x1] =	stream.linear.gather [hbm4b:s13+s16], $0x500, $0x38;
	[tilespmem:$0x191A0] =	vst v63  }
0x31: {  	s20 =	rddreg [dreg:$0xc]  }
0x32: {  	[tilespmem:s8], [sflag:$0x1] =	stream.linear.gather [hbm4b:s18+s16], $0x3E80, $0x38;
	[tilespmem:$0x191A0] =	vst v63  }
0x33: {  	s22 =	rddreg [dreg:$0xd]  }
0x34: {  	[tilespmem:s9], [sflag:$0x1] =	stream.linear.gather [hbm4b:s20+s16], $0x200, $0x38;
	[tilespmem:$0x191A0] =	vst v63  }
0x35: {  	s23 =	rddreg [dreg:$0x11]  }
0x36: {  	[tilespmem:s10], [sflag:$0x1] =	stream.linear.gather [hbm4b:s22+s16], $0x800, $0x38;
	[tilespmem:$0x191A0] =	vst v63  }
0x37: {  	s25 =	simm.s32 $0x5E80;
	s6 =	rddreg [dreg:$0x13]  }
0x38: {  	[tilespmem:s25], [sflag:$0x1] =	stream.strided.gather [hbm4b:s23+s11], $0x400, s2, s11, $0x38;
	[tilespmem:$0x191A0] =	vst v63  }
0x39: {  	s7 =	simm.s32 $0x6280;
	s13 =	rddreg [dreg:$0x14]  }
0x3a: {  	[tilespmem:s7], [sflag:$0x1] =	stream.strided.gather [hbm4b:s6+s11], $0x400, s2, s11, $0x38;
	[tilespmem:$0x191A0] =	vst v63  }
0x3b: {  	s18 =	simm.s32 $0x6680;
	s20 =	rddreg [dreg:$0x15]  }
0x3c: {  	[tilespmem:s18], [sflag:$0x1] =	stream.strided.gather [hbm4b:s13+s11], $0x400, s2, s11, $0x38;
	[tilespmem:$0x191A0] =	vst v63  }
0x3d: {  	s22 =	simm.s32 $0x6A80;
	s23 =	rddreg [dreg:$0x16]  }
0x3e: {  	[tilespmem:s22], [sflag:$0x1] =	stream.strided.gather [hbm4b:s20+s11], $0x400, s2, s11, $0x38;
	[tilespmem:$0x191A0] =	vst v63  }
0x3f: {  	s25 =	simm.s32 $0x6E80;
	s6 =	rddreg [dreg:$0x17]  }
0x40: {  	[tilespmem:s25], [sflag:$0x1] =	stream.strided.gather [hbm4b:s23+s11], $0x400, s2, s11, $0x38;
	[tilespmem:$0x191A0] =	vst v63  }
0x41: {  	s7 =	simm.s32 $0x7280;
	s13 =	rddreg [dreg:$0x18]  }
0x42: {  	[tilespmem:s7], [sflag:$0x1] =	stream.strided.gather [hbm4b:s6+s11], $0x400, s2, s11, $0x38;
	[tilespmem:$0x191A0] =	vst v63  }
0x43: {  	s18 =	simm.s32 $0x7680;
	s20 =	rddreg [dreg:$0x1e]  }
0x44: {  	[tilespmem:s18], [sflag:$0x1] =	stream.strided.gather [hbm4b:s13+s11], $0x400, s2, s11, $0x38;
	[tilespmem:$0x191A0] =	vst v63  }
0x45: {  	s22 =	simm.s32 $0x7A80;
	s23 =	rddreg [dreg:$0x1f]  }
0x46: {  	[tilespmem:s22], [sflag:$0x1] =	stream.strided.gather [hbm4b:s20+s11], $0x400, s2, s11, $0x38;
	[tilespmem:$0x191A0] =	vst v63  }
0x47: {  	s25 =	simm.s32 $0x7E80;
	s7 =	sld [smem:$0x7FA]  }
0x48: {  	[tilespmem:s25], [sflag:$0x1] =	stream.strided.gather [hbm4b:s23+s11], $0x400, s2, s11, $0x38;
	[tilespmem:$0x191A0] =	vst v63  }
0x49: {  	s13 =	simm.s32 $0x8280;
	s18 =	sld [smem:$0x7FB]  }
0x4a: {  	[tilespmem:s13], [sflag:$0x1] =	stream.strided.gather [hbm4b:s7+s11], $0x400, s2, s11, $0x38;
	[tilespmem:$0x191A0] =	vst v63  }
0x4b: {  	s20 =	simm.s32 $0x8680;
	s22 =	sld [smem:$0x7FC]  }
0x4c: {  	[tilespmem:s20], [sflag:$0x1] =	stream.strided.gather [hbm4b:s18+s11], $0x400, s2, s11, $0x38;
	[tilespmem:$0x191A0] =	vst v63  }
0x4d: {  	s23 =	simm.s32 $0x8A80  }
0x4e: {  	[tilespmem:s23], [sflag:$0x1] =	stream.strided.gather [hbm4b:s22+s11], $0x400, s2, s11, $0x38;
	[tilespmem:$0x191A0] =	vst v63  }
0x4f: {  	_ =	swait.ge [sflag:s12], $0x400  }
0x50: {  	[sflag:s12] =	ssyncset.done $0x0  }
0x51: {  	[sflag:s12] =	ssyncadd.s32 $0xFFFFFC00  }
0x52: {  	_ =	swait.ge [sflag:s12], $0x400  }
0x53: {  	[sflag:s12] =	ssyncset.done $0x0  }
0x54: {  	[sflag:s12] =	ssyncadd.s32 $0xFFFFFC00  }
0x55: {  	_ =	swait.ge [sflag:s12], $0x400  }
0x56: {  	[sflag:s12] =	ssyncset.done $0x0  }
0x57: {  	[sflag:s12] =	ssyncadd.s32 $0xFFFFFC00  }
0x58: {  	_ =	swait.ge [sflag:s12], $0x500  }
0x59: {  	[sflag:s12] =	ssyncset.done $0x0  }
0x5a: {  	[sflag:s12] =	ssyncadd.s32 $0xFFFFFB00  }
0x5b: {  	_ =	swait.ge [sflag:s12], $0x3E80  }
0x5c: {  	[sflag:s12] =	ssyncset.done $0x0  }
0x5d: {  	[sflag:s12] =	ssyncadd.s32 $0xFFFFC180  }
0x5e: {  	_ =	swait.ge [sflag:s12], $0x200  }
0x5f: {  	[sflag:s12] =	ssyncset.done $0x0  }
0x60: {  	[sflag:s12] =	ssyncadd.s32 $0xFFFFFE00  }
0x61: {  	_ =	swait.ge [sflag:s12], $0x800  }
0x62: {  	[sflag:s12] =	ssyncset.done $0x0  }
0x63: {  	[sflag:s12] =	ssyncadd.s32 $0xFFFFF800  }
0x64: {  	_ =	swait.ge [sflag:s12], $0x400  }
0x65: {  	[sflag:s12] =	ssyncset.done $0x0  }
0x66: {  	[sflag:s12] =	ssyncadd.s32 $0xFFFFFC00  }
0x67: {  	_ =	swait.ge [sflag:s12], $0x400  }
0x68: {  	[sflag:s12] =	ssyncset.done $0x0  }
0x69: {  	[sflag:s12] =	ssyncadd.s32 $0xFFFFFC00  }
0x6a: {  	_ =	swait.ge [sflag:s12], $0x400  }
0x6b: {  	[sflag:s12] =	ssyncset.done $0x0  }
0x6c: {  	[sflag:s12] =	ssyncadd.s32 $0xFFFFFC00  }
0x6d: {  	_ =	swait.ge [sflag:s12], $0x400  }
0x6e: {  	[sflag:s12] =	ssyncset.done $0x0  }
0x6f: {  	[sflag:s12] =	ssyncadd.s32 $0xFFFFFC00  }
0x70: {  	_ =	swait.ge [sflag:s12], $0x400  }
0x71: {  	[sflag:s12] =	ssyncset.done $0x0  }
0x72: {  	[sflag:s12] =	ssyncadd.s32 $0xFFFFFC00  }
0x73: {  	_ =	swait.ge [sflag:s12], $0x400  }
0x74: {  	[sflag:s12] =	ssyncset.done $0x0  }
0x75: {  	[sflag:s12] =	ssyncadd.s32 $0xFFFFFC00  }
0x76: {  	_ =	swait.ge [sflag:s12], $0x400  }
0x77: {  	[sflag:s12] =	ssyncset.done $0x0  }
0x78: {  	[sflag:s12] =	ssyncadd.s32 $0xFFFFFC00  }
0x79: {  	_ =	swait.ge [sflag:s12], $0x400  }
0x7a: {  	[sflag:s12] =	ssyncset.done $0x0  }
0x7b: {  	[sflag:s12] =	ssyncadd.s32 $0xFFFFFC00  }
0x7c: {  	_ =	swait.ge [sflag:s12], $0x400  }
0x7d: {  	[sflag:s12] =	ssyncset.done $0x0  }
0x7e: {  	[sflag:s12] =	ssyncadd.s32 $0xFFFFFC00  }
0x7f: {  	_ =	swait.ge [sflag:s12], $0x400  }
0x80: {  	[sflag:s12] =	ssyncset.done $0x0  }
0x81: {  	[sflag:s12] =	ssyncadd.s32 $0xFFFFFC00  }
0x82: {  	_ =	swait.ge [sflag:s12], $0x400  }
0x83: {  	[sflag:s12] =	ssyncset.done $0x0  }
0x84: {  	[sflag:s12] =	ssyncadd.s32 $0xFFFFFC00  }
0x85: {  	_ =	swait.ge [sflag:s12], $0x400  }
0x86: {  	[sflag:s12] =	ssyncset.done $0x0  }
0x87: {  	[sflag:s12] =	ssyncadd.s32 $0xFFFFFC00  }
0x88: {  	v1 =	vld [tilespmem:s2+$0x0]  }
0x89: {  	v2 =	vld [tilespmem:s3+$0x0];
	_ =	sdelay $0x4  }
0x8a: {  	vm0 =	vlt.s32 v1, $0x1867F;
	vm1 =	vgt.s32 v2, $0x0;
	v3 =	vadd.s32 $0xFFF85F00, v2  }
0x8b: {  	v1 =	vnsel vm0, $0x1867F, v1;
	v2 =	vnsel vm1, $0x0, v2;
	vm15 =	vgt.s32 v3, $0x0  }
0x8c: {  	s1 =	simm.s32 $0x10;
	s25 =	simm.s32 $0x1000;
	[tilespmem:s14+$0x0] =	vst v1;
	v1 =	vmin.u32 v2, $0x7A0FF;
	v2 =	vnsel vm15, $0x0, v3  }
0x8d: {  	s6 =	simm.s32 $0x1010;
	s13 =	sand.u32 $0x3F0, s16;
	s7 =	simm.s32 $0xC00;
	[tilespmem:s25+$0x0] =	vst v1;
	v1 =	vmin.u32 v2, $0x7A0FF  }
.LBB2_2:
0x8e: {  	[tilespmem:s13+$0x1400] =	vst v1;
	s2 =	sadd.s32 $0x10, s2;
	s3 =	sadd.s32 $0x10, s3;
	s7 =	sadd.s32 $0x10, s7  }
0x8f: {  	p3 =	sne.s32 s1, $0x3F0;
	s13 =	smov.u32 s1;
	s1 =	sadd.s32 $0x10, s1;
	v1 =	vld [tilespmem:s2+$0x0]  }
0x90: {  	v2 =	vld [tilespmem:s3+$0x0];
	_ =	sdelay $0x3  }
.Ltmp0:
0x91: {  	vm0 =	vlt.s32 v1, $0x1867F;
	(pc) =	sbr.rel @p3 .LBB2_2-.Ltmp0, $4  }
0x92: {  	v1 =	vnsel vm0, $0x1867F, v1;
	vm0 =	vgt.s32 v2, $0x0;
	v3 =	vadd.s32 $0xFFF85F00, v2  }
0x93: {  	[tilespmem:s7+$0x0] =	vst v1;
	v1 =	vnsel vm0, $0x0, v2;
	vm0 =	vgt.s32 v3, $0x0  }
0x94: {  	v1 =	vmin.u32 v1, $0x7A0FF;
	v2 =	vnsel vm0, $0x0, v3  }
0x95: {  	s13 =	sand.u32 $0x3F0, s13;
	[tilespmem:s6+$0x0] =	vst v1;
	v1 =	vmin.u32 v2, $0x7A0FF;
	s6 =	sadd.s32 $0x10, s6  }
.Ltmp1:
0x96: {  	(pc) =	sbr.rel @!p2 .LBB2_4-.Ltmp1, $2  }
0x97: {  	_ =	sdelay $0x2  }
0x98: {  	[tilespmem:s13+$0x1400] =	vst v1;
	s6 =	simm.s32 $0x0  }
0x99: {  	s1 =	simm.s32 $0x40;
	s2 =	simm.s32 $0x0  }
.LBB2_8:
0x9a: {  	p3 =	sne.s32 s1, $0xFC0;
	[tilespmem:s2+$0x1C00] =	vst v0;
	s2 =	smov.u32 s1;
	s1 =	sadd.s32 $0x40, s1  }
.Ltmp2:
0x9b: {  	(pc) =	sbr.rel @p3 .LBB2_8-.Ltmp2, $2  }
0x9c: {  	_ =	sdelay $0x2  }
0x9d: {  	s2 =	sshra.s32 s2, $0x2  }
.Ltmp3:
0x9e: {  	(pc) =	sbr.rel .LBB2_10-.Ltmp3, $2  }
0x9f: {  	_ =	sdelay $0x2  }
0xa0: {  	[tilespmem:s2+$0x1C00] =	vst v0  }
.LBB2_4:
0xa1: {  	v2 =	vld [tilespmem:$0x9D40]  }
0xa2: {  	v4 =	vld [tilespmem:$0x9C80]  }
0xa3: {  	s2 =	simm.s32 $0x5E80;
	v6 =	vld [tilespmem:$0x9C90]  }
0xa4: {  	v3 =	vld [tilespmem:s2+$0x0]  }
0xa5: {  	s1 =	sand.u32 $0x3F0, s6;
	v8 =	vld [tilespmem:$0x9CA0]  }
0xa6: {  	v5 =	vld [tilespmem:s1+$0x6280]  }
0xa7: {  	v9 =	vld [tilespmem:$0x9CB0]  }
0xa8: {  	v7 =	vld [tilespmem:s1+$0x6680]  }
0xa9: {  	v38 =	vld [tilespmem:$0x9CD0];
	v3 =	vmul.f32 v4, v3  }
0xaa: {  	v4 =	vld [tilespmem:s1+$0x6A80]  }
0xab: {  	v2 =	vadd.f32 v3, v2;
	v3 =	vmul.f32 v6, v5;
	v5 =	vld [tilespmem:s1+$0x6E80]  }
0xac: {  	v6 =	vld [tilespmem:$0x9CC0]  }
0xad: {  	v39 =	vld [tilespmem:$0x9CE0];
	v2 =	vadd.f32 v3, v2;
	v3 =	vmul.f32 v8, v7  }
0xae: {  	v7 =	vld [tilespmem:s1+$0x7280]  }
0xaf: {  	v40 =	vld [tilespmem:$0x9D00];
	v2 =	vadd.f32 v3, v2;
	v3 =	vmul.f32 v9, v4  }
0xb0: {  	v4 =	vld [tilespmem:s1+$0x7680]  }
0xb1: {  	v2 =	vadd.f32 v3, v2;
	v3 =	vmul.f32 v6, v5;
	v5 =	vld [tilespmem:s1+$0x7A80]  }
0xb2: {  	v6 =	vld [tilespmem:$0x9CF0]  }
0xb3: {  	v2 =	vadd.f32 v3, v2;
	v3 =	vmul.f32 v38, v7;
	v7 =	vld [tilespmem:s6+$0x0]  }
0xb4: {  	v1 =	vld [tilespmem:s1+$0x7E80]  }
0xb5: {  	v41 =	vld [tilespmem:$0x9D10];
	v2 =	vadd.f32 v3, v2;
	v3 =	vmul.f32 v39, v4  }
0xb6: {  	v4 =	vld [tilespmem:s1+$0x8280]  }
0xb7: {  	v2 =	vadd.f32 v3, v2;
	v3 =	vmul.f32 v6, v5;
	v5 =	vld [tilespmem:s1+$0x8680]  }
0xb8: {  	v6 =	vld [tilespmem:$0x9D20];
	v10 =	vadd.s32 $0x3E8, v7  }
0xb9: {  	v42 =	vld [tilespmem:$0x9D30];
	v1 =	vmul.f32 v40, v1;
	v2 =	vadd.f32 v3, v2  }
0xba: {  	v3 =	vld [tilespmem:s1+$0x8A80]  }
0xbb: {  	v43 =	vld [tilespmem:$0x9880];
	v11 =	vadd.s32 $0x7D0, v7;
	v1 =	vadd.f32 v1, v2;
	v2 =	vmul.f32 v41, v4  }
0xbc: {  	v4 =	vld.idx.msk [tilespmem:v7+s8+$0x0], $0xffff  }
0xbd: {  	v12 =	vadd.s32 $0xBB8, v7;
	v1 =	vadd.f32 v2, v1;
	v2 =	vmul.f32 v6, v5;
	v5 =	vld.idx.msk [tilespmem:v10+s8+$0x0], $0xffff  }
0xbe: {  	v44 =	vadd.s32 $0xFA0, v7;
	v6 =	vld [tilespmem:$0x9890]  }
0xbf: {  	v45 =	vld [tilespmem:$0x98A0];
	v1 =	vadd.f32 v2, v1;
	v2 =	vmul.f32 v42, v3  }
0xc0: {  	v3 =	vld.idx.msk [tilespmem:v11+s8+$0x0], $0xffff  }
0xc1: {  	v47 =	vld [tilespmem:$0x98B0];
	v46 =	vadd.s32 $0x1388, v7;
	v1 =	vadd.f32 v2, v1;
	v2 =	vmul.f32 v43, v4  }
0xc2: {  	v4 =	vld.idx.msk [tilespmem:v12+s8+$0x0], $0xffff  }
0xc3: {  	v48 =	vadd.s32 $0x1770, v7;
	v1 =	vadd.f32 v2, v1;
	v2 =	vmul.f32 v6, v5;
	v5 =	vld.idx.msk [tilespmem:v44+s8+$0x0], $0xffff  }
0xc4: {  	v49 =	vadd.s32 $0x1B58, v7;
	v6 =	vld [tilespmem:$0x98C0]  }
0xc5: {  	v50 =	vld [tilespmem:$0x98D0];
	v1 =	vadd.f32 v2, v1;
	v2 =	vmul.f32 v45, v3  }
0xc6: {  	v3 =	vld.idx.msk [tilespmem:v46+s8+$0x0], $0xffff  }
0xc7: {  	v52 =	vld [tilespmem:$0x98E0];
	v51 =	vadd.s32 $0x1F40, v7;
	v1 =	vadd.f32 v2, v1;
	v2 =	vmul.f32 v47, v4  }
0xc8: {  	v4 =	vld.idx.msk [tilespmem:v48+s8+$0x0], $0xffff  }
0xc9: {  	v53 =	vadd.s32 $0x2328, v7;
	v1 =	vadd.f32 v2, v1;
	v2 =	vmul.f32 v6, v5;
	v5 =	vld.idx.msk [tilespmem:v49+s8+$0x0], $0xffff  }
0xca: {  	v54 =	vadd.s32 $0x2710, v7;
	v6 =	vld [tilespmem:$0x98F0]  }
0xcb: {  	v55 =	vld [tilespmem:$0x9900];
	v1 =	vadd.f32 v2, v1;
	v2 =	vmul.f32 v50, v3  }
0xcc: {  	v3 =	vld.idx.msk [tilespmem:v51+s8+$0x0], $0xffff  }
0xcd: {  	v57 =	vld [tilespmem:$0x9910];
	v56 =	vadd.s32 $0x2AF8, v7;
	v1 =	vadd.f32 v2, v1;
	v2 =	vmul.f32 v52, v4  }
0xce: {  	v4 =	vld.idx.msk [tilespmem:v53+s8+$0x0], $0xffff  }
0xcf: {  	v58 =	vadd.s32 $0x2EE0, v7;
	v1 =	vadd.f32 v2, v1;
	v2 =	vmul.f32 v6, v5;
	v5 =	vld.idx.msk [tilespmem:v54+s8+$0x0], $0xffff  }
0xd0: {  	v59 =	vadd.s32 $0x32C8, v7;
	v6 =	vld [tilespmem:$0x9920]  }
0xd1: {  	v60 =	vld [tilespmem:$0x9930];
	v1 =	vadd.f32 v2, v1;
	v2 =	vmul.f32 v55, v3  }
0xd2: {  	v3 =	vld.idx.msk [tilespmem:v56+s8+$0x0], $0xffff  }
0xd3: {  	v62 =	vld [tilespmem:$0x9940];
	v61 =	vadd.s32 $0x36B0, v7;
	v1 =	vadd.f32 v2, v1;
	v2 =	vmul.f32 v57, v4  }
0xd4: {  	v7 =	vadd.s32 $0x3A98, v7;
	v4 =	vld.idx.msk [tilespmem:v58+s8+$0x0], $0xffff  }
0xd5: {  	v1 =	vadd.f32 v2, v1;
	v2 =	vmul.f32 v6, v5;
	v5 =	vld.idx.msk [tilespmem:v59+s8+$0x0], $0xffff  }
0xd6: {  	v6 =	vld [tilespmem:$0x9950]  }
0xd7: {  	v63 =	vld [tilespmem:$0x9960];
	v1 =	vadd.f32 v2, v1;
	v2 =	vmul.f32 v60, v3  }
0xd8: {  	v3 =	vld.idx.msk [tilespmem:v61+s8+$0x0], $0xffff  }
0xd9: {  	v1 =	vadd.f32 v2, v1;
	v2 =	vmul.f32 v62, v4;
	v4 =	vld.idx.msk [tilespmem:v7+s8+$0x0], $0xffff  }
0xda: {  	v7 =	vld [tilespmem:$0x9970]  }
0xdb: {  	v1 =	vadd.f32 v2, v1;
	v2 =	vmul.f32 v6, v5;
	_ =	sdelay $0x1  }
0xdc: {  	v1 =	vadd.f32 v2, v1;
	v2 =	vmul.f32 v63, v3;
	_ =	sdelay $0x1  }
0xdd: {  	v1 =	vadd.f32 v2, v1;
	v2 =	vmul.f32 v7, v4;
	_ =	sdelay $0x1  }
0xde: {  	v1 =	vadd.f32 v2, v1  }
0xdf: {  	s13 =	simm.s32 $0x1C00;
	s25 =	simm.s32 $0x10  }
0xe0: {  	s7 =	sand.u32 $0x3F0, s25;
	[tilespmem:s13+$0x0] =	vst v1  }
0xe1: {  	v1 =	vld [tilespmem:s7+$0x7E80]  }
0xe2: {  	s2 =	simm.s32 $0x5E90;
	v2 =	vld [tilespmem:$0x9D40]  }
0xe3: {  	v3 =	vld [tilespmem:s2+$0x0]  }
0xe4: {  	s3 =	simm.s32 $0x20;
	v4 =	vld [tilespmem:$0x9C80]  }
.LBB2_5:
0xe5: {  	p3 =	seq.s32 s3, $0x3F0;
	v5 =	vld [tilespmem:s7+$0x6280]  }
0xe6: {  	v6 =	vld [tilespmem:$0x9C90]  }
0xe7: {  	v7 =	vld [tilespmem:s7+$0x6680]  }
0xe8: {  	v8 =	vld [tilespmem:$0x9CA0]  }
0xe9: {  	v3 =	vmul.f32 v4, v3;
	v4 =	vld [tilespmem:s7+$0x6A80]  }
0xea: {  	v9 =	vld [tilespmem:$0x9CB0]  }
0xeb: {  	v2 =	vadd.f32 v3, v2;
	v3 =	vmul.f32 v6, v5;
	v5 =	vld [tilespmem:s7+$0x6E80]  }
0xec: {  	v6 =	vld [tilespmem:$0x9CC0]  }
0xed: {  	v2 =	vadd.f32 v3, v2;
	v3 =	vmul.f32 v8, v7;
	v7 =	vld [tilespmem:s7+$0x7280]  }
0xee: {  	v8 =	vld [tilespmem:$0x9CD0]  }
0xef: {  	v2 =	vadd.f32 v3, v2;
	v3 =	vmul.f32 v9, v4;
	v4 =	vld [tilespmem:s7+$0x7680]  }
0xf0: {  	v9 =	vld [tilespmem:$0x9CE0]  }
0xf1: {  	v2 =	vadd.f32 v3, v2;
	v3 =	vmul.f32 v6, v5;
	v5 =	vld [tilespmem:s7+$0x7A80]  }
0xf2: {  	s6 =	sadd.s32 $0x10, s6;
	v6 =	vld [tilespmem:$0x9CF0]  }
0xf3: {  	v2 =	vadd.f32 v3, v2;
	v3 =	vmul.f32 v8, v7;
	v7 =	vld [tilespmem:s6+$0x0]  }
0xf4: {  	v8 =	vld [tilespmem:$0x9D00]  }
0xf5: {  	v2 =	vadd.f32 v3, v2;
	v3 =	vmul.f32 v9, v4;
	v4 =	vld [tilespmem:s7+$0x8280]  }
0xf6: {  	v9 =	vld [tilespmem:$0x9D10]  }
0xf7: {  	v2 =	vadd.f32 v3, v2;
	v3 =	vmul.f32 v6, v5;
	v5 =	vld [tilespmem:s7+$0x8680]  }
0xf8: {  	v6 =	vld [tilespmem:$0x9D20];
	v10 =	vadd.s32 $0x3E8, v7  }
0xf9: {  	v2 =	vadd.f32 v3, v2;
	v1 =	vmul.f32 v8, v1;
	v3 =	vld [tilespmem:s7+$0x8A80]  }
0xfa: {  	v11 =	vadd.s32 $0x7D0, v7;
	v8 =	vld [tilespmem:$0x9D30]  }
0xfb: {  	v1 =	vadd.f32 v1, v2;
	v2 =	vmul.f32 v9, v4;
	v4 =	vld.idx.msk [tilespmem:v7+s8+$0x0], $0xffff  }
0xfc: {  	v12 =	vadd.s32 $0xBB8, v7;
	v9 =	vld [tilespmem:$0x9880]  }
0xfd: {  	v1 =	vadd.f32 v2, v1;
	v2 =	vmul.f32 v6, v5;
	v5 =	vld.idx.msk [tilespmem:v10+s8+$0x0], $0xffff  }
0xfe: {  	v10 =	vadd.s32 $0xFA0, v7;
	v6 =	vld [tilespmem:$0x9890]  }
0xff: {  	v1 =	vadd.f32 v2, v1;
	v2 =	vmul.f32 v8, v3;
	v3 =	vld.idx.msk [tilespmem:v11+s8+$0x0], $0xffff  }
0x100: {  	v11 =	vadd.s32 $0x1388, v7;
	v8 =	vld [tilespmem:$0x98A0]  }
0x101: {  	v1 =	vadd.f32 v2, v1;
	v2 =	vmul.f32 v9, v4;
	v4 =	vld.idx.msk [tilespmem:v12+s8+$0x0], $0xffff  }
0x102: {  	v12 =	vadd.s32 $0x1770, v7;
	v9 =	vld [tilespmem:$0x98B0]  }
0x103: {  	v1 =	vadd.f32 v2, v1;
	v2 =	vmul.f32 v6, v5;
	v5 =	vld.idx.msk [tilespmem:v10+s8+$0x0], $0xffff  }
0x104: {  	v10 =	vadd.s32 $0x1B58, v7;
	v6 =	vld [tilespmem:$0x98C0]  }
0x105: {  	v1 =	vadd.f32 v2, v1;
	v2 =	vmul.f32 v8, v3;
	v3 =	vld.idx.msk [tilespmem:v11+s8+$0x0], $0xffff  }
0x106: {  	v11 =	vadd.s32 $0x1F40, v7;
	v8 =	vld [tilespmem:$0x98D0]  }
0x107: {  	v1 =	vadd.f32 v2, v1;
	v2 =	vmul.f32 v9, v4;
	v4 =	vld.idx.msk [tilespmem:v12+s8+$0x0], $0xffff  }
0x108: {  	v12 =	vadd.s32 $0x2328, v7;
	v9 =	vld [tilespmem:$0x98E0]  }
0x109: {  	v1 =	vadd.f32 v2, v1;
	v2 =	vmul.f32 v6, v5;
	v5 =	vld.idx.msk [tilespmem:v10+s8+$0x0], $0xffff  }
0x10a: {  	v10 =	vadd.s32 $0x2710, v7;
	v6 =	vld [tilespmem:$0x98F0]  }
0x10b: {  	v1 =	vadd.f32 v2, v1;
	v2 =	vmul.f32 v8, v3;
	v3 =	vld.idx.msk [tilespmem:v11+s8+$0x0], $0xffff  }
0x10c: {  	v11 =	vadd.s32 $0x2AF8, v7;
	v8 =	vld [tilespmem:$0x9900]  }
0x10d: {  	v1 =	vadd.f32 v2, v1;
	v2 =	vmul.f32 v9, v4;
	v4 =	vld.idx.msk [tilespmem:v12+s8+$0x0], $0xffff  }
0x10e: {  	v12 =	vadd.s32 $0x2EE0, v7;
	v9 =	vld [tilespmem:$0x9910]  }
0x10f: {  	v1 =	vadd.f32 v2, v1;
	v2 =	vmul.f32 v6, v5;
	v5 =	vld.idx.msk [tilespmem:v10+s8+$0x0], $0xffff  }
0x110: {  	v10 =	vadd.s32 $0x32C8, v7;
	v6 =	vld [tilespmem:$0x9920]  }
0x111: {  	v1 =	vadd.f32 v2, v1;
	v2 =	vmul.f32 v8, v3;
	v3 =	vld.idx.msk [tilespmem:v11+s8+$0x0], $0xffff  }
0x112: {  	v11 =	vadd.s32 $0x36B0, v7;
	v8 =	vld [tilespmem:$0x9930]  }
0x113: {  	v1 =	vadd.f32 v2, v1;
	v2 =	vmul.f32 v9, v4;
	v4 =	vld.idx.msk [tilespmem:v12+s8+$0x0], $0xffff  }
0x114: {  	v7 =	vadd.s32 $0x3A98, v7;
	v9 =	vld [tilespmem:$0x9940]  }
0x115: {  	v1 =	vadd.f32 v2, v1;
	v2 =	vmul.f32 v6, v5;
	v5 =	vld.idx.msk [tilespmem:v10+s8+$0x0], $0xffff  }
0x116: {  	v6 =	vld [tilespmem:$0x9950]  }
0x117: {  	v1 =	vadd.f32 v2, v1;
	v2 =	vmul.f32 v8, v3;
	v3 =	vld.idx.msk [tilespmem:v11+s8+$0x0], $0xffff  }
0x118: {  	v8 =	vld [tilespmem:$0x9960]  }
0x119: {  	v1 =	vadd.f32 v2, v1;
	v2 =	vmul.f32 v9, v4;
	v4 =	vld.idx.msk [tilespmem:v7+s8+$0x0], $0xffff  }
0x11a: {  	v7 =	vld [tilespmem:$0x9970]  }
0x11b: {  	v1 =	vadd.f32 v2, v1;
	v2 =	vmul.f32 v6, v5;
	_ =	sdelay $0x1  }
0x11c: {  	v1 =	vadd.f32 v2, v1;
	v2 =	vmul.f32 v8, v3;
	_ =	sdelay $0x1  }
0x11d: {  	v1 =	vadd.f32 v2, v1;
	v2 =	vmul.f32 v7, v4;
	_ =	sdelay $0x1  }
0x11e: {  	v1 =	vadd.f32 v2, v1  }
0x11f: {  	s13 =	sadd.s32 $0x10, s13  }
.Ltmp4:
0x120: {  	s7 =	sand.u32 $0x3F0, s3;
	[tilespmem:s13+$0x0] =	vst v1;
	(pc) =	sbr.rel @!p3 .LBB2_5-.Ltmp4, $4  }
0x121: {  	v1 =	vld [tilespmem:s7+$0x7E80]  }
0x122: {  	s2 =	sadd.s32 $0x10, s2;
	v2 =	vld [tilespmem:$0x9D40]  }
0x123: {  	v3 =	vld [tilespmem:s2+$0x0]  }
0x124: {  	s3 =	sadd.s32 $0x10, s3;
	v4 =	vld [tilespmem:$0x9C80]  }
0x125: {  	v5 =	vld [tilespmem:s7+$0x6280]  }
0x126: {  	v6 =	vld [tilespmem:$0x9C90]  }
0x127: {  	v7 =	vld [tilespmem:s7+$0x6680]  }
0x128: {  	v8 =	vld [tilespmem:$0x9CA0]  }
0x129: {  	v62 =	vld [tilespmem:s7+$0x6A80];
	v3 =	vmul.f32 v4, v3  }
0x12a: {  	v9 =	vld [tilespmem:$0x9CB0]  }
0x12b: {  	v63 =	vld [tilespmem:s7+$0x6E80];
	v2 =	vadd.f32 v3, v2;
	v3 =	vmul.f32 v6, v5  }
0x12c: {  	v12 =	vld [tilespmem:$0x9CC0]  }
0x12d: {  	v13 =	vld [tilespmem:s7+$0x7280];
	v2 =	vadd.f32 v3, v2;
	v3 =	vmul.f32 v8, v7  }
0x12e: {  	v14 =	vld [tilespmem:$0x9CD0]  }
0x12f: {  	v15 =	vld [tilespmem:s7+$0x7680];
	v2 =	vadd.f32 v3, v2;
	v3 =	vmul.f32 v9, v62  }
0x130: {  	v16 =	vld [tilespmem:$0x9CE0]  }
0x131: {  	v17 =	vld [tilespmem:s7+$0x7A80];
	v2 =	vadd.f32 v3, v2;
	v3 =	vmul.f32 v12, v63  }
0x132: {  	v18 =	vld [tilespmem:$0x9CF0]  }
0x133: {  	s1 =	sadd.s32 $0x10, s6;
	v20 =	vld [tilespmem:$0x9D00];
	v2 =	vadd.f32 v3, v2;
	v3 =	vmul.f32 v14, v13  }
0x134: {  	v19 =	vld [tilespmem:s1+$0x0]  }
0x135: {  	v21 =	vld [tilespmem:s7+$0x8280];
	v2 =	vadd.f32 v3, v2;
	v3 =	vmul.f32 v16, v15  }
0x136: {  	v22 =	vld [tilespmem:$0x9D10]  }
0x137: {  	v23 =	vld [tilespmem:s7+$0x8680];
	v2 =	vadd.f32 v3, v2;
	v3 =	vmul.f32 v18, v17  }
0x138: {  	v24 =	vld [tilespmem:$0x9D20]  }
0x139: {  	v25 =	vld [tilespmem:$0x9D30];
	v1 =	vmul.f32 v20, v1;
	v10 =	vadd.s32 $0x3E8, v19;
	v2 =	vadd.f32 v3, v2  }
0x13a: {  	v3 =	vld [tilespmem:s7+$0x8A80]  }
0x13b: {  	v27 =	vld [tilespmem:$0x9880];
	v11 =	vadd.s32 $0x7D0, v19;
	v1 =	vadd.f32 v1, v2;
	v2 =	vmul.f32 v22, v21  }
0x13c: {  	v26 =	vld.idx.msk [tilespmem:v19+s8+$0x0], $0xffff  }
0x13d: {  	v29 =	vld [tilespmem:$0x9890];
	v12 =	vadd.s32 $0xBB8, v19;
	v1 =	vadd.f32 v2, v1;
	v2 =	vmul.f32 v24, v23  }
0x13e: {  	v28 =	vld.idx.msk [tilespmem:v10+s8+$0x0], $0xffff  }
0x13f: {  	v31 =	vld [tilespmem:$0x98A0];
	v30 =	vadd.s32 $0xFA0, v19;
	v1 =	vadd.f32 v2, v1;
	v2 =	vmul.f32 v25, v3  }
0x140: {  	v3 =	vld.idx.msk [tilespmem:v11+s8+$0x0], $0xffff  }
0x141: {  	v34 =	vld [tilespmem:$0x98B0];
	v32 =	vadd.s32 $0x1388, v19;
	v1 =	vadd.f32 v2, v1;
	v2 =	vmul.f32 v27, v26  }
0x142: {  	v33 =	vld.idx.msk [tilespmem:v12+s8+$0x0], $0xffff  }
0x143: {  	v37 =	vld [tilespmem:$0x98C0];
	v35 =	vadd.s32 $0x1770, v19;
	v1 =	vadd.f32 v2, v1;
	v2 =	vmul.f32 v29, v28  }
0x144: {  	v36 =	vld.idx.msk [tilespmem:v30+s8+$0x0], $0xffff  }
0x145: {  	v39 =	vld [tilespmem:$0x98D0];
	v38 =	vadd.s32 $0x1B58, v19;
	v1 =	vadd.f32 v2, v1;
	v2 =	vmul.f32 v31, v3  }
0x146: {  	v3 =	vld.idx.msk [tilespmem:v32+s8+$0x0], $0xffff  }
0x147: {  	v42 =	vld [tilespmem:$0x98E0];
	v40 =	vadd.s32 $0x1F40, v19;
	v1 =	vadd.f32 v2, v1;
	v2 =	vmul.f32 v34, v33  }
0x148: {  	v41 =	vld.idx.msk [tilespmem:v35+s8+$0x0], $0xffff  }
0x149: {  	v45 =	vld [tilespmem:$0x98F0];
	v43 =	vadd.s32 $0x2328, v19;
	v1 =	vadd.f32 v2, v1;
	v2 =	vmul.f32 v37, v36  }
0x14a: {  	v44 =	vld.idx.msk [tilespmem:v38+s8+$0x0], $0xffff  }
0x14b: {  	v47 =	vld [tilespmem:$0x9900];
	v46 =	vadd.s32 $0x2710, v19;
	v1 =	vadd.f32 v2, v1;
	v2 =	vmul.f32 v39, v3  }
0x14c: {  	v3 =	vld.idx.msk [tilespmem:v40+s8+$0x0], $0xffff  }
0x14d: {  	v50 =	vld [tilespmem:$0x9910];
	v48 =	vadd.s32 $0x2AF8, v19;
	v1 =	vadd.f32 v2, v1;
	v2 =	vmul.f32 v42, v41  }
0x14e: {  	v49 =	vld.idx.msk [tilespmem:v43+s8+$0x0], $0xffff  }
0x14f: {  	v53 =	vld [tilespmem:$0x9920];
	v51 =	vadd.s32 $0x2EE0, v19;
	v1 =	vadd.f32 v2, v1;
	v2 =	vmul.f32 v45, v44  }
0x150: {  	v52 =	vld.idx.msk [tilespmem:v46+s8+$0x0], $0xffff  }
0x151: {  	v55 =	vld [tilespmem:$0x9930];
	v54 =	vadd.s32 $0x32C8, v19;
	v1 =	vadd.f32 v2, v1;
	v2 =	vmul.f32 v47, v3  }
0x152: {  	v3 =	vld.idx.msk [tilespmem:v48+s8+$0x0], $0xffff  }
0x153: {  	v58 =	vld [tilespmem:$0x9940];
	v56 =	vadd.s32 $0x36B0, v19;
	v1 =	vadd.f32 v2, v1;
	v2 =	vmul.f32 v50, v49  }
0x154: {  	v57 =	vld.idx.msk [tilespmem:v51+s8+$0x0], $0xffff  }
0x155: {  	v60 =	vld [tilespmem:$0x9950];
	v7 =	vadd.s32 $0x3A98, v19;
	v1 =	vadd.f32 v2, v1;
	v2 =	vmul.f32 v53, v52  }
0x156: {  	v59 =	vld.idx.msk [tilespmem:v54+s8+$0x0], $0xffff  }
0x157: {  	v61 =	vld [tilespmem:$0x9960];
	v1 =	vadd.f32 v2, v1;
	v2 =	vmul.f32 v55, v3  }
0x158: {  	v3 =	vld.idx.msk [tilespmem:v56+s8+$0x0], $0xffff  }
0x159: {  	v63 =	vld [tilespmem:$0x9970];
	v1 =	vadd.f32 v2, v1;
	v2 =	vmul.f32 v58, v57  }
0x15a: {  	v62 =	vld.idx.msk [tilespmem:v7+s8+$0x0], $0xffff  }
0x15b: {  	v1 =	vadd.f32 v2, v1;
	v2 =	vmul.f32 v60, v59;
	_ =	sdelay $0x1  }
0x15c: {  	v1 =	vadd.f32 v2, v1;
	v2 =	vmul.f32 v61, v3;
	_ =	sdelay $0x1  }
0x15d: {  	v1 =	vadd.f32 v2, v1;
	v2 =	vmul.f32 v63, v62;
	_ =	sdelay $0x1  }
0x15e: {  	v1 =	vadd.f32 v2, v1  }
0x15f: {  	s25 =	sadd.s32 $0x10, s13  }
0x160: {  	[tilespmem:s25+$0x0] =	vst v1  }
.LBB2_10:
0x161: {  	s7 =	sshrl.u32 @!p0 s4, $0x3  }
0x162: {  	s13 =	simm.s32 @!p0 $0x1;
	s2 =	simm.s32 @!p0 $0x10;
	s6 =	rddreg [dreg:$0x19]  }
0x163: {  	s3 =	simm.s32 @!p0 $0x80;
	s1 =	simm.s32 @!p0 $0x1C02;
	[smem:$0x7F8] =	sst s7  }
0x164: {  	[spmem:s7@s2], [sflag:s1] =	dma.strided @!p0 [hbm:s6@s3], $0x30D0, s13, $0x10   }
0x165: {  	s7 =	simm.s32 $0x0  }
.LBB2_11:
0x166: {  	[bflag:$0x0] =	sbarrier.arrive @p0 $0xFFFF;
	s1 =	simm.s32 @!p0 $0x2  }
0x167: {  	_ =	swait.ge @!p0 [sflag:s1], $0x30D0  }
0x168: {  	[sflag:s1] =	ssyncset.done @!p0 $0x0  }
0x169: {  	s6 =	sshll.u32 @!p0 s7, $0x8;
	[sflag:s1] =	ssyncadd.s32 @!p0 $0xFFFFCF30;
	s1 =	rddreg [dreg:$0x1a]  }
0x16a: {  	s1 =	sadd.s32 @!p0 s1, s6;
	[bflag:$0x0] =	sbarrier.arrive @!p0 $0xFFFF  }
0x16b: {  	s1 =	sshrl.u32 @!p0 s1, $0x3;
	s6 =	rddreg [dreg:$0x5]  }
0x16c: {  	s16 =	simm.s32 @!p0 $0x1C03;
	s1 =	sadd.s32 @!p0 s6, s1;
	s6 =	sshrl.u32 @!p0 s5, $0x3  }
0x16d: {  	[spmem:s6@s2], [sflag:s16] =	dma.strided @!p0 [hbm:s1@s3], $0x30D0, s13, $0x10   }
0x16e: {  	[tilespmem:s15], [sflag:$0x1] =	stream.indirect.gather [spmem:s4], $0x1, s14, s11, $0xb8;
	[tilespmem:$0x191A0] =	vst v63  }
0x16f: {  	s16 =	simm.s32 $0xC80  }
0x170: {  	[tilespmem:s17], [sflag:$0x1] =	stream.indirect.gather [spmem:s4], $0x1, s16, s11, $0xb8;
	[tilespmem:$0x191A0] =	vst v63  }
0x171: {  	s18 =	simm.s32 $0xD00  }
0x172: {  	[tilespmem:s19], [sflag:$0x1] =	stream.indirect.gather [spmem:s4], $0x1, s18, s11, $0xb8;
	[tilespmem:$0x191A0] =	vst v63  }
0x173: {  	s20 =	simm.s32 $0xD80  }
0x174: {  	[tilespmem:s21], [sflag:$0x1] =	stream.indirect.gather [spmem:s4], $0x1, s20, s11, $0xb8;
	[tilespmem:$0x191A0] =	vst v63  }
0x175: {  	s22 =	simm.s32 $0xE00  }
0x176: {  	[tilespmem:s24], [sflag:$0x1] =	stream.indirect.gather [spmem:s4], $0x1, s22, s11, $0xb8;
	[tilespmem:$0x191A0] =	vst v63  }
0x177: {  	s23 =	simm.s32 $0xE80  }
0x178: {  	[tilespmem:s26], [sflag:$0x1] =	stream.indirect.gather [spmem:s4], $0x1, s23, s11, $0xb8;
	[tilespmem:$0x191A0] =	vst v63  }
0x179: {  	_ = 	snop  }
0x17a: {  	[tilespmem:s29], [sflag:$0x1] =	stream.indirect.gather [spmem:s4], $0x1, s28, s11, $0xb8;
	[tilespmem:$0x191A0] =	vst v63  }
0x17b: {  	_ = 	snop  }
0x17c: {  	[tilespmem:s31], [sflag:$0x1] =	stream.indirect.gather [spmem:s4], $0x1, s30, s11, $0xb8;
	[tilespmem:$0x191A0] =	vst v63  }
0x17d: {  	_ =	swait.ge [sflag:s12], $0x80  }
0x17e: {  	[sflag:s12] =	ssyncset.done $0x0  }
0x17f: {  	[sflag:s12] =	ssyncadd.s32 $0xFFFFFF80  }
0x180: {  	_ =	swait.ge [sflag:s12], $0x80  }
0x181: {  	[sflag:s12] =	ssyncset.done $0x0  }
0x182: {  	[sflag:s12] =	ssyncadd.s32 $0xFFFFFF80  }
0x183: {  	_ =	swait.ge [sflag:s12], $0x80  }
0x184: {  	[sflag:s12] =	ssyncset.done $0x0  }
0x185: {  	[sflag:s12] =	ssyncadd.s32 $0xFFFFFF80  }
0x186: {  	_ =	swait.ge [sflag:s12], $0x80  }
0x187: {  	[sflag:s12] =	ssyncset.done $0x0  }
0x188: {  	[sflag:s12] =	ssyncadd.s32 $0xFFFFFF80  }
0x189: {  	_ =	swait.ge [sflag:s12], $0x80  }
0x18a: {  	[sflag:s12] =	ssyncset.done $0x0  }
0x18b: {  	[sflag:s12] =	ssyncadd.s32 $0xFFFFFF80  }
0x18c: {  	_ =	swait.ge [sflag:s12], $0x80  }
0x18d: {  	[sflag:s12] =	ssyncset.done $0x0  }
0x18e: {  	[sflag:s12] =	ssyncadd.s32 $0xFFFFFF80  }
0x18f: {  	_ =	swait.ge [sflag:s12], $0x80  }
0x190: {  	[sflag:s12] =	ssyncset.done $0x0  }
0x191: {  	[sflag:s12] =	ssyncadd.s32 $0xFFFFFF80  }
0x192: {  	_ =	swait.ge [sflag:s12], $0x80  }
0x193: {  	[sflag:s12] =	ssyncset.done $0x0  }
0x194: {  	s18 =	simm.s32 $0x0;
	[sflag:s12] =	ssyncadd.s32 $0xFFFFFF80  }
0x195: {  	v4 =	vld [tilespmem:s18+$0x400];
	_ =	sdelay $0x1  }
0x196: {  	s25 =	sld [smem:$0x7FD];
	_ =	sdelay $0x1  }
0x197: {  	s1 =	sshll.u32 s7, $0x1  }
0x198: {  	s22 =	sor.u32 s25, s1;
	v1 =	vadd.s32 $0xFFFE7980, v4  }
0x199: {  	s16 =	sshll.u32 s22, $0x5;
	vm0 =	vgt.s32 v1, $0x0  }
0x19a: {  	v2 =	vmov s16;
	v1 =	vnsel vm0, $0x0, v1  }
0x19b: {  	v1 =	vadd.s32 v2, v1;
	_ =	sdelay $0x1  }
0x19c: {  	s16 =	simm.s32 $0x10  }
0x19d: {  	v3 =	vld [tilespmem:s16+$0x400]  }
0x19e: {  	v6 =	vld [tilespmem:s18+$0x1800];
	s20 =	sshll.u32 s22, $0x4  }
0x19f: {  	s20 =	sand.u32 $0xE0, s20;
	v5 =	vld.idx.msk [tilespmem:v1+s9+$0x0], $0xffff  }
0x1a0: {  	v1 =	vld [tilespmem:s20+$0x9980];
	_ =	sdelay $0x1  }
0x1a1: {  	v7 =	vld [tilespmem:s18+$0x1C00];
	vm14 =	vgt.s32 v4, $0x1867F;
	v4 =	vadd.s32 $0xFFFE7980, v3  }
0x1a2: {  	vm15 =	vgt.s32 v4, $0x0  }
0x1a3: {  	v4 =	vnsel vm15, $0x0, v4;
	v5 =	vsel vm14, v5, v6  }
0x1a4: {  	v4 =	vadd.s32 v2, v4;
	v5 =	vmul.f32 v5, v1;
	_ =	sdelay $0x1  }
0x1a5: {  	v5 =	vadd.f32 v5, v7  }
0x1a6: {  	s23 =	simm.s32 $0xC0;
	s20 =	simm.s32 $0x20  }
.LBB2_12:
0x1a7: {  	p3 =	sne.s32 s23, $0xFC0;
	v6 =	vld [tilespmem:s20+$0x400];
	[tilespmem:s18+$0x1C00] =	vst v5;
	s18 =	smov.u32 s16;
	s16 =	smov.u32 s20  }
0x1a8: {  	v4 =	vld.idx.msk [tilespmem:v4+s9+$0x0], $0xffff  }
0x1a9: {  	v5 =	vld [tilespmem:s18+$0x1800];
	_ =	sdelay $0x2  }
0x1aa: {  	v7 =	vadd.s32 $0xFFFE7980, v6;
	v8 =	vld [tilespmem:s18+$0x1C00]  }
0x1ab: {  	vm1 =	vgt.s32 v3, $0x1867F;
	v3 =	vmov v6;
	vm0 =	vgt.s32 v7, $0x0  }
.Ltmp5:
0x1ac: {  	v6 =	vnsel vm0, $0x0, v7;
	v5 =	vsel vm1, v4, v5;
	(pc) =	sbr.rel @p3 .LBB2_12-.Ltmp5, $3  }
0x1ad: {  	v4 =	vadd.s32 v2, v6;
	v5 =	vmul.f32 v5, v1;
	_ =	sdelay $0x1  }
0x1ae: {  	v5 =	vadd.f32 v5, v8  }
0x1af: {  	s20 =	sshra.s32 s23, $0x2;
	s23 =	sadd.s32 $0x40, s23  }
0x1b0: {  	_ =	sdelay $0x2  }
0x1b1: {  	v6 =	vld [tilespmem:s20+$0x400];
	[tilespmem:s18+$0x1C00] =	vst v5  }
0x1b2: {  	v4 =	vld.idx.msk [tilespmem:v4+s9+$0x0], $0xffff  }
0x1b3: {  	v5 =	vld [tilespmem:s16+$0x1800];
	_ =	sdelay $0x2  }
0x1b4: {  	v8 =	vld [tilespmem:s16+$0x1C00];
	v7 =	vadd.s32 $0xFFFE7980, v6  }
0x1b5: {  	vm1 =	vgt.s32 v3, $0x1867F;
	vm0 =	vgt.s32 v7, $0x0  }
0x1b6: {  	v4 =	vsel vm1, v4, v5;
	v3 =	vnsel vm0, $0x0, v7  }
0x1b7: {  	v2 =	vadd.s32 v2, v3;
	v3 =	vmul.f32 v4, v1;
	_ =	sdelay $0x1  }
0x1b8: {  	v3 =	vadd.f32 v3, v8;
	_ =	sdelay $0x1  }
0x1b9: {  	[tilespmem:s16+$0x1C00] =	vst v3  }
0x1ba: {  	v2 =	vld.idx.msk [tilespmem:v2+s9+$0x0], $0xffff  }
0x1bb: {  	v3 =	vld [tilespmem:s20+$0x1800];
	_ =	sdelay $0x2  }
0x1bc: {  	v4 =	vld [tilespmem:s20+$0x1C00]  }
0x1bd: {  	vm12 =	vgt.s32 v6, $0x1867F  }
0x1be: {  	v2 =	vsel vm12, v2, v3  }
0x1bf: {  	v1 =	vmul.f32 v2, v1  }
0x1c0: {  	p3 =	seq.s32 @p1 s7, $0x3  }
0x1c1: {  	p3 =	por p3, !p1;
	v1 =	vadd.f32 v1, v4  }
0x1c2: {  	s1 =	sadd.s32 @!p3 $0x2, s1  }
0x1c3: {  	s18 =	simm.s32 @p1 $0x3;
	s16 =	sshrl.u32 @!p3 s1, $0x3;
	[tilespmem:s20+$0x1C00] =	vst v1;
	s20 =	rddreg [dreg:$0xb]  }
0x1c4: {  	s16 =	sadd.s32 @!p3 s20, s16;
	_ =	swait.ge @p1 [sflag:s18], $0x30D0  }
0x1c5: {  	s1 =	sshll.u32 @!p3 s1, $0x7;
	s16 =	smul.u32 @!p3 $0xC3800, s16;
	[sflag:s18] =	ssyncset.done @p1 $0x0  }
0x1c6: {  	s23 =	simm.s32 @!p3 $0x80;
	s1 =	sand.u32 @!p3 $0x300, s1;
	[sflag:s18] =	ssyncadd.s32 @p1 $0xFFFFCF30  }
0x1c7: {  	s25 =	simm.s32 @!p3 $0x1C02;
	s1 =	sor.u32 @!p3 s1, s16;
	[bflag:$0x0] =	sbarrier.arrive @p1 $0xFFFF  }
0x1c8: {  	s20 =	simm.s32 @!p3 $0x10;
	s1 =	sshrl.u32 @!p3 s1, $0x3;
	s16 =	rddreg [dreg:$0x5]  }
0x1c9: {  	s18 =	simm.s32 @!p3 $0x1;
	s1 =	sadd.s32 @!p3 s16, s1;
	s16 =	sshrl.u32 @!p3 s4, $0x3  }
0x1ca: {  	[spmem:s16@s20], [sflag:s25] =	dma.strided @!p3 [hbm:s1@s23], $0x30D0, s18, $0x10   }
0x1cb: {  	[bflag:$0x0] =	sbarrier.arrive @!p1 $0xFFFF  }
0x1cc: {  	[tilespmem:s15], [sflag:$0x1] =	stream.indirect.gather [spmem:s5], $0x1, s14, s11, $0xb8;
	[tilespmem:$0x191A0] =	vst v63  }
0x1cd: {  	s23 =	simm.s32 $0xC80  }
0x1ce: {  	[tilespmem:s17], [sflag:$0x1] =	stream.indirect.gather [spmem:s5], $0x1, s23, s11, $0xb8;
	[tilespmem:$0x191A0] =	vst v63  }
0x1cf: {  	s25 =	simm.s32 $0xD00  }
0x1d0: {  	[tilespmem:s19], [sflag:$0x1] =	stream.indirect.gather [spmem:s5], $0x1, s25, s11, $0xb8;
	[tilespmem:$0x191A0] =	vst v63  }
0x1d1: {  	s16 =	simm.s32 $0xD80  }
0x1d2: {  	[tilespmem:s21], [sflag:$0x1] =	stream.indirect.gather [spmem:s5], $0x1, s16, s11, $0xb8;
	[tilespmem:$0x191A0] =	vst v63  }
0x1d3: {  	s18 =	simm.s32 $0xE00  }
0x1d4: {  	[tilespmem:s24], [sflag:$0x1] =	stream.indirect.gather [spmem:s5], $0x1, s18, s11, $0xb8;
	[tilespmem:$0x191A0] =	vst v63  }
0x1d5: {  	s20 =	simm.s32 $0xE80  }
0x1d6: {  	[tilespmem:s26], [sflag:$0x1] =	stream.indirect.gather [spmem:s5], $0x1, s20, s11, $0xb8;
	[tilespmem:$0x191A0] =	vst v63  }
0x1d7: {  	_ = 	snop  }
0x1d8: {  	[tilespmem:s29], [sflag:$0x1] =	stream.indirect.gather [spmem:s5], $0x1, s28, s11, $0xb8;
	[tilespmem:$0x191A0] =	vst v63  }
0x1d9: {  	_ = 	snop  }
0x1da: {  	[tilespmem:s31], [sflag:$0x1] =	stream.indirect.gather [spmem:s5], $0x1, s30, s11, $0xb8;
	[tilespmem:$0x191A0] =	vst v63  }
0x1db: {  	_ =	swait.ge [sflag:s12], $0x80  }
0x1dc: {  	[sflag:s12] =	ssyncset.done $0x0  }
0x1dd: {  	[sflag:s12] =	ssyncadd.s32 $0xFFFFFF80  }
0x1de: {  	_ =	swait.ge [sflag:s12], $0x80  }
0x1df: {  	[sflag:s12] =	ssyncset.done $0x0  }
0x1e0: {  	[sflag:s12] =	ssyncadd.s32 $0xFFFFFF80  }
0x1e1: {  	_ =	swait.ge [sflag:s12], $0x80  }
0x1e2: {  	[sflag:s12] =	ssyncset.done $0x0  }
0x1e3: {  	[sflag:s12] =	ssyncadd.s32 $0xFFFFFF80  }
0x1e4: {  	_ =	swait.ge [sflag:s12], $0x80  }
0x1e5: {  	[sflag:s12] =	ssyncset.done $0x0  }
0x1e6: {  	[sflag:s12] =	ssyncadd.s32 $0xFFFFFF80  }
0x1e7: {  	_ =	swait.ge [sflag:s12], $0x80  }
0x1e8: {  	[sflag:s12] =	ssyncset.done $0x0  }
0x1e9: {  	[sflag:s12] =	ssyncadd.s32 $0xFFFFFF80  }
0x1ea: {  	_ =	swait.ge [sflag:s12], $0x80  }
0x1eb: {  	[sflag:s12] =	ssyncset.done $0x0  }
0x1ec: {  	[sflag:s12] =	ssyncadd.s32 $0xFFFFFF80  }
0x1ed: {  	_ =	swait.ge [sflag:s12], $0x80  }
0x1ee: {  	[sflag:s12] =	ssyncset.done $0x0  }
0x1ef: {  	[sflag:s12] =	ssyncadd.s32 $0xFFFFFF80  }
0x1f0: {  	_ =	swait.ge [sflag:s12], $0x80  }
0x1f1: {  	[sflag:s12] =	ssyncset.done $0x0  }
0x1f2: {  	s16 =	simm.s32 $0x0;
	[sflag:s12] =	ssyncadd.s32 $0xFFFFFF80  }
0x1f3: {  	v4 =	vld [tilespmem:s16+$0x400];
	_ =	sdelay $0x4  }
0x1f4: {  	s23 =	sor.u32 $0x1, s22;
	v1 =	vadd.s32 $0xFFFE7980, v4  }
0x1f5: {  	s25 =	sshll.u32 s23, $0x5;
	vm13 =	vgt.s32 v1, $0x0  }
0x1f6: {  	v2 =	vmov s25;
	v1 =	vnsel vm13, $0x0, v1  }
0x1f7: {  	v1 =	vadd.s32 v2, v1;
	_ =	sdelay $0x1  }
0x1f8: {  	s1 =	simm.s32 $0x10  }
0x1f9: {  	v3 =	vld [tilespmem:s1+$0x400]  }
0x1fa: {  	s18 =	sshll.u32 s23, $0x4;
	v6 =	vld [tilespmem:s16+$0x1800]  }
0x1fb: {  	s18 =	sand.u32 $0xF0, s18;
	v5 =	vld.idx.msk [tilespmem:v1+s9+$0x0], $0xffff  }
0x1fc: {  	v1 =	vld [tilespmem:s18+$0x9980];
	_ =	sdelay $0x1  }
0x1fd: {  	v7 =	vld [tilespmem:s16+$0x1C00];
	vm14 =	vgt.s32 v4, $0x1867F;
	v4 =	vadd.s32 $0xFFFE7980, v3  }
0x1fe: {  	vm15 =	vgt.s32 v4, $0x0  }
0x1ff: {  	v4 =	vnsel vm15, $0x0, v4;
	v5 =	vsel vm14, v5, v6  }
0x200: {  	v4 =	vadd.s32 v2, v4;
	v5 =	vmul.f32 v5, v1;
	_ =	sdelay $0x1  }
0x201: {  	v5 =	vadd.f32 v5, v7  }
0x202: {  	s20 =	simm.s32 $0xC0;
	s18 =	simm.s32 $0x20  }
.LBB2_14:
0x203: {  	p3 =	sne.s32 s20, $0xFC0;
	v6 =	vld [tilespmem:s18+$0x400];
	[tilespmem:s16+$0x1C00] =	vst v5;
	s16 =	smov.u32 s1;
	s1 =	smov.u32 s18  }
0x204: {  	v4 =	vld.idx.msk [tilespmem:v4+s9+$0x0], $0xffff  }
0x205: {  	v5 =	vld [tilespmem:s16+$0x1800];
	_ =	sdelay $0x2  }
0x206: {  	v7 =	vadd.s32 $0xFFFE7980, v6;
	v8 =	vld [tilespmem:s16+$0x1C00]  }
0x207: {  	vm1 =	vgt.s32 v3, $0x1867F;
	v3 =	vmov v6;
	vm0 =	vgt.s32 v7, $0x0  }
.Ltmp6:
0x208: {  	v6 =	vnsel vm0, $0x0, v7;
	v5 =	vsel vm1, v4, v5;
	(pc) =	sbr.rel @p3 .LBB2_14-.Ltmp6, $3  }
0x209: {  	v4 =	vadd.s32 v2, v6;
	v5 =	vmul.f32 v5, v1;
	_ =	sdelay $0x1  }
0x20a: {  	v5 =	vadd.f32 v5, v8  }
0x20b: {  	s18 =	sshra.s32 s20, $0x2;
	s20 =	sadd.s32 $0x40, s20  }
0x20c: {  	_ =	sdelay $0x2  }
0x20d: {  	v6 =	vld [tilespmem:s18+$0x400];
	[tilespmem:s16+$0x1C00] =	vst v5  }
0x20e: {  	v4 =	vld.idx.msk [tilespmem:v4+s9+$0x0], $0xffff  }
0x20f: {  	v5 =	vld [tilespmem:s1+$0x1800];
	_ =	sdelay $0x2  }
0x210: {  	v8 =	vld [tilespmem:s1+$0x1C00];
	v7 =	vadd.s32 $0xFFFE7980, v6  }
0x211: {  	vm1 =	vgt.s32 v3, $0x1867F;
	vm0 =	vgt.s32 v7, $0x0  }
0x212: {  	v4 =	vsel vm1, v4, v5;
	v3 =	vnsel vm0, $0x0, v7  }
0x213: {  	v2 =	vadd.s32 v2, v3;
	v3 =	vmul.f32 v4, v1;
	_ =	sdelay $0x1  }
0x214: {  	v3 =	vadd.f32 v3, v8;
	_ =	sdelay $0x1  }
0x215: {  	[tilespmem:s1+$0x1C00] =	vst v3  }
0x216: {  	v2 =	vld.idx.msk [tilespmem:v2+s9+$0x0], $0xffff  }
0x217: {  	v3 =	vld [tilespmem:s18+$0x1800];
	_ =	sdelay $0x2  }
0x218: {  	v63 =	vld [tilespmem:s18+$0x1C00]  }
0x219: {  	s7 =	sadd.s32 $0x1, s7;
	vm15 =	vgt.s32 v6, $0x1867F  }
0x21a: {  	p3 =	sne.s32 s7, $0x4;
	v2 =	vsel vm15, v2, v3  }
.Ltmp7:
0x21b: {  	v1 =	vmul.f32 v2, v1;
	(pc) =	sbr.rel @p3 .LBB2_11-.Ltmp7, $3  }
0x21c: {  	_ = 	snop  }
0x21d: {  	v1 =	vadd.f32 v1, v63;
	_ =	sdelay $0x1  }
0x21e: {  	[tilespmem:s18+$0x1C00] =	vst v1  }
0x21f: {  	s16 =	sld [smem:$0x7F8]  }
0x220: {  	s13 =	simm.s32 @!p0 $0x1;
	s2 =	simm.s32 @!p0 $0x10  }
0x221: {  	s3 =	simm.s32 @!p0 $0x80;
	s1 =	simm.s32 @!p0 $0x1C02;
	s7 =	rddreg [dreg:$0x1b]  }
0x222: {  	[spmem:s16@s2], [sflag:s1] =	dma.strided @!p0 [hbm:s7@s3], $0xF420, s13, $0x10   }
0x223: {  	s7 =	simm.s32 $0x0  }
.LBB2_17:
0x224: {  	s16 =	sor.u32 @!p0 s0, s7  }
0x225: {  	[bflag:$0x0] =	sbarrier.arrive @p0 $0xFFFF;
	s20 =	simm.s32 @!p0 $0x2;
	s1 =	sshrl.u32 @!p0 s16, $0x3  }
0x226: {  	s18 =	sshll.u32 @!p0 s7, $0x7;
	_ =	swait.ge @!p0 [sflag:s20], $0xF420;
	s1 =	smul.u32 @!p0 $0x7A1400, s1  }
0x227: {  	s18 =	sand.u32 @!p0 $0x380, s18;
	[sflag:s20] =	ssyncset.done @!p0 $0x0  }
0x228: {  	[sflag:s20] =	ssyncadd.s32 @!p0 $0xFFFF0BE0;
	s1 =	sor.u32 @!p0 s18, s1  }
0x229: {  	[bflag:$0x0] =	sbarrier.arrive @!p0 $0xFFFF;
	s1 =	sadd.s32 @!p0 $0x3D0800, s1  }
0x22a: {  	s18 =	rddreg [dreg:$0x6];
	s1 =	sshrl.u32 @!p0 s1, $0x3  }
0x22b: {  	s22 =	simm.s32 $0x1000;
	s1 =	sadd.s32 @!p0 s18, s1;
	s18 =	simm.s32 @!p0 $0x1C03  }
0x22c: {  	[spmem:s6@s2], [sflag:s18] =	dma.strided @!p0 [hbm:s1@s3], $0xF420, s13, $0x10   }
0x22d: {  	[tilespmem:s15], [sflag:$0x1] =	stream.indirect.gather [spmem:s4], $0x1, s22, s11, $0xb8;
	[tilespmem:$0x191A0] =	vst v63  }
0x22e: {  	s23 =	simm.s32 $0x1080  }
0x22f: {  	[tilespmem:s17], [sflag:$0x1] =	stream.indirect.gather [spmem:s4], $0x1, s23, s11, $0xb8;
	[tilespmem:$0x191A0] =	vst v63  }
0x230: {  	s25 =	simm.s32 $0x1100  }
0x231: {  	[tilespmem:s19], [sflag:$0x1] =	stream.indirect.gather [spmem:s4], $0x1, s25, s11, $0xb8;
	[tilespmem:$0x191A0] =	vst v63  }
0x232: {  	s18 =	simm.s32 $0x1180  }
0x233: {  	[tilespmem:s21], [sflag:$0x1] =	stream.indirect.gather [spmem:s4], $0x1, s18, s11, $0xb8;
	[tilespmem:$0x191A0] =	vst v63  }
0x234: {  	s20 =	simm.s32 $0x1200  }
0x235: {  	[tilespmem:s24], [sflag:$0x1] =	stream.indirect.gather [spmem:s4], $0x1, s20, s11, $0xb8;
	[tilespmem:$0x191A0] =	vst v63  }
0x236: {  	s22 =	simm.s32 $0x1280  }
0x237: {  	[tilespmem:s26], [sflag:$0x1] =	stream.indirect.gather [spmem:s4], $0x1, s22, s11, $0xb8;
	[tilespmem:$0x191A0] =	vst v63  }
0x238: {  	s23 =	simm.s32 $0x1300  }
0x239: {  	[tilespmem:s29], [sflag:$0x1] =	stream.indirect.gather [spmem:s4], $0x1, s23, s11, $0xb8;
	[tilespmem:$0x191A0] =	vst v63  }
0x23a: {  	s25 =	simm.s32 $0x1380  }
0x23b: {  	[tilespmem:s31], [sflag:$0x1] =	stream.indirect.gather [spmem:s4], $0x1, s25, s11, $0xb8;
	[tilespmem:$0x191A0] =	vst v63  }
0x23c: {  	_ =	swait.ge [sflag:s12], $0x80  }
0x23d: {  	[sflag:s12] =	ssyncset.done $0x0  }
0x23e: {  	[sflag:s12] =	ssyncadd.s32 $0xFFFFFF80  }
0x23f: {  	_ =	swait.ge [sflag:s12], $0x80  }
0x240: {  	[sflag:s12] =	ssyncset.done $0x0  }
0x241: {  	[sflag:s12] =	ssyncadd.s32 $0xFFFFFF80  }
0x242: {  	_ =	swait.ge [sflag:s12], $0x80  }
0x243: {  	[sflag:s12] =	ssyncset.done $0x0  }
0x244: {  	[sflag:s12] =	ssyncadd.s32 $0xFFFFFF80  }
0x245: {  	_ =	swait.ge [sflag:s12], $0x80  }
0x246: {  	[sflag:s12] =	ssyncset.done $0x0  }
0x247: {  	[sflag:s12] =	ssyncadd.s32 $0xFFFFFF80  }
0x248: {  	_ =	swait.ge [sflag:s12], $0x80  }
0x249: {  	[sflag:s12] =	ssyncset.done $0x0  }
0x24a: {  	[sflag:s12] =	ssyncadd.s32 $0xFFFFFF80  }
0x24b: {  	_ =	swait.ge [sflag:s12], $0x80  }
0x24c: {  	[sflag:s12] =	ssyncset.done $0x0  }
0x24d: {  	[sflag:s12] =	ssyncadd.s32 $0xFFFFFF80  }
0x24e: {  	_ =	swait.ge [sflag:s12], $0x80  }
0x24f: {  	[sflag:s12] =	ssyncset.done $0x0  }
0x250: {  	[sflag:s12] =	ssyncadd.s32 $0xFFFFFF80  }
0x251: {  	_ =	swait.ge [sflag:s12], $0x80  }
0x252: {  	[sflag:s12] =	ssyncset.done $0x0  }
0x253: {  	s1 =	simm.s32 $0x0;
	[sflag:s12] =	ssyncadd.s32 $0xFFFFFF80  }
0x254: {  	v3 =	vld [tilespmem:s1+$0x800];
	_ =	sdelay $0x3  }
0x255: {  	s18 =	sor.u32 @p0 s0, s7  }
0x256: {  	s16 =	smov.u32 @p0 s18;
	v2 =	vadd.s32 $0xFFF0BE00, v3  }
0x257: {  	s18 =	sshll.u32 s16, $0x6;
	vm0 =	vgt.s32 v2, $0x0  }
0x258: {  	v1 =	vmov s18;
	v2 =	vnsel vm0, $0x0, v2  }
0x259: {  	v4 =	vadd.s32 v1, v2;
	_ =	sdelay $0x1  }
0x25a: {  	s16 =	sshll.u32 s16, $0x4  }
0x25b: {  	s22 =	sand.u32 $0x1F0, s16  }
0x25c: {  	v2 =	vld [tilespmem:s22+$0x9A80]  }
0x25d: {  	v5 =	vld.idx.msk [tilespmem:v4+s10+$0x0], $0xffff  }
0x25e: {  	s20 =	simm.s32 $0x80;
	s18 =	simm.s32 $0x10;
	s16 =	sshll.u32 s7, $0x1;
	v4 =	vld [tilespmem:s1+$0x1800]  }
.LBB2_18:
0x25f: {  	p3 =	sne.s32 s20, $0xFC0;
	v6 =	vld [tilespmem:s18+$0x800];
	_ =	sdelay $0x2  }
0x260: {  	v5 =	vmul.f32 $0.0e+00, v5  }
0x261: {  	vm0 =	vlt.u32 v3, $0x7A100;
	vm1 =	vgt.s32 v3, $0xF41FF  }
0x262: {  	v4 =	vnsel vm0, $0x0, v4;
	v5 =	vnsel vm1, $0x0, v5;
	v7 =	vadd.s32 $0xFFF0BE00, v6;
	v8 =	vld [tilespmem:s1+$0x1C00];
	v3 =	vmovc v6  }
0x263: {  	v4 =	vadd.f32 v5, v4;
	vm0 =	vgt.s32 v7, $0x0  }
0x264: {  	v5 =	vnsel vm0, $0x0, v7  }
0x265: {  	v4 =	vmul.f32 v4, v2;
	v5 =	vadd.s32 v1, v5;
	_ =	sdelay $0x1  }
0x266: {  	v4 =	vadd.f32 v4, v8  }
.Ltmp8:
0x267: {  	(pc) =	sbr.rel @p3 .LBB2_18-.Ltmp8, $3  }
0x268: {  	[tilespmem:s1+$0x1C00] =	vst v4;
	s1 =	smov.u32 s18  }
0x269: {  	v5 =	vld.idx.msk [tilespmem:v5+s10+$0x0], $0xffff;
	_ =	sdelay $0x1  }
0x26a: {  	s18 =	sshra.s32 s20, $0x2;
	s20 =	sadd.s32 $0x40, s20;
	v4 =	vld [tilespmem:s1+$0x1800]  }
0x26b: {  	v6 =	vld [tilespmem:s18+$0x800];
	_ =	sdelay $0x2  }
0x26c: {  	v5 =	vmul.f32 $0.0e+00, v5  }
0x26d: {  	vm0 =	vlt.u32 v3, $0x7A100;
	vm1 =	vgt.s32 v3, $0xF41FF  }
0x26e: {  	v7 =	vld [tilespmem:s1+$0x1C00];
	v4 =	vnsel vm0, $0x0, v4;
	v5 =	vnsel vm1, $0x0, v5;
	v3 =	vadd.s32 $0xFFF0BE00, v6  }
0x26f: {  	v4 =	vadd.f32 v5, v4;
	vm12 =	vgt.s32 v3, $0x0  }
0x270: {  	v3 =	vnsel vm12, $0x0, v3  }
0x271: {  	v4 =	vmul.f32 v4, v2;
	v3 =	vadd.s32 v1, v3;
	_ =	sdelay $0x1  }
0x272: {  	v4 =	vadd.f32 v4, v7;
	_ =	sdelay $0x1  }
0x273: {  	[tilespmem:s1+$0x1C00] =	vst v4  }
0x274: {  	v3 =	vld.idx.msk [tilespmem:v3+s10+$0x0], $0xffff;
	_ =	sdelay $0x1  }
0x275: {  	v4 =	vld [tilespmem:s18+$0x1800];
	_ =	sdelay $0x2  }
0x276: {  	v3 =	vmul.f32 $0.0e+00, v3  }
0x277: {  	vm13 =	vlt.u32 v6, $0x7A100;
	vm14 =	vgt.s32 v6, $0xF41FF  }
0x278: {  	v5 =	vld [tilespmem:s18+$0x1C00];
	v4 =	vnsel vm13, $0x0, v4;
	v3 =	vnsel vm14, $0x0, v3  }
0x279: {  	v3 =	vadd.f32 v3, v4;
	_ =	sdelay $0x1  }
0x27a: {  	p3 =	seq.s32 @p1 s7, $0xF;
	v2 =	vmul.f32 v3, v2  }
0x27b: {  	p3 =	por p3, !p1  }
0x27c: {  	s1 =	sadd.s32 @!p3 $0x2, s16;
	v2 =	vadd.f32 v2, v5  }
0x27d: {  	s16 =	sshrl.u32 @!p3 s1, $0x1  }
0x27e: {  	s16 =	sadd.s32 @!p3 s0, s16;
	[tilespmem:s18+$0x1C00] =	vst v2;
	s18 =	simm.s32 @p1 $0x3  }
0x27f: {  	s16 =	sshrl.u32 @!p3 s16, $0x3;
	_ =	swait.ge @p1 [sflag:s18], $0xF420  }
0x280: {  	s1 =	sshll.u32 @!p3 s1, $0x6;
	s16 =	smul.u32 @!p3 $0x7A1400, s16;
	[sflag:s18] =	ssyncset.done @p1 $0x0  }
0x281: {  	s20 =	simm.s32 @!p3 $0x10;
	s1 =	sand.u32 @!p3 $0x380, s1;
	[sflag:s18] =	ssyncadd.s32 @p1 $0xFFFF0BE0  }
0x282: {  	s23 =	simm.s32 @!p3 $0x80;
	s1 =	sor.u32 @!p3 s1, s16;
	[bflag:$0x0] =	sbarrier.arrive @p1 $0xFFFF  }
0x283: {  	s25 =	simm.s32 @!p3 $0x1C02;
	s1 =	sshrl.u32 @!p3 s1, $0x3;
	s16 =	rddreg [dreg:$0x6]  }
0x284: {  	s18 =	simm.s32 @!p3 $0x1;
	s1 =	sadd.s32 @!p3 s16, s1;
	s16 =	sshrl.u32 @!p3 s4, $0x3  }
0x285: {  	[spmem:s16@s20], [sflag:s25] =	dma.strided @!p3 [hbm:s1@s23], $0xF420, s18, $0x10   }
0x286: {  	s20 =	simm.s32 $0x1400;
	[bflag:$0x0] =	sbarrier.arrive @!p1 $0xFFFF  }
0x287: {  	[tilespmem:s15], [sflag:$0x1] =	stream.indirect.gather [spmem:s5], $0x1, s20, s11, $0xb8;
	[tilespmem:$0x191A0] =	vst v63  }
0x288: {  	s23 =	simm.s32 $0x1480  }
0x289: {  	[tilespmem:s17], [sflag:$0x1] =	stream.indirect.gather [spmem:s5], $0x1, s23, s11, $0xb8;
	[tilespmem:$0x191A0] =	vst v63  }
0x28a: {  	s25 =	simm.s32 $0x1500  }
0x28b: {  	[tilespmem:s19], [sflag:$0x1] =	stream.indirect.gather [spmem:s5], $0x1, s25, s11, $0xb8;
	[tilespmem:$0x191A0] =	vst v63  }
0x28c: {  	s16 =	simm.s32 $0x1580  }
0x28d: {  	[tilespmem:s21], [sflag:$0x1] =	stream.indirect.gather [spmem:s5], $0x1, s16, s11, $0xb8;
	[tilespmem:$0x191A0] =	vst v63  }
0x28e: {  	s18 =	simm.s32 $0x1600  }
0x28f: {  	[tilespmem:s24], [sflag:$0x1] =	stream.indirect.gather [spmem:s5], $0x1, s18, s11, $0xb8;
	[tilespmem:$0x191A0] =	vst v63  }
0x290: {  	s20 =	simm.s32 $0x1680  }
0x291: {  	[tilespmem:s26], [sflag:$0x1] =	stream.indirect.gather [spmem:s5], $0x1, s20, s11, $0xb8;
	[tilespmem:$0x191A0] =	vst v63  }
0x292: {  	s23 =	simm.s32 $0x1700  }
0x293: {  	[tilespmem:s29], [sflag:$0x1] =	stream.indirect.gather [spmem:s5], $0x1, s23, s11, $0xb8;
	[tilespmem:$0x191A0] =	vst v63  }
0x294: {  	s25 =	simm.s32 $0x1780  }
0x295: {  	[tilespmem:s31], [sflag:$0x1] =	stream.indirect.gather [spmem:s5], $0x1, s25, s11, $0xb8;
	[tilespmem:$0x191A0] =	vst v63  }
0x296: {  	_ =	swait.ge [sflag:s12], $0x80  }
0x297: {  	[sflag:s12] =	ssyncset.done $0x0  }
0x298: {  	[sflag:s12] =	ssyncadd.s32 $0xFFFFFF80  }
0x299: {  	_ =	swait.ge [sflag:s12], $0x80  }
0x29a: {  	[sflag:s12] =	ssyncset.done $0x0  }
0x29b: {  	[sflag:s12] =	ssyncadd.s32 $0xFFFFFF80  }
0x29c: {  	_ =	swait.ge [sflag:s12], $0x80  }
0x29d: {  	[sflag:s12] =	ssyncset.done $0x0  }
0x29e: {  	[sflag:s12] =	ssyncadd.s32 $0xFFFFFF80  }
0x29f: {  	_ =	swait.ge [sflag:s12], $0x80  }
0x2a0: {  	[sflag:s12] =	ssyncset.done $0x0  }
0x2a1: {  	[sflag:s12] =	ssyncadd.s32 $0xFFFFFF80  }
0x2a2: {  	_ =	swait.ge [sflag:s12], $0x80  }
0x2a3: {  	[sflag:s12] =	ssyncset.done $0x0  }
0x2a4: {  	[sflag:s12] =	ssyncadd.s32 $0xFFFFFF80  }
0x2a5: {  	_ =	swait.ge [sflag:s12], $0x80  }
0x2a6: {  	[sflag:s12] =	ssyncset.done $0x0  }
0x2a7: {  	[sflag:s12] =	ssyncadd.s32 $0xFFFFFF80  }
0x2a8: {  	_ =	swait.ge [sflag:s12], $0x80  }
0x2a9: {  	[sflag:s12] =	ssyncset.done $0x0  }
0x2aa: {  	[sflag:s12] =	ssyncadd.s32 $0xFFFFFF80  }
0x2ab: {  	_ =	swait.ge [sflag:s12], $0x80  }
0x2ac: {  	[sflag:s12] =	ssyncset.done $0x0  }
0x2ad: {  	s16 =	simm.s32 $0x0;
	[sflag:s12] =	ssyncadd.s32 $0xFFFFFF80  }
0x2ae: {  	v3 =	vld [tilespmem:s16+$0x800];
	_ =	sdelay $0x4  }
0x2af: {  	v2 =	vadd.s32 $0xFFF0BE00, v3  }
0x2b0: {  	vm15 =	vgt.s32 v2, $0x0  }
0x2b1: {  	v2 =	vnsel vm15, $0x0, v2  }
0x2b2: {  	v5 =	vadd.s32 v1, v2;
	_ =	sdelay $0x2  }
0x2b3: {  	v4 =	vld [tilespmem:s16+$0x1800]  }
0x2b4: {  	v2 =	vld [tilespmem:s22+$0x9A80]  }
0x2b5: {  	s1 =	simm.s32 $0x10;
	s18 =	simm.s32 $0x80;
	v5 =	vld.idx.msk [tilespmem:v5+s10+$0x0], $0xffff  }
.LBB2_20:
0x2b6: {  	p3 =	sne.s32 s18, $0xFC0;
	v6 =	vld [tilespmem:s1+$0x800];
	_ =	sdelay $0x2  }
0x2b7: {  	v7 =	vadd.s32 $0xFFF85F00, v3  }
0x2b8: {  	vm1 =	vgt.s32 v3, $0xF41FF;
	vm0 =	vlt.u32 v7, $0x7A100  }
0x2b9: {  	v4 =	vnsel vm0, $0x0, v4;
	v5 =	vnsel vm1, $0x0, v5;
	v7 =	vadd.s32 $0xFFF0BE00, v6;
	v8 =	vld [tilespmem:s16+$0x1C00];
	v3 =	vmovc v6  }
0x2ba: {  	v4 =	vadd.f32 v4, v5;
	vm0 =	vgt.s32 v7, $0x0  }
0x2bb: {  	v5 =	vnsel vm0, $0x0, v7  }
0x2bc: {  	v4 =	vmul.f32 v4, v2;
	v5 =	vadd.s32 v1, v5  }
.Ltmp9:
0x2bd: {  	(pc) =	sbr.rel @p3 .LBB2_20-.Ltmp9, $3  }
0x2be: {  	v6 =	vadd.f32 v4, v8;
	_ =	sdelay $0x1  }
0x2bf: {  	v4 =	vld [tilespmem:s1+$0x1800];
	[tilespmem:s16+$0x1C00] =	vst v6;
	s16 =	smov.u32 s1  }
0x2c0: {  	s1 =	sshra.s32 s18, $0x2;
	s18 =	sadd.s32 $0x40, s18;
	v5 =	vld.idx.msk [tilespmem:v5+s10+$0x0], $0xffff  }
0x2c1: {  	v6 =	vld [tilespmem:s1+$0x800];
	_ =	sdelay $0x2  }
0x2c2: {  	v7 =	vadd.s32 $0xFFF85F00, v3  }
0x2c3: {  	vm1 =	vgt.s32 v3, $0xF41FF;
	vm0 =	vlt.u32 v7, $0x7A100  }
0x2c4: {  	v61 =	vld [tilespmem:s16+$0x1C00];
	v4 =	vnsel vm0, $0x0, v4;
	v5 =	vnsel vm1, $0x0, v5;
	v3 =	vadd.s32 $0xFFF0BE00, v6  }
0x2c5: {  	v4 =	vadd.f32 v4, v5;
	vm13 =	vgt.s32 v3, $0x0  }
0x2c6: {  	v3 =	vnsel vm13, $0x0, v3  }
0x2c7: {  	v1 =	vadd.s32 v1, v3;
	v3 =	vmul.f32 v4, v2;
	_ =	sdelay $0x1  }
0x2c8: {  	v3 =	vadd.f32 v3, v61;
	_ =	sdelay $0x1  }
0x2c9: {  	v62 =	vld [tilespmem:s1+$0x1800];
	[tilespmem:s16+$0x1C00] =	vst v3  }
0x2ca: {  	v1 =	vld.idx.msk [tilespmem:v1+s10+$0x0], $0xffff;
	_ =	sdelay $0x2  }
0x2cb: {  	v3 =	vadd.s32 $0xFFF85F00, v6  }
0x2cc: {  	vm15 =	vgt.s32 v6, $0xF41FF;
	vm14 =	vlt.u32 v3, $0x7A100  }
0x2cd: {  	v63 =	vld [tilespmem:s1+$0x1C00];
	v3 =	vnsel vm14, $0x0, v62;
	v1 =	vnsel vm15, $0x0, v1  }
0x2ce: {  	s7 =	sadd.s32 $0x1, s7;
	v1 =	vadd.f32 v3, v1  }
0x2cf: {  	p3 =	sne.s32 s7, $0x10  }
.Ltmp10:
0x2d0: {  	v1 =	vmul.f32 v1, v2;
	(pc) =	sbr.rel @p3 .LBB2_17-.Ltmp10, $3  }
0x2d1: {  	_ = 	snop  }
0x2d2: {  	v1 =	vadd.f32 v1, v63;
	_ =	sdelay $0x1  }
0x2d3: {  	[tilespmem:s1+$0x1C00] =	vst v1  }
0x2d4: {  	s16 =	simm.s32 $0x0  }
0x2d5: {  	s1 =	rddreg [dreg:$0x1c];
	s2 =	simm.s32 $0x1C00;
	s23 =	simm.s32 $0x4  }
0x2d6: {  	[hbm4b:s1+s16] =	stream.linear.scatter [tilespmem:s2], [sflag:$0x4], $0x400, $0x38;
	[tilespmem:$0x191A0] =	vst v63  }
0x2d7: {  	_ =	swait.ge [sflag:s23], $0x400  }
0x2d8: {  	s3 =	sld [smem:$0x7F9];
	_ =	sdelay $0x2  }
0x2d9: {  	s25 =	rddreg [dreg:$0x1d];
	s3 =	sadd.s32 $0x1, s3  }
0x2da: {  	p3 =	sne.s32 s3, s25  }
.Ltmp11:
0x2db: {  	_ = 	snop;
	(pc) =	sbr.rel @p3 .LBB2_1-.Ltmp11, $3  }
0x2dc: {  	_ =	sdelay $0x1  }
0x2dd: {  	[sflag:s23] =	ssyncset.done $0x0  }
0x2de: {  	[sflag:s23] =	ssyncadd.s32 $0xFFFFFC00  }
0x2df: {  	_ =	sfence.sel $0x180000  }
0x2e0: {  	[bflag:$0x0] =	sbarrier.arrive $0xFFFF  }
0x2e1: {  	_ =	strace $0x90000047  }
0x2e2: {  	[bflag:$0x2] =	sbarrier.arrive $0xFFFF  }
0x2e3: {  	s0 =	rddreg [dreg:$0xa]  }
0x2e4: {  	s0 =	sadd.s32 @!p0 $0x100000, s0  }
0x2e5: {  	[sflag:s0] =	ssyncadd.tile.s32 @!p0 $0x1;
	_ =	shalt  }
.Lfunc_end2:
_tile_overlayer_lowered:
.L_overlay_start_2:
0x2e6: {  	(tag) =	ssettag $0x2  }
0x2e7: {  	s0 =	rddreg [dreg:$0x0];
	s2 =	stileid.u32  }
0x2e8: {  	s1 =	rddreg [dreg:$0x1];
	p0 =	sne.s32 s2, $0x0  }
0x2e9: {  	s3 =	rddreg [dreg:$0x2];
	[bflag:$0x3] =	sbarrier.arrive $0xFFFF;
	s2 =	simm.s32 @!p0 $0x1C04  }
0x2ea: {  	[timem:s3], [sflag:s2] =	dma.local @!p0 [hbm:s0], s1  }
0x2eb: {  	s0 =	simm.s32 @!p0 $0x4  }
0x2ec: {  	_ =	swait.ge @!p0 [sflag:s0], s1  }
0x2ed: {  	s1 =	ssub.s32 @!p0 $0x0, s1;
	[sflag:s0] =	ssyncset.done @!p0 $0x0  }
0x2ee: {  	[sflag:s0] =	ssyncadd.s32 @!p0 s1  }
0x2ef: {  	[bflag:$0x3] =	sbarrier.arrive $0xFFFF  }
0x2f0: {  	_ =	shalt  }

</sc_bundles>
